<compile_context>
chip_gen: v7x
topology: tpu7x:2x2x1
jax: 0.10.2.dev20260603
libtpu: 0.0.44.dev20260713+nightly
codegen_flags: <defaults>
</compile_context>

<pallas_src>
import functools

import jax
import jax.numpy as jnp
from jax import lax
from jax.experimental import pallas as pl
from jax.experimental.pallas import tpu as pltpu
from jax.experimental.pallas import tpu_sc as plsc

N = 10000
R = 10112
ROW_BLK = 200
NC = 2
NS = 16
B = 120
D = 128
AGG_FRAC0 = 0.82
NBUF = 3



def _make_deg(e_pad):
  per_tile = e_pad // (NC * NS)
  batches = per_tile // B
  rps = R // NS
  mesh = plsc.VectorSubcoreMesh(core_axis_name="c", subcore_axis_name="s")

  @functools.partial(
      pl.kernel, mesh=mesh,
      out_type=[jax.ShapeDtypeStruct((R, D), jnp.float32),
                jax.ShapeDtypeStruct((R, D), jnp.float32)],
      scratch_types=[
          pltpu.VMEM((2, B), jnp.int32),
          pltpu.VMEM((B, D), jnp.float32),
          pltpu.VMEM_SHARED((R, D), jnp.float32),
          pltpu.SemaphoreType.DMA,
          pltpu.SemaphoreType.DMA,
      ],
  )
  def deg_kernel(dst_hbm, zero_hbm, ones_hbm, out_a, out_b, dst_v, ones_v,
                 acc_sh, dsem0, dsem1):
    c = lax.axis_index("c")
    s = lax.axis_index("s")
    wid = s * NC + c
    r0 = s * rps
    dsems = (dsem0, dsem1)
    pltpu.sync_copy(ones_hbm, ones_v)
    pltpu.sync_copy(zero_hbm.at[pl.ds(r0, rps)], acc_sh.at[pl.ds(r0, rps)])
    plsc.subcore_barrier()
    base = wid * per_tile

    def load(i, slot):
      pltpu.async_copy(dst_hbm.at[pl.ds(base + i * B, B)], dst_v.at[slot],
                       dsems[slot])

    load(0, 0)
    load(1, 1)

    def body(g, carry):
      for b in (0, 1):
        i = 2 * g + b
        pltpu.make_async_copy(dst_hbm.at[pl.ds(base + i * B, B)],
                              dst_v.at[b], dsems[b]).wait()
        pltpu.sync_copy(ones_v, acc_sh.at[dst_v.at[b]], add=True)

        @pl.when(i + 2 < batches)
        def _():
          load(i + 2, b)
      return carry

    lax.fori_loop(0, batches // 2, body, 0)
    if batches % 2:
      i = batches - 1
      pltpu.make_async_copy(dst_hbm.at[pl.ds(base + i * B, B)],
                            dst_v.at[i % 2], dsems[i % 2]).wait()
      pltpu.sync_copy(ones_v, acc_sh.at[dst_v.at[i % 2]], add=True)
    plsc.subcore_barrier()

    @pl.when(c == 0)
    def _():
      pltpu.sync_copy(acc_sh.at[pl.ds(r0, rps)], out_a.at[pl.ds(r0, rps)])

    @pl.when(c == 1)
    def _():
      pltpu.sync_copy(acc_sh.at[pl.ds(r0, rps)], out_b.at[pl.ds(r0, rps)])

  return deg_kernel


def _make_agg(e_pad, frac0=0.5):
  total_b = e_pad // (NS * B)
  nb0 = max(NBUF, int(round(total_b * frac0 / NBUF)) * NBUF)
  nb1 = total_b - nb0
  rps = R // NS
  mesh = plsc.VectorSubcoreMesh(core_axis_name="c", subcore_axis_name="s")

  @functools.partial(
      pl.kernel, mesh=mesh,
      out_type=[jax.ShapeDtypeStruct((R, D), jnp.float32),
                jax.ShapeDtypeStruct((R, D), jnp.float32)],
      scratch_types=[
          pltpu.VMEM((NBUF, 2, B), jnp.int32),
          pltpu.VMEM((NBUF, B, D), jnp.float32),
          pltpu.VMEM_SHARED((R, D), jnp.float32),
      ] + [pltpu.SemaphoreType.DMA] * NBUF,
  )
  def agg_kernel(g_hbm, sd_hbm, zero_hbm, out_a, out_b,
                 sd_v, rows_v, acc_sh, *sems):
    c = lax.axis_index("c")
    s = lax.axis_index("s")
    r0 = s * rps
    pltpu.sync_copy(zero_hbm.at[pl.ds(r0, rps)], acc_sh.at[pl.ds(r0, rps)])
    plsc.subcore_barrier()
    nb = jnp.where(c == 0, nb0, nb1)
    bbase = jnp.where(c == 0, s * nb0, NS * nb0 + s * nb1)

    def prefetch(i, slot):
      pltpu.sync_copy(sd_hbm.at[bbase + i], sd_v.at[slot])
      pltpu.async_copy(g_hbm.at[sd_v.at[slot, 0]], rows_v.at[slot],
                       sems[slot])

    for b in range(NBUF - 1):
      @pl.when(b < nb)
      def _(b=b):
        prefetch(b, b)

    def round_body(g, carry):
      for b in range(NBUF):
        i = NBUF * g + b
        nxt = i + (NBUF - 1)

        @pl.when(nxt < nb)
        def _():
          prefetch(nxt, (b + NBUF - 1) % NBUF)

        pltpu.make_async_copy(g_hbm.at[sd_v.at[b, 0]], rows_v.at[b],
                              sems[b]).wait()
        pltpu.sync_copy(rows_v.at[b], acc_sh.at[sd_v.at[b, 1]], add=True)
      return carry

    lax.fori_loop(0, nb // NBUF, round_body, 0)
    plsc.subcore_barrier()

    @pl.when(c == 0)
    def _():
      pltpu.sync_copy(acc_sh.at[pl.ds(r0, rps)], out_a.at[pl.ds(r0, rps)])

    @pl.when(c == 1)
    def _():
      pltpu.sync_copy(acc_sh.at[pl.ds(r0, rps)], out_b.at[pl.ds(r0, rps)])

  return agg_kernel



def _tc1_body(da_ref, db_ref, x_ref, w1_ref, g1_ref, dinv_ref):
  deg = da_ref[:, 0:1] + db_ref[:, 0:1] + 1.0
  dinv = lax.rsqrt(deg)
  h = jnp.dot(x_ref[...], w1_ref[...], preferred_element_type=jnp.float32)
  g1_ref[...] = h * dinv
  dinv_ref[...] = jnp.broadcast_to(dinv, (ROW_BLK, 128))


def _tc2_body(aa_ref, ab_ref, g1_ref, dinv_ref, b1_ref, w2_ref, g2_ref):
  dinv = dinv_ref[:, 0:1]
  s = dinv * (aa_ref[...] + ab_ref[...] + g1_ref[...]) + b1_ref[...]
  o = jnp.maximum(s, 0.0)
  h2 = jnp.dot(o, w2_ref[...], preferred_element_type=jnp.float32)
  g2_ref[...] = jnp.concatenate(
      [h2 * dinv, jnp.zeros((ROW_BLK, 64), jnp.float32)], axis=1)


def _tc3_body(aa_ref, ab_ref, g2_ref, dinv_ref, b2_ref, out_ref):
  dinv = dinv_ref[:, 0:1]
  z = dinv * (aa_ref[:, :64] + ab_ref[:, :64] + g2_ref[:, :64]) + b2_ref[...]
  m = jnp.max(z, axis=1, keepdims=True)
  lse = jnp.log(jnp.sum(jnp.exp(z - m), axis=1, keepdims=True)) + m
  out_ref[...] = z - lse


def _row_spec(d, off_blocks=0):
  return pl.BlockSpec((ROW_BLK, d), lambda i, o=off_blocks: (i + o, 0))


def _full_spec(r, c):
  return pl.BlockSpec((r, c), lambda i: (0, 0))



def kernel(x, edge_index, W1, b1, W2, b2):
  e = edge_index.shape[1]
  e_pad = -(-e // (NS * B * NBUF * 2)) * (NS * B * NBUF * 2)
  src = edge_index[0].astype(jnp.int32)
  dst = edge_index[1].astype(jnp.int32)
  pad = e_pad - e
  src_p = jnp.concatenate([src, jnp.zeros((pad,), jnp.int32)])
  dst_p = jnp.concatenate([dst, jnp.full((pad,), N, jnp.int32)])

  z128 = jnp.zeros((R, D), jnp.float32)
  ones128 = jnp.ones((B, D), jnp.float32)

  dga, dgb = _make_deg(e_pad)(dst_p, z128, ones128)

  grid = (N // ROW_BLK,)
  g1, dinv = pl.pallas_call(
      _tc1_body,
      grid=grid,
      in_specs=[_row_spec(D), _row_spec(D),
                _row_spec(128), _full_spec(128, 128)],
      out_specs=[_row_spec(128), _row_spec(128)],
      out_shape=[jax.ShapeDtypeStruct((N, 128), jnp.float32),
                 jax.ShapeDtypeStruct((N, 128), jnp.float32)],
  )(dga, dgb, x, W1)

  sd = jnp.concatenate([src_p.reshape(-1, 1, B), dst_p.reshape(-1, 1, B)],
                       axis=1)
  a1a, a1b = _make_agg(e_pad, AGG_FRAC0)(g1, sd, z128)

  g2 = pl.pallas_call(
      _tc2_body,
      grid=grid,
      in_specs=[_row_spec(D), _row_spec(D), _row_spec(128),
                _row_spec(128), _full_spec(1, 128), _full_spec(128, 64)],
      out_specs=_row_spec(128),
      out_shape=jax.ShapeDtypeStruct((N, 128), jnp.float32),
  )(a1a, a1b, g1, dinv, b1.reshape(1, 128), W2)

  a2a, a2b = _make_agg(e_pad, AGG_FRAC0)(g2, sd, z128)

  out = pl.pallas_call(
      _tc3_body,
      grid=grid,
      in_specs=[_row_spec(D), _row_spec(D), _row_spec(128),
                _row_spec(128), _full_spec(1, 64)],
      out_specs=_row_spec(64),
      out_shape=jax.ShapeDtypeStruct((N, 64), jnp.float32),
  )(a2a, a2b, g2, dinv, b2.reshape(1, 64))

  return out

# --- scband reference (transcript-rebuilt; emitter-appended) ---
"""Pipeline reference for scband-net-65446711657118 (READ-ONLY COPY).

The authoritative reference and input builder live on the scoring server;
editing this copy changes nothing except your own understanding.
"""

import jax, jax.numpy as jnp
import numpy as np

N_NODES = 10000


def gcn_conv(x, edge_index, W, b, n_nodes):
    # PyG GCNConv: add self-loops, symmetric normalization D^-1/2 (A+I) D^-1/2 X W + b
    src = edge_index[0]
    dst = edge_index[1]
    loop = jnp.arange(n_nodes, dtype=edge_index.dtype)
    src = jnp.concatenate([src, loop])
    dst = jnp.concatenate([dst, loop])
    h = x @ W
    ones = jnp.ones(src.shape[0], dtype=h.dtype)
    deg = jax.ops.segment_sum(ones, dst, num_segments=n_nodes)
    deg_inv_sqrt = jnp.where(deg > 0, deg ** -0.5, 0.0)
    norm = deg_inv_sqrt[src] * deg_inv_sqrt[dst]
    msg = h[src] * norm[:, None]
    out = jax.ops.segment_sum(msg, dst, num_segments=n_nodes)
    return out + b


def setup_inputs(seed: int = 0) -> dict:
    key = jax.random.key(seed)
    k1, k2, k3, k4 = jax.random.split(key, 4)
    x = jax.random.normal(k1, (N_NODES, 128), dtype=jnp.float32)
    edge_index = jax.random.randint(k2, (2, 320000), 0, N_NODES, dtype=jnp.int64)
    W1 = jax.random.normal(k3, (128, 128), dtype=jnp.float32) * 0.05
    b1 = jnp.zeros((128,), dtype=jnp.float32)
    W2 = jax.random.normal(k4, (128, 64), dtype=jnp.float32) * 0.05
    b2 = jnp.zeros((64,), dtype=jnp.float32)
    return {"x": x, "edge_index": edge_index, "W1": W1, "b1": b1, "W2": W2, "b2": b2}


def reference(x, edge_index, W1, b1, W2, b2):
    # CRD: relu(GCNConv(x)); dropout is identity in eval mode
    h = gcn_conv(x, edge_index, W1, b1, N_NODES)
    h = jax.nn.relu(h)
    # CLS: log_softmax(GCNConv(h))
    out = gcn_conv(h, edge_index, W2, b2, N_NODES)
    out = jax.nn.log_softmax(out, axis=1)
    return out

if __name__ == "__main__":
    import jax
    _d = setup_inputs()
    print(jax.jit(kernel)(*tuple(_d.values())))

</pallas_src>

<mosaic_0001>
#map = affine_map<(d0, d1) -> (0, 0)>
#map1 = affine_map<(d0, d1) -> (0, 0, 0)>
module attributes {stable_mosaic.version = 14 : i64} {
  func.func @agg_kernel(%arg0: i32, %arg1: i32, %arg2: memref<10000x128xf32, #tpu.memory_space<hbm>>, %arg3: memref<2688x2x120xi32, #tpu.memory_space<hbm>>, %arg4: memref<10112x128xf32, #tpu.memory_space<hbm>>, %arg5: memref<10112x128xf32, #tpu.memory_space<hbm>>, %arg6: memref<10112x128xf32, #tpu.memory_space<hbm>>, %arg7: memref<3x2x120xi32, #tpu.memory_space<vmem>>, %arg8: memref<3x120x128xf32, #tpu.memory_space<vmem>>, %arg9: memref<10112x128xf32, #tpu.memory_space<vmem_shared>>, %arg10: memref<!tpu.dma_semaphore, #tpu.memory_space<semaphore_mem>>, %arg11: memref<!tpu.dma_semaphore, #tpu.memory_space<semaphore_mem>>, %arg12: memref<!tpu.dma_semaphore, #tpu.memory_space<semaphore_mem>>) attributes {dimension_semantics = [#tpu.dimension_semantics<core_parallel>, #tpu.dimension_semantics<subcore_parallel>], iteration_bounds = array<i64: 2, 16>, scalar_prefetch = 0 : i64, scratch_operands = 6 : i64, tpu.core_type = #tpu.core_type<sc_vector_subcore>, window_params = [{transform_indices = #map}, {transform_indices = #map1}, {transform_indices = #map}, {transform_indices = #map}, {transform_indices = #map}]} {
    %mul3A = arith.constant 632 : i32
    %mul3A_0 = arith.muli %arg1, %mul3A : i32
    "tpu.region"() ({
      %run_scoped3A = tpu.sem_alloc : memref<!tpu.dma_semaphore, #tpu.memory_space<semaphore_mem>>
      %dma_start3A = arith.constant 0 : i32
      %dma_start3A_56 = tpu.memref_slice %arg9[%mul3A_0, %dma_start3A] : memref<10112x128xf32, #tpu.memory_space<vmem_shared>> -> memref<632x128xf32, #tpu.memory_space<vmem_shared>>
      %dma_start3A_57 = arith.constant 0 : i32
      %dma_start3A_58 = tpu.memref_slice %arg4[%mul3A_0, %dma_start3A_57] : memref<10112x128xf32, #tpu.memory_space<hbm>> -> memref<632x128xf32, #tpu.memory_space<hbm>>
      tpu.enqueue_dma source(%dma_start3A_58 : memref<632x128xf32, #tpu.memory_space<hbm>>) target(%dma_start3A_56 : memref<632x128xf32, #tpu.memory_space<vmem_shared>>) target_semaphore(%run_scoped3A : memref<!tpu.dma_semaphore, #tpu.memory_space<semaphore_mem>>)
      %dma_wait3A = arith.constant 0 : i32
      %dma_wait3A_59 = tpu.memref_slice %arg9[%mul3A_0, %dma_wait3A] : memref<10112x128xf32, #tpu.memory_space<vmem_shared>> -> memref<632x128xf32, #tpu.memory_space<vmem_shared>>
      %dma_wait3A_60 = arith.constant 0 : i32
      %dma_wait3A_61 = tpu.memref_slice %arg4[%mul3A_0, %dma_wait3A_60] : memref<10112x128xf32, #tpu.memory_space<hbm>> -> memref<632x128xf32, #tpu.memory_space<hbm>>
      tpu.wait_dma2 semaphore(%run_scoped3A : memref<!tpu.dma_semaphore, #tpu.memory_space<semaphore_mem>>) src(%dma_wait3A_61 : memref<632x128xf32, #tpu.memory_space<hbm>>) dst(%dma_wait3A_59 : memref<632x128xf32, #tpu.memory_space<vmem_shared>>)
      tpu.yield
    }) : () -> ()
    %barrier3A = arith.constant 0 : index
    tpu.barrier barrier_id(%barrier3A)
    %eq3A = arith.constant 0 : i32
    %eq3A_1 = arith.cmpi eq, %arg0, %eq3A : i32
    %jit3A = arith.constant 138 : i32
    %jit3A_2 = arith.constant 30 : i32
    %select_n3A = arith.select %eq3A_1, %jit3A, %jit3A_2 : i32
    %eq3A_3 = arith.constant 0 : i32
    %eq3A_4 = arith.cmpi eq, %arg0, %eq3A_3 : i32
    %mul3A_5 = arith.constant 138 : i32
    %mul3A_6 = arith.muli %arg1, %mul3A_5 : i32
    %mul3A_7 = arith.constant 30 : i32
    %mul3A_8 = arith.muli %arg1, %mul3A_7 : i32
    %add3A = arith.constant 2208 : i32
    %add3A_9 = arith.addi %add3A, %mul3A_8 : i32
    %select_n3A_10 = arith.select %eq3A_4, %mul3A_6, %add3A_9 : i32
    %gt3A = arith.constant 0 : i32
    %gt3A_11 = arith.cmpi sgt, %select_n3A, %gt3A : i32
    %convert_element_type3A = arith.extui %gt3A_11 : i1 to i32
    %cond3A = arith.constant 0 : i32
    %cond3A_12 = arith.cmpi ne, %convert_element_type3A, %cond3A : i32
    scf.if %cond3A_12 {
      %add3A_56 = arith.constant 0 : i32
      %add3A_57 = arith.addi %select_n3A_10, %add3A_56 : i32
      %run_scoped3A = arith.constant 0 : i32
      "tpu.region"() ({
        %run_scoped3A_70 = tpu.sem_alloc : memref<!tpu.dma_semaphore, #tpu.memory_space<semaphore_mem>>
        %dma_start3A_71 = arith.constant 0 : i32
        %dma_start3A_72 = arith.constant 0 : i32
        %dma_start3A_73 = tpu.memref_slice %arg7[%run_scoped3A, %dma_start3A_71, %dma_start3A_72] : memref<3x2x120xi32, #tpu.memory_space<vmem>> -> memref<1x2x120xi32, #tpu.memory_space<vmem>>
        %dma_start3A_74 = tpu.memref_squeeze %dma_start3A_73 : memref<1x2x120xi32, #tpu.memory_space<vmem>> -> memref<2x120xi32, #tpu.memory_space<vmem>>
        %dma_start3A_75 = arith.constant 0 : i32
        %dma_start3A_76 = arith.constant 0 : i32
        %dma_start3A_77 = tpu.memref_slice %arg3[%add3A_57, %dma_start3A_75, %dma_start3A_76] : memref<2688x2x120xi32, #tpu.memory_space<hbm>> -> memref<1x2x120xi32, #tpu.memory_space<hbm>>
        %dma_start3A_78 = tpu.memref_squeeze %dma_start3A_77 : memref<1x2x120xi32, #tpu.memory_space<hbm>> -> memref<2x120xi32, #tpu.memory_space<hbm>>
        %dma_start3A_79 = arith.constant 0 : i32
        %dma_start3A_80 = arith.constant 0 : i32
        %dma_start3A_81 = tpu.memref_slice %arg7[%run_scoped3A, %dma_start3A_79, %dma_start3A_80] : memref<3x2x120xi32, #tpu.memory_space<vmem>> -> memref<1x2x120xi32, #tpu.memory_space<vmem>>
        %dma_start3A_82 = tpu.memref_squeeze %dma_start3A_81 : memref<1x2x120xi32, #tpu.memory_space<vmem>> -> memref<2x120xi32, #tpu.memory_space<vmem>>
        %dma_start3A_83 = arith.constant 0 : i32
        %dma_start3A_84 = arith.constant 0 : i32
        %dma_start3A_85 = tpu.memref_slice %arg3[%add3A_57, %dma_start3A_83, %dma_start3A_84] : memref<2688x2x120xi32, #tpu.memory_space<hbm>> -> memref<1x2x120xi32, #tpu.memory_space<hbm>>
        %dma_start3A_86 = tpu.memref_squeeze %dma_start3A_85 : memref<1x2x120xi32, #tpu.memory_space<hbm>> -> memref<2x120xi32, #tpu.memory_space<hbm>>
        tpu.enqueue_dma source(%dma_start3A_86 : memref<2x120xi32, #tpu.memory_space<hbm>>) target(%dma_start3A_82 : memref<2x120xi32, #tpu.memory_space<vmem>>) target_semaphore(%run_scoped3A_70 : memref<!tpu.dma_semaphore, #tpu.memory_space<semaphore_mem>>)
        %dma_wait3A = arith.constant 0 : i32
        %dma_wait3A_87 = arith.constant 0 : i32
        %dma_wait3A_88 = tpu.memref_slice %arg7[%run_scoped3A, %dma_wait3A, %dma_wait3A_87] : memref<3x2x120xi32, #tpu.memory_space<vmem>> -> memref<1x2x120xi32, #tpu.memory_space<vmem>>
        %dma_wait3A_89 = tpu.memref_squeeze %dma_wait3A_88 : memref<1x2x120xi32, #tpu.memory_space<vmem>> -> memref<2x120xi32, #tpu.memory_space<vmem>>
        %dma_wait3A_90 = arith.constant 0 : i32
        %dma_wait3A_91 = arith.constant 0 : i32
        %dma_wait3A_92 = tpu.memref_slice %arg3[%add3A_57, %dma_wait3A_90, %dma_wait3A_91] : memref<2688x2x120xi32, #tpu.memory_space<hbm>> -> memref<1x2x120xi32, #tpu.memory_space<hbm>>
        %dma_wait3A_93 = tpu.memref_squeeze %dma_wait3A_92 : memref<1x2x120xi32, #tpu.memory_space<hbm>> -> memref<2x120xi32, #tpu.memory_space<hbm>>
        %dma_wait3A_94 = arith.constant 0 : i32
        %dma_wait3A_95 = arith.constant 0 : i32
        %dma_wait3A_96 = tpu.memref_slice %arg7[%run_scoped3A, %dma_wait3A_94, %dma_wait3A_95] : memref<3x2x120xi32, #tpu.memory_space<vmem>> -> memref<1x2x120xi32, #tpu.memory_space<vmem>>
        %dma_wait3A_97 = tpu.memref_squeeze %dma_wait3A_96 : memref<1x2x120xi32, #tpu.memory_space<vmem>> -> memref<2x120xi32, #tpu.memory_space<vmem>>
        %dma_wait3A_98 = arith.constant 0 : i32
        %dma_wait3A_99 = arith.constant 0 : i32
        %dma_wait3A_100 = tpu.memref_slice %arg3[%add3A_57, %dma_wait3A_98, %dma_wait3A_99] : memref<2688x2x120xi32, #tpu.memory_space<hbm>> -> memref<1x2x120xi32, #tpu.memory_space<hbm>>
        %dma_wait3A_101 = tpu.memref_squeeze %dma_wait3A_100 : memref<1x2x120xi32, #tpu.memory_space<hbm>> -> memref<2x120xi32, #tpu.memory_space<hbm>>
        tpu.wait_dma2 semaphore(%run_scoped3A_70 : memref<!tpu.dma_semaphore, #tpu.memory_space<semaphore_mem>>) src(%dma_wait3A_101 : memref<2x120xi32, #tpu.memory_space<hbm>>) dst(%dma_wait3A_97 : memref<2x120xi32, #tpu.memory_space<vmem>>)
        tpu.yield
      }) : () -> ()
      %dma_start3A = arith.constant 0 : i32
      %dma_start3A_58 = arith.constant 0 : i32
      %dma_start3A_59 = arith.constant 0 : i32
      %dma_start3A_60 = arith.constant 0 : i32
      %dma_start3A_61 = arith.constant 0 : i32
      %dma_start3A_62 = tpu.memref_slice %arg8[%dma_start3A_59, %dma_start3A_60, %dma_start3A_61] : memref<3x120x128xf32, #tpu.memory_space<vmem>> -> memref<1x120x128xf32, #tpu.memory_space<vmem>>
      %dma_start3A_63 = tpu.memref_squeeze %dma_start3A_62 : memref<1x120x128xf32, #tpu.memory_space<vmem>> -> memref<120x128xf32, #tpu.memory_space<vmem>>
      %dma_start3A_64 = arith.constant 0 : i32
      %dma_start3A_65 = tpu.memref_slice %arg7[%dma_start3A, %dma_start3A_58, %dma_start3A_64] : memref<3x2x120xi32, #tpu.memory_space<vmem>> -> memref<1x1x120xi32, #tpu.memory_space<vmem>>
      %dma_start3A_66 = tpu.memref_squeeze %dma_start3A_65 : memref<1x1x120xi32, #tpu.memory_space<vmem>> -> memref<120xi32, #tpu.memory_space<vmem>>
      %dma_start3A_67 = arith.constant 0 : i32
      %dma_start3A_68 = arith.constant 0 : i32
      %dma_start3A_69 = tpu.memref_slice %arg2[%dma_start3A_67, %dma_start3A_68] : memref<10000x128xf32, #tpu.memory_space<hbm>> -> memref<10000x128xf32, #tpu.memory_space<hbm>>
      tpu.enqueue_indirect_dma source(%dma_start3A_69 : memref<10000x128xf32, #tpu.memory_space<hbm>>) target(%dma_start3A_63 : memref<120x128xf32, #tpu.memory_space<vmem>>) offsets(%dma_start3A_66 : memref<120xi32, #tpu.memory_space<vmem>>) semaphore(%arg10 : memref<!tpu.dma_semaphore, #tpu.memory_space<semaphore_mem>>)
    } else {
    }
    %gt3A_13 = arith.constant 1 : i32
    %gt3A_14 = arith.cmpi sgt, %select_n3A, %gt3A_13 : i32
    %convert_element_type3A_15 = arith.extui %gt3A_14 : i1 to i32
    %cond3A_16 = arith.constant 0 : i32
    %cond3A_17 = arith.cmpi ne, %convert_element_type3A_15, %cond3A_16 : i32
    scf.if %cond3A_17 {
      %add3A_56 = arith.constant 1 : i32
      %add3A_57 = arith.addi %select_n3A_10, %add3A_56 : i32
      %run_scoped3A = arith.constant 1 : i32
      "tpu.region"() ({
        %run_scoped3A_70 = tpu.sem_alloc : memref<!tpu.dma_semaphore, #tpu.memory_space<semaphore_mem>>
        %dma_start3A_71 = arith.constant 0 : i32
        %dma_start3A_72 = arith.constant 0 : i32
        %dma_start3A_73 = tpu.memref_slice %arg7[%run_scoped3A, %dma_start3A_71, %dma_start3A_72] : memref<3x2x120xi32, #tpu.memory_space<vmem>> -> memref<1x2x120xi32, #tpu.memory_space<vmem>>
        %dma_start3A_74 = tpu.memref_squeeze %dma_start3A_73 : memref<1x2x120xi32, #tpu.memory_space<vmem>> -> memref<2x120xi32, #tpu.memory_space<vmem>>
        %dma_start3A_75 = arith.constant 0 : i32
        %dma_start3A_76 = arith.constant 0 : i32
        %dma_start3A_77 = tpu.memref_slice %arg3[%add3A_57, %dma_start3A_75, %dma_start3A_76] : memref<2688x2x120xi32, #tpu.memory_space<hbm>> -> memref<1x2x120xi32, #tpu.memory_space<hbm>>
        %dma_start3A_78 = tpu.memref_squeeze %dma_start3A_77 : memref<1x2x120xi32, #tpu.memory_space<hbm>> -> memref<2x120xi32, #tpu.memory_space<hbm>>
        %dma_start3A_79 = arith.constant 0 : i32
        %dma_start3A_80 = arith.constant 0 : i32
        %dma_start3A_81 = tpu.memref_slice %arg7[%run_scoped3A, %dma_start3A_79, %dma_start3A_80] : memref<3x2x120xi32, #tpu.memory_space<vmem>> -> memref<1x2x120xi32, #tpu.memory_space<vmem>>
        %dma_start3A_82 = tpu.memref_squeeze %dma_start3A_81 : memref<1x2x120xi32, #tpu.memory_space<vmem>> -> memref<2x120xi32, #tpu.memory_space<vmem>>
        %dma_start3A_83 = arith.constant 0 : i32
        %dma_start3A_84 = arith.constant 0 : i32
        %dma_start3A_85 = tpu.memref_slice %arg3[%add3A_57, %dma_start3A_83, %dma_start3A_84] : memref<2688x2x120xi32, #tpu.memory_space<hbm>> -> memref<1x2x120xi32, #tpu.memory_space<hbm>>
        %dma_start3A_86 = tpu.memref_squeeze %dma_start3A_85 : memref<1x2x120xi32, #tpu.memory_space<hbm>> -> memref<2x120xi32, #tpu.memory_space<hbm>>
        tpu.enqueue_dma source(%dma_start3A_86 : memref<2x120xi32, #tpu.memory_space<hbm>>) target(%dma_start3A_82 : memref<2x120xi32, #tpu.memory_space<vmem>>) target_semaphore(%run_scoped3A_70 : memref<!tpu.dma_semaphore, #tpu.memory_space<semaphore_mem>>)
        %dma_wait3A = arith.constant 0 : i32
        %dma_wait3A_87 = arith.constant 0 : i32
        %dma_wait3A_88 = tpu.memref_slice %arg7[%run_scoped3A, %dma_wait3A, %dma_wait3A_87] : memref<3x2x120xi32, #tpu.memory_space<vmem>> -> memref<1x2x120xi32, #tpu.memory_space<vmem>>
        %dma_wait3A_89 = tpu.memref_squeeze %dma_wait3A_88 : memref<1x2x120xi32, #tpu.memory_space<vmem>> -> memref<2x120xi32, #tpu.memory_space<vmem>>
        %dma_wait3A_90 = arith.constant 0 : i32
        %dma_wait3A_91 = arith.constant 0 : i32
        %dma_wait3A_92 = tpu.memref_slice %arg3[%add3A_57, %dma_wait3A_90, %dma_wait3A_91] : memref<2688x2x120xi32, #tpu.memory_space<hbm>> -> memref<1x2x120xi32, #tpu.memory_space<hbm>>
        %dma_wait3A_93 = tpu.memref_squeeze %dma_wait3A_92 : memref<1x2x120xi32, #tpu.memory_space<hbm>> -> memref<2x120xi32, #tpu.memory_space<hbm>>
        %dma_wait3A_94 = arith.constant 0 : i32
        %dma_wait3A_95 = arith.constant 0 : i32
        %dma_wait3A_96 = tpu.memref_slice %arg7[%run_scoped3A, %dma_wait3A_94, %dma_wait3A_95] : memref<3x2x120xi32, #tpu.memory_space<vmem>> -> memref<1x2x120xi32, #tpu.memory_space<vmem>>
        %dma_wait3A_97 = tpu.memref_squeeze %dma_wait3A_96 : memref<1x2x120xi32, #tpu.memory_space<vmem>> -> memref<2x120xi32, #tpu.memory_space<vmem>>
        %dma_wait3A_98 = arith.constant 0 : i32
        %dma_wait3A_99 = arith.constant 0 : i32
        %dma_wait3A_100 = tpu.memref_slice %arg3[%add3A_57, %dma_wait3A_98, %dma_wait3A_99] : memref<2688x2x120xi32, #tpu.memory_space<hbm>> -> memref<1x2x120xi32, #tpu.memory_space<hbm>>
        %dma_wait3A_101 = tpu.memref_squeeze %dma_wait3A_100 : memref<1x2x120xi32, #tpu.memory_space<hbm>> -> memref<2x120xi32, #tpu.memory_space<hbm>>
        tpu.wait_dma2 semaphore(%run_scoped3A_70 : memref<!tpu.dma_semaphore, #tpu.memory_space<semaphore_mem>>) src(%dma_wait3A_101 : memref<2x120xi32, #tpu.memory_space<hbm>>) dst(%dma_wait3A_97 : memref<2x120xi32, #tpu.memory_space<vmem>>)
        tpu.yield
      }) : () -> ()
      %dma_start3A = arith.constant 1 : i32
      %dma_start3A_58 = arith.constant 0 : i32
      %dma_start3A_59 = arith.constant 1 : i32
      %dma_start3A_60 = arith.constant 0 : i32
      %dma_start3A_61 = arith.constant 0 : i32
      %dma_start3A_62 = tpu.memref_slice %arg8[%dma_start3A_59, %dma_start3A_60, %dma_start3A_61] : memref<3x120x128xf32, #tpu.memory_space<vmem>> -> memref<1x120x128xf32, #tpu.memory_space<vmem>>
      %dma_start3A_63 = tpu.memref_squeeze %dma_start3A_62 : memref<1x120x128xf32, #tpu.memory_space<vmem>> -> memref<120x128xf32, #tpu.memory_space<vmem>>
      %dma_start3A_64 = arith.constant 0 : i32
      %dma_start3A_65 = tpu.memref_slice %arg7[%dma_start3A, %dma_start3A_58, %dma_start3A_64] : memref<3x2x120xi32, #tpu.memory_space<vmem>> -> memref<1x1x120xi32, #tpu.memory_space<vmem>>
      %dma_start3A_66 = tpu.memref_squeeze %dma_start3A_65 : memref<1x1x120xi32, #tpu.memory_space<vmem>> -> memref<120xi32, #tpu.memory_space<vmem>>
      %dma_start3A_67 = arith.constant 0 : i32
      %dma_start3A_68 = arith.constant 0 : i32
      %dma_start3A_69 = tpu.memref_slice %arg2[%dma_start3A_67, %dma_start3A_68] : memref<10000x128xf32, #tpu.memory_space<hbm>> -> memref<10000x128xf32, #tpu.memory_space<hbm>>
      tpu.enqueue_indirect_dma source(%dma_start3A_69 : memref<10000x128xf32, #tpu.memory_space<hbm>>) target(%dma_start3A_63 : memref<120x128xf32, #tpu.memory_space<vmem>>) offsets(%dma_start3A_66 : memref<120xi32, #tpu.memory_space<vmem>>) semaphore(%arg11 : memref<!tpu.dma_semaphore, #tpu.memory_space<semaphore_mem>>)
    } else {
    }
    %jit3A_18 = arith.constant 3 : i32
    %div3A = arith.divsi %select_n3A, %jit3A_18 : i32
    %sign3A = arith.constant 0 : i32
    %sign3A_19 = arith.cmpi sgt, %select_n3A, %sign3A : i32
    %sign3A_20 = arith.extui %sign3A_19 : i1 to i32
    %sign3A_21 = arith.constant 0 : i32
    %sign3A_22 = arith.cmpi slt, %select_n3A, %sign3A_21 : i32
    %sign3A_23 = arith.extui %sign3A_22 : i1 to i32
    %sign3A_24 = arith.subi %sign3A_20, %sign3A_23 : i32
    %sign3A_25 = arith.constant 0 : i32
    %sign3A_26 = arith.cmpi sgt, %jit3A_18, %sign3A_25 : i32
    %sign3A_27 = arith.extui %sign3A_26 : i1 to i32
    %sign3A_28 = arith.constant 0 : i32
    %sign3A_29 = arith.cmpi slt, %jit3A_18, %sign3A_28 : i32
    %sign3A_30 = arith.extui %sign3A_29 : i1 to i32
    %sign3A_31 = arith.subi %sign3A_27, %sign3A_30 : i32
    %ne3A = arith.cmpi ne, %sign3A_24, %sign3A_31 : i32
    %rem3A = arith.remsi %select_n3A, %jit3A_18 : i32
    %ne3A_32 = arith.constant 0 : i32
    %ne3A_33 = arith.cmpi ne, %rem3A, %ne3A_32 : i32
    %and3A = arith.andi %ne3A, %ne3A_33 : i1
    %sub3A = arith.constant 1 : i32
    %sub3A_34 = arith.subi %div3A, %sub3A : i32
    %select_n3A_35 = arith.select %and3A, %sub3A_34, %div3A : i32
    %while3A = arith.constant 0 : i32
    %while3A_36 = arith.constant 0 : i32
    %while3A_37 = arith.subi %select_n3A_35, %while3A_36 : i32
    %while3A_38 = arith.addi %while3A_36, %while3A_37 : i32
    %while3A_39 = arith.constant 1 : i32
    %while3A_40 = arith.divsi %while3A_37, %while3A_39 : i32
    %while3A_41 = arith.muli %while3A_40, %while3A_39 : i32
    %while3A_42 = arith.addi %while3A_36, %while3A_41 : i32
    %while3A_43 = arith.constant 1 : i32
    scf.for %while3A_56 = %while3A_36 to %while3A_42 step %while3A_43  : i32 {
      %mul3A_57 = arith.constant 3 : i32
      %mul3A_58 = arith.muli %mul3A_57, %while3A_56 : i32
      %add3A_59 = arith.constant 0 : i32
      %add3A_60 = arith.addi %mul3A_58, %add3A_59 : i32
      %add3A_61 = arith.constant 2 : i32
      %add3A_62 = arith.addi %add3A_60, %add3A_61 : i32
      %lt3A = arith.cmpi slt, %add3A_62, %select_n3A : i32
      %convert_element_type3A_63 = arith.extui %lt3A : i1 to i32
      %cond3A_64 = arith.constant 0 : i32
      %cond3A_65 = arith.cmpi ne, %convert_element_type3A_63, %cond3A_64 : i32
      scf.if %cond3A_65 {
        %add3A_132 = arith.addi %select_n3A_10, %add3A_62 : i32
        %run_scoped3A_133 = arith.constant 2 : i32
        "tpu.region"() ({
          %run_scoped3A_146 = tpu.sem_alloc : memref<!tpu.dma_semaphore, #tpu.memory_space<semaphore_mem>>
          %dma_start3A_147 = arith.constant 0 : i32
          %dma_start3A_148 = arith.constant 0 : i32
          %dma_start3A_149 = tpu.memref_slice %arg7[%run_scoped3A_133, %dma_start3A_147, %dma_start3A_148] : memref<3x2x120xi32, #tpu.memory_space<vmem>> -> memref<1x2x120xi32, #tpu.memory_space<vmem>>
          %dma_start3A_150 = tpu.memref_squeeze %dma_start3A_149 : memref<1x2x120xi32, #tpu.memory_space<vmem>> -> memref<2x120xi32, #tpu.memory_space<vmem>>
          %dma_start3A_151 = arith.constant 0 : i32
          %dma_start3A_152 = arith.constant 0 : i32
          %dma_start3A_153 = tpu.memref_slice %arg3[%add3A_132, %dma_start3A_151, %dma_start3A_152] : memref<2688x2x120xi32, #tpu.memory_space<hbm>> -> memref<1x2x120xi32, #tpu.memory_space<hbm>>
          %dma_start3A_154 = tpu.memref_squeeze %dma_start3A_153 : memref<1x2x120xi32, #tpu.memory_space<hbm>> -> memref<2x120xi32, #tpu.memory_space<hbm>>
          %dma_start3A_155 = arith.constant 0 : i32
          %dma_start3A_156 = arith.constant 0 : i32
          %dma_start3A_157 = tpu.memref_slice %arg7[%run_scoped3A_133, %dma_start3A_155, %dma_start3A_156] : memref<3x2x120xi32, #tpu.memory_space<vmem>> -> memref<1x2x120xi32, #tpu.memory_space<vmem>>
          %dma_start3A_158 = tpu.memref_squeeze %dma_start3A_157 : memref<1x2x120xi32, #tpu.memory_space<vmem>> -> memref<2x120xi32, #tpu.memory_space<vmem>>
          %dma_start3A_159 = arith.constant 0 : i32
          %dma_start3A_160 = arith.constant 0 : i32
          %dma_start3A_161 = tpu.memref_slice %arg3[%add3A_132, %dma_start3A_159, %dma_start3A_160] : memref<2688x2x120xi32, #tpu.memory_space<hbm>> -> memref<1x2x120xi32, #tpu.memory_space<hbm>>
          %dma_start3A_162 = tpu.memref_squeeze %dma_start3A_161 : memref<1x2x120xi32, #tpu.memory_space<hbm>> -> memref<2x120xi32, #tpu.memory_space<hbm>>
          tpu.enqueue_dma source(%dma_start3A_162 : memref<2x120xi32, #tpu.memory_space<hbm>>) target(%dma_start3A_158 : memref<2x120xi32, #tpu.memory_space<vmem>>) target_semaphore(%run_scoped3A_146 : memref<!tpu.dma_semaphore, #tpu.memory_space<semaphore_mem>>)
          %dma_wait3A_163 = arith.constant 0 : i32
          %dma_wait3A_164 = arith.constant 0 : i32
          %dma_wait3A_165 = tpu.memref_slice %arg7[%run_scoped3A_133, %dma_wait3A_163, %dma_wait3A_164] : memref<3x2x120xi32, #tpu.memory_space<vmem>> -> memref<1x2x120xi32, #tpu.memory_space<vmem>>
          %dma_wait3A_166 = tpu.memref_squeeze %dma_wait3A_165 : memref<1x2x120xi32, #tpu.memory_space<vmem>> -> memref<2x120xi32, #tpu.memory_space<vmem>>
          %dma_wait3A_167 = arith.constant 0 : i32
          %dma_wait3A_168 = arith.constant 0 : i32
          %dma_wait3A_169 = tpu.memref_slice %arg3[%add3A_132, %dma_wait3A_167, %dma_wait3A_168] : memref<2688x2x120xi32, #tpu.memory_space<hbm>> -> memref<1x2x120xi32, #tpu.memory_space<hbm>>
          %dma_wait3A_170 = tpu.memref_squeeze %dma_wait3A_169 : memref<1x2x120xi32, #tpu.memory_space<hbm>> -> memref<2x120xi32, #tpu.memory_space<hbm>>
          %dma_wait3A_171 = arith.constant 0 : i32
          %dma_wait3A_172 = arith.constant 0 : i32
          %dma_wait3A_173 = tpu.memref_slice %arg7[%run_scoped3A_133, %dma_wait3A_171, %dma_wait3A_172] : memref<3x2x120xi32, #tpu.memory_space<vmem>> -> memref<1x2x120xi32, #tpu.memory_space<vmem>>
          %dma_wait3A_174 = tpu.memref_squeeze %dma_wait3A_173 : memref<1x2x120xi32, #tpu.memory_space<vmem>> -> memref<2x120xi32, #tpu.memory_space<vmem>>
          %dma_wait3A_175 = arith.constant 0 : i32
          %dma_wait3A_176 = arith.constant 0 : i32
          %dma_wait3A_177 = tpu.memref_slice %arg3[%add3A_132, %dma_wait3A_175, %dma_wait3A_176] : memref<2688x2x120xi32, #tpu.memory_space<hbm>> -> memref<1x2x120xi32, #tpu.memory_space<hbm>>
          %dma_wait3A_178 = tpu.memref_squeeze %dma_wait3A_177 : memref<1x2x120xi32, #tpu.memory_space<hbm>> -> memref<2x120xi32, #tpu.memory_space<hbm>>
          tpu.wait_dma2 semaphore(%run_scoped3A_146 : memref<!tpu.dma_semaphore, #tpu.memory_space<semaphore_mem>>) src(%dma_wait3A_178 : memref<2x120xi32, #tpu.memory_space<hbm>>) dst(%dma_wait3A_174 : memref<2x120xi32, #tpu.memory_space<vmem>>)
          tpu.yield
        }) : () -> ()
        %dma_start3A = arith.constant 2 : i32
        %dma_start3A_134 = arith.constant 0 : i32
        %dma_start3A_135 = arith.constant 2 : i32
        %dma_start3A_136 = arith.constant 0 : i32
        %dma_start3A_137 = arith.constant 0 : i32
        %dma_start3A_138 = tpu.memref_slice %arg8[%dma_start3A_135, %dma_start3A_136, %dma_start3A_137] : memref<3x120x128xf32, #tpu.memory_space<vmem>> -> memref<1x120x128xf32, #tpu.memory_space<vmem>>
        %dma_start3A_139 = tpu.memref_squeeze %dma_start3A_138 : memref<1x120x128xf32, #tpu.memory_space<vmem>> -> memref<120x128xf32, #tpu.memory_space<vmem>>
        %dma_start3A_140 = arith.constant 0 : i32
        %dma_start3A_141 = tpu.memref_slice %arg7[%dma_start3A, %dma_start3A_134, %dma_start3A_140] : memref<3x2x120xi32, #tpu.memory_space<vmem>> -> memref<1x1x120xi32, #tpu.memory_space<vmem>>
        %dma_start3A_142 = tpu.memref_squeeze %dma_start3A_141 : memref<1x1x120xi32, #tpu.memory_space<vmem>> -> memref<120xi32, #tpu.memory_space<vmem>>
        %dma_start3A_143 = arith.constant 0 : i32
        %dma_start3A_144 = arith.constant 0 : i32
        %dma_start3A_145 = tpu.memref_slice %arg2[%dma_start3A_143, %dma_start3A_144] : memref<10000x128xf32, #tpu.memory_space<hbm>> -> memref<10000x128xf32, #tpu.memory_space<hbm>>
        tpu.enqueue_indirect_dma source(%dma_start3A_145 : memref<10000x128xf32, #tpu.memory_space<hbm>>) target(%dma_start3A_139 : memref<120x128xf32, #tpu.memory_space<vmem>>) offsets(%dma_start3A_142 : memref<120xi32, #tpu.memory_space<vmem>>) semaphore(%arg12 : memref<!tpu.dma_semaphore, #tpu.memory_space<semaphore_mem>>)
      } else {
      }
      %dma_wait3A = arith.constant 0 : i32
      %dma_wait3A_66 = arith.constant 0 : i32
      %dma_wait3A_67 = arith.constant 0 : i32
      %dma_wait3A_68 = arith.constant 0 : i32
      %dma_wait3A_69 = arith.constant 0 : i32
      %dma_wait3A_70 = tpu.memref_slice %arg8[%dma_wait3A_67, %dma_wait3A_68, %dma_wait3A_69] : memref<3x120x128xf32, #tpu.memory_space<vmem>> -> memref<1x120x128xf32, #tpu.memory_space<vmem>>
      %dma_wait3A_71 = tpu.memref_squeeze %dma_wait3A_70 : memref<1x120x128xf32, #tpu.memory_space<vmem>> -> memref<120x128xf32, #tpu.memory_space<vmem>>
      %dma_wait3A_72 = arith.constant 0 : i32
      %dma_wait3A_73 = tpu.memref_slice %arg7[%dma_wait3A, %dma_wait3A_66, %dma_wait3A_72] : memref<3x2x120xi32, #tpu.memory_space<vmem>> -> memref<1x1x120xi32, #tpu.memory_space<vmem>>
      %dma_wait3A_74 = tpu.memref_squeeze %dma_wait3A_73 : memref<1x1x120xi32, #tpu.memory_space<vmem>> -> memref<120xi32, #tpu.memory_space<vmem>>
      %dma_wait3A_75 = arith.constant 0 : i32
      %dma_wait3A_76 = arith.constant 0 : i32
      %dma_wait3A_77 = tpu.memref_slice %arg2[%dma_wait3A_75, %dma_wait3A_76] : memref<10000x128xf32, #tpu.memory_space<hbm>> -> memref<10000x128xf32, #tpu.memory_space<hbm>>
      tpu.wait_indirect_dma semaphore(%arg10 : memref<!tpu.dma_semaphore, #tpu.memory_space<semaphore_mem>>) src(%dma_wait3A_77 : memref<10000x128xf32, #tpu.memory_space<hbm>>) dst(%dma_wait3A_71 : memref<120x128xf32, #tpu.memory_space<vmem>>)
      %run_scoped3A = arith.constant 0 : i32
      %run_scoped3A_78 = arith.constant 0 : i32
      %run_scoped3A_79 = arith.constant 1 : i32
      "tpu.region"() ({
        %run_scoped3A_132 = tpu.sem_alloc : memref<!tpu.dma_semaphore, #tpu.memory_space<semaphore_mem>>
        %dma_start3A = arith.constant 0 : i32
        %dma_start3A_133 = arith.constant 0 : i32
        %dma_start3A_134 = tpu.memref_slice %arg8[%run_scoped3A, %dma_start3A, %dma_start3A_133] : memref<3x120x128xf32, #tpu.memory_space<vmem>> -> memref<1x120x128xf32, #tpu.memory_space<vmem>>
        %dma_start3A_135 = tpu.memref_squeeze %dma_start3A_134 : memref<1x120x128xf32, #tpu.memory_space<vmem>> -> memref<120x128xf32, #tpu.memory_space<vmem>>
        %dma_start3A_136 = arith.constant 0 : i32
        %dma_start3A_137 = tpu.memref_slice %arg7[%run_scoped3A_78, %run_scoped3A_79, %dma_start3A_136] : memref<3x2x120xi32, #tpu.memory_space<vmem>> -> memref<1x1x120xi32, #tpu.memory_space<vmem>>
        %dma_start3A_138 = tpu.memref_squeeze %dma_start3A_137 : memref<1x1x120xi32, #tpu.memory_space<vmem>> -> memref<120xi32, #tpu.memory_space<vmem>>
        %dma_start3A_139 = arith.constant 0 : i32
        %dma_start3A_140 = arith.constant 0 : i32
        %dma_start3A_141 = tpu.memref_slice %arg9[%dma_start3A_139, %dma_start3A_140] : memref<10112x128xf32, #tpu.memory_space<vmem_shared>> -> memref<10112x128xf32, #tpu.memory_space<vmem_shared>>
        tpu.enqueue_indirect_dma source(%dma_start3A_135 : memref<120x128xf32, #tpu.memory_space<vmem>>) target(%dma_start3A_141 : memref<10112x128xf32, #tpu.memory_space<vmem_shared>>) offsets(%dma_start3A_138 : memref<120xi32, #tpu.memory_space<vmem>>) semaphore(%run_scoped3A_132 : memref<!tpu.dma_semaphore, #tpu.memory_space<semaphore_mem>>) {add = true}
        %dma_wait3A_142 = arith.constant 0 : i32
        %dma_wait3A_143 = arith.constant 0 : i32
        %dma_wait3A_144 = tpu.memref_slice %arg8[%run_scoped3A, %dma_wait3A_142, %dma_wait3A_143] : memref<3x120x128xf32, #tpu.memory_space<vmem>> -> memref<1x120x128xf32, #tpu.memory_space<vmem>>
        %dma_wait3A_145 = tpu.memref_squeeze %dma_wait3A_144 : memref<1x120x128xf32, #tpu.memory_space<vmem>> -> memref<120x128xf32, #tpu.memory_space<vmem>>
        %dma_wait3A_146 = arith.constant 0 : i32
        %dma_wait3A_147 = tpu.memref_slice %arg7[%run_scoped3A_78, %run_scoped3A_79, %dma_wait3A_146] : memref<3x2x120xi32, #tpu.memory_space<vmem>> -> memref<1x1x120xi32, #tpu.memory_space<vmem>>
        %dma_wait3A_148 = tpu.memref_squeeze %dma_wait3A_147 : memref<1x1x120xi32, #tpu.memory_space<vmem>> -> memref<120xi32, #tpu.memory_space<vmem>>
        %dma_wait3A_149 = arith.constant 0 : i32
        %dma_wait3A_150 = arith.constant 0 : i32
        %dma_wait3A_151 = tpu.memref_slice %arg9[%dma_wait3A_149, %dma_wait3A_150] : memref<10112x128xf32, #tpu.memory_space<vmem_shared>> -> memref<10112x128xf32, #tpu.memory_space<vmem_shared>>
        tpu.wait_indirect_dma semaphore(%run_scoped3A_132 : memref<!tpu.dma_semaphore, #tpu.memory_space<semaphore_mem>>) src(%dma_wait3A_145 : memref<120x128xf32, #tpu.memory_space<vmem>>) dst(%dma_wait3A_151 : memref<10112x128xf32, #tpu.memory_space<vmem_shared>>)
        tpu.yield
      }) : () -> ()
      %mul3A_80 = arith.constant 3 : i32
      %mul3A_81 = arith.muli %mul3A_80, %while3A_56 : i32
      %add3A_82 = arith.constant 1 : i32
      %add3A_83 = arith.addi %mul3A_81, %add3A_82 : i32
      %add3A_84 = arith.constant 2 : i32
      %add3A_85 = arith.addi %add3A_83, %add3A_84 : i32
      %lt3A_86 = arith.cmpi slt, %add3A_85, %select_n3A : i32
      %convert_element_type3A_87 = arith.extui %lt3A_86 : i1 to i32
      %cond3A_88 = arith.constant 0 : i32
      %cond3A_89 = arith.cmpi ne, %convert_element_type3A_87, %cond3A_88 : i32
      scf.if %cond3A_89 {
        %add3A_132 = arith.addi %select_n3A_10, %add3A_85 : i32
        %run_scoped3A_133 = arith.constant 0 : i32
        "tpu.region"() ({
          %run_scoped3A_146 = tpu.sem_alloc : memref<!tpu.dma_semaphore, #tpu.memory_space<semaphore_mem>>
          %dma_start3A_147 = arith.constant 0 : i32
          %dma_start3A_148 = arith.constant 0 : i32
          %dma_start3A_149 = tpu.memref_slice %arg7[%run_scoped3A_133, %dma_start3A_147, %dma_start3A_148] : memref<3x2x120xi32, #tpu.memory_space<vmem>> -> memref<1x2x120xi32, #tpu.memory_space<vmem>>
          %dma_start3A_150 = tpu.memref_squeeze %dma_start3A_149 : memref<1x2x120xi32, #tpu.memory_space<vmem>> -> memref<2x120xi32, #tpu.memory_space<vmem>>
          %dma_start3A_151 = arith.constant 0 : i32
          %dma_start3A_152 = arith.constant 0 : i32
          %dma_start3A_153 = tpu.memref_slice %arg3[%add3A_132, %dma_start3A_151, %dma_start3A_152] : memref<2688x2x120xi32, #tpu.memory_space<hbm>> -> memref<1x2x120xi32, #tpu.memory_space<hbm>>
          %dma_start3A_154 = tpu.memref_squeeze %dma_start3A_153 : memref<1x2x120xi32, #tpu.memory_space<hbm>> -> memref<2x120xi32, #tpu.memory_space<hbm>>
          %dma_start3A_155 = arith.constant 0 : i32
          %dma_start3A_156 = arith.constant 0 : i32
          %dma_start3A_157 = tpu.memref_slice %arg7[%run_scoped3A_133, %dma_start3A_155, %dma_start3A_156] : memref<3x2x120xi32, #tpu.memory_space<vmem>> -> memref<1x2x120xi32, #tpu.memory_space<vmem>>
          %dma_start3A_158 = tpu.memref_squeeze %dma_start3A_157 : memref<1x2x120xi32, #tpu.memory_space<vmem>> -> memref<2x120xi32, #tpu.memory_space<vmem>>
          %dma_start3A_159 = arith.constant 0 : i32
          %dma_start3A_160 = arith.constant 0 : i32
          %dma_start3A_161 = tpu.memref_slice %arg3[%add3A_132, %dma_start3A_159, %dma_start3A_160] : memref<2688x2x120xi32, #tpu.memory_space<hbm>> -> memref<1x2x120xi32, #tpu.memory_space<hbm>>
          %dma_start3A_162 = tpu.memref_squeeze %dma_start3A_161 : memref<1x2x120xi32, #tpu.memory_space<hbm>> -> memref<2x120xi32, #tpu.memory_space<hbm>>
          tpu.enqueue_dma source(%dma_start3A_162 : memref<2x120xi32, #tpu.memory_space<hbm>>) target(%dma_start3A_158 : memref<2x120xi32, #tpu.memory_space<vmem>>) target_semaphore(%run_scoped3A_146 : memref<!tpu.dma_semaphore, #tpu.memory_space<semaphore_mem>>)
          %dma_wait3A_163 = arith.constant 0 : i32
          %dma_wait3A_164 = arith.constant 0 : i32
          %dma_wait3A_165 = tpu.memref_slice %arg7[%run_scoped3A_133, %dma_wait3A_163, %dma_wait3A_164] : memref<3x2x120xi32, #tpu.memory_space<vmem>> -> memref<1x2x120xi32, #tpu.memory_space<vmem>>
          %dma_wait3A_166 = tpu.memref_squeeze %dma_wait3A_165 : memref<1x2x120xi32, #tpu.memory_space<vmem>> -> memref<2x120xi32, #tpu.memory_space<vmem>>
          %dma_wait3A_167 = arith.constant 0 : i32
          %dma_wait3A_168 = arith.constant 0 : i32
          %dma_wait3A_169 = tpu.memref_slice %arg3[%add3A_132, %dma_wait3A_167, %dma_wait3A_168] : memref<2688x2x120xi32, #tpu.memory_space<hbm>> -> memref<1x2x120xi32, #tpu.memory_space<hbm>>
          %dma_wait3A_170 = tpu.memref_squeeze %dma_wait3A_169 : memref<1x2x120xi32, #tpu.memory_space<hbm>> -> memref<2x120xi32, #tpu.memory_space<hbm>>
          %dma_wait3A_171 = arith.constant 0 : i32
          %dma_wait3A_172 = arith.constant 0 : i32
          %dma_wait3A_173 = tpu.memref_slice %arg7[%run_scoped3A_133, %dma_wait3A_171, %dma_wait3A_172] : memref<3x2x120xi32, #tpu.memory_space<vmem>> -> memref<1x2x120xi32, #tpu.memory_space<vmem>>
          %dma_wait3A_174 = tpu.memref_squeeze %dma_wait3A_173 : memref<1x2x120xi32, #tpu.memory_space<vmem>> -> memref<2x120xi32, #tpu.memory_space<vmem>>
          %dma_wait3A_175 = arith.constant 0 : i32
          %dma_wait3A_176 = arith.constant 0 : i32
          %dma_wait3A_177 = tpu.memref_slice %arg3[%add3A_132, %dma_wait3A_175, %dma_wait3A_176] : memref<2688x2x120xi32, #tpu.memory_space<hbm>> -> memref<1x2x120xi32, #tpu.memory_space<hbm>>
          %dma_wait3A_178 = tpu.memref_squeeze %dma_wait3A_177 : memref<1x2x120xi32, #tpu.memory_space<hbm>> -> memref<2x120xi32, #tpu.memory_space<hbm>>
          tpu.wait_dma2 semaphore(%run_scoped3A_146 : memref<!tpu.dma_semaphore, #tpu.memory_space<semaphore_mem>>) src(%dma_wait3A_178 : memref<2x120xi32, #tpu.memory_space<hbm>>) dst(%dma_wait3A_174 : memref<2x120xi32, #tpu.memory_space<vmem>>)
          tpu.yield
        }) : () -> ()
        %dma_start3A = arith.constant 0 : i32
        %dma_start3A_134 = arith.constant 0 : i32
        %dma_start3A_135 = arith.constant 0 : i32
        %dma_start3A_136 = arith.constant 0 : i32
        %dma_start3A_137 = arith.constant 0 : i32
        %dma_start3A_138 = tpu.memref_slice %arg8[%dma_start3A_135, %dma_start3A_136, %dma_start3A_137] : memref<3x120x128xf32, #tpu.memory_space<vmem>> -> memref<1x120x128xf32, #tpu.memory_space<vmem>>
        %dma_start3A_139 = tpu.memref_squeeze %dma_start3A_138 : memref<1x120x128xf32, #tpu.memory_space<vmem>> -> memref<120x128xf32, #tpu.memory_space<vmem>>
        %dma_start3A_140 = arith.constant 0 : i32
        %dma_start3A_141 = tpu.memref_slice %arg7[%dma_start3A, %dma_start3A_134, %dma_start3A_140] : memref<3x2x120xi32, #tpu.memory_space<vmem>> -> memref<1x1x120xi32, #tpu.memory_space<vmem>>
        %dma_start3A_142 = tpu.memref_squeeze %dma_start3A_141 : memref<1x1x120xi32, #tpu.memory_space<vmem>> -> memref<120xi32, #tpu.memory_space<vmem>>
        %dma_start3A_143 = arith.constant 0 : i32
        %dma_start3A_144 = arith.constant 0 : i32
        %dma_start3A_145 = tpu.memref_slice %arg2[%dma_start3A_143, %dma_start3A_144] : memref<10000x128xf32, #tpu.memory_space<hbm>> -> memref<10000x128xf32, #tpu.memory_space<hbm>>
        tpu.enqueue_indirect_dma source(%dma_start3A_145 : memref<10000x128xf32, #tpu.memory_space<hbm>>) target(%dma_start3A_139 : memref<120x128xf32, #tpu.memory_space<vmem>>) offsets(%dma_start3A_142 : memref<120xi32, #tpu.memory_space<vmem>>) semaphore(%arg10 : memref<!tpu.dma_semaphore, #tpu.memory_space<semaphore_mem>>)
      } else {
      }
      %dma_wait3A_90 = arith.constant 1 : i32
      %dma_wait3A_91 = arith.constant 0 : i32
      %dma_wait3A_92 = arith.constant 1 : i32
      %dma_wait3A_93 = arith.constant 0 : i32
      %dma_wait3A_94 = arith.constant 0 : i32
      %dma_wait3A_95 = tpu.memref_slice %arg8[%dma_wait3A_92, %dma_wait3A_93, %dma_wait3A_94] : memref<3x120x128xf32, #tpu.memory_space<vmem>> -> memref<1x120x128xf32, #tpu.memory_space<vmem>>
      %dma_wait3A_96 = tpu.memref_squeeze %dma_wait3A_95 : memref<1x120x128xf32, #tpu.memory_space<vmem>> -> memref<120x128xf32, #tpu.memory_space<vmem>>
      %dma_wait3A_97 = arith.constant 0 : i32
      %dma_wait3A_98 = tpu.memref_slice %arg7[%dma_wait3A_90, %dma_wait3A_91, %dma_wait3A_97] : memref<3x2x120xi32, #tpu.memory_space<vmem>> -> memref<1x1x120xi32, #tpu.memory_space<vmem>>
      %dma_wait3A_99 = tpu.memref_squeeze %dma_wait3A_98 : memref<1x1x120xi32, #tpu.memory_space<vmem>> -> memref<120xi32, #tpu.memory_space<vmem>>
      %dma_wait3A_100 = arith.constant 0 : i32
      %dma_wait3A_101 = arith.constant 0 : i32
      %dma_wait3A_102 = tpu.memref_slice %arg2[%dma_wait3A_100, %dma_wait3A_101] : memref<10000x128xf32, #tpu.memory_space<hbm>> -> memref<10000x128xf32, #tpu.memory_space<hbm>>
      tpu.wait_indirect_dma semaphore(%arg11 : memref<!tpu.dma_semaphore, #tpu.memory_space<semaphore_mem>>) src(%dma_wait3A_102 : memref<10000x128xf32, #tpu.memory_space<hbm>>) dst(%dma_wait3A_96 : memref<120x128xf32, #tpu.memory_space<vmem>>)
      %run_scoped3A_103 = arith.constant 1 : i32
      %run_scoped3A_104 = arith.constant 1 : i32
      %run_scoped3A_105 = arith.constant 1 : i32
      "tpu.region"() ({
        %run_scoped3A_132 = tpu.sem_alloc : memref<!tpu.dma_semaphore, #tpu.memory_space<semaphore_mem>>
        %dma_start3A = arith.constant 0 : i32
        %dma_start3A_133 = arith.constant 0 : i32
        %dma_start3A_134 = tpu.memref_slice %arg8[%run_scoped3A_103, %dma_start3A, %dma_start3A_133] : memref<3x120x128xf32, #tpu.memory_space<vmem>> -> memref<1x120x128xf32, #tpu.memory_space<vmem>>
        %dma_start3A_135 = tpu.memref_squeeze %dma_start3A_134 : memref<1x120x128xf32, #tpu.memory_space<vmem>> -> memref<120x128xf32, #tpu.memory_space<vmem>>
        %dma_start3A_136 = arith.constant 0 : i32
        %dma_start3A_137 = tpu.memref_slice %arg7[%run_scoped3A_104, %run_scoped3A_105, %dma_start3A_136] : memref<3x2x120xi32, #tpu.memory_space<vmem>> -> memref<1x1x120xi32, #tpu.memory_space<vmem>>
        %dma_start3A_138 = tpu.memref_squeeze %dma_start3A_137 : memref<1x1x120xi32, #tpu.memory_space<vmem>> -> memref<120xi32, #tpu.memory_space<vmem>>
        %dma_start3A_139 = arith.constant 0 : i32
        %dma_start3A_140 = arith.constant 0 : i32
        %dma_start3A_141 = tpu.memref_slice %arg9[%dma_start3A_139, %dma_start3A_140] : memref<10112x128xf32, #tpu.memory_space<vmem_shared>> -> memref<10112x128xf32, #tpu.memory_space<vmem_shared>>
        tpu.enqueue_indirect_dma source(%dma_start3A_135 : memref<120x128xf32, #tpu.memory_space<vmem>>) target(%dma_start3A_141 : memref<10112x128xf32, #tpu.memory_space<vmem_shared>>) offsets(%dma_start3A_138 : memref<120xi32, #tpu.memory_space<vmem>>) semaphore(%run_scoped3A_132 : memref<!tpu.dma_semaphore, #tpu.memory_space<semaphore_mem>>) {add = true}
        %dma_wait3A_142 = arith.constant 0 : i32
        %dma_wait3A_143 = arith.constant 0 : i32
        %dma_wait3A_144 = tpu.memref_slice %arg8[%run_scoped3A_103, %dma_wait3A_142, %dma_wait3A_143] : memref<3x120x128xf32, #tpu.memory_space<vmem>> -> memref<1x120x128xf32, #tpu.memory_space<vmem>>
        %dma_wait3A_145 = tpu.memref_squeeze %dma_wait3A_144 : memref<1x120x128xf32, #tpu.memory_space<vmem>> -> memref<120x128xf32, #tpu.memory_space<vmem>>
        %dma_wait3A_146 = arith.constant 0 : i32
        %dma_wait3A_147 = tpu.memref_slice %arg7[%run_scoped3A_104, %run_scoped3A_105, %dma_wait3A_146] : memref<3x2x120xi32, #tpu.memory_space<vmem>> -> memref<1x1x120xi32, #tpu.memory_space<vmem>>
        %dma_wait3A_148 = tpu.memref_squeeze %dma_wait3A_147 : memref<1x1x120xi32, #tpu.memory_space<vmem>> -> memref<120xi32, #tpu.memory_space<vmem>>
        %dma_wait3A_149 = arith.constant 0 : i32
        %dma_wait3A_150 = arith.constant 0 : i32
        %dma_wait3A_151 = tpu.memref_slice %arg9[%dma_wait3A_149, %dma_wait3A_150] : memref<10112x128xf32, #tpu.memory_space<vmem_shared>> -> memref<10112x128xf32, #tpu.memory_space<vmem_shared>>
        tpu.wait_indirect_dma semaphore(%run_scoped3A_132 : memref<!tpu.dma_semaphore, #tpu.memory_space<semaphore_mem>>) src(%dma_wait3A_145 : memref<120x128xf32, #tpu.memory_space<vmem>>) dst(%dma_wait3A_151 : memref<10112x128xf32, #tpu.memory_space<vmem_shared>>)
        tpu.yield
      }) : () -> ()
      %mul3A_106 = arith.constant 3 : i32
      %mul3A_107 = arith.muli %mul3A_106, %while3A_56 : i32
      %add3A_108 = arith.constant 2 : i32
      %add3A_109 = arith.addi %mul3A_107, %add3A_108 : i32
      %add3A_110 = arith.constant 2 : i32
      %add3A_111 = arith.addi %add3A_109, %add3A_110 : i32
      %lt3A_112 = arith.cmpi slt, %add3A_111, %select_n3A : i32
      %convert_element_type3A_113 = arith.extui %lt3A_112 : i1 to i32
      %cond3A_114 = arith.constant 0 : i32
      %cond3A_115 = arith.cmpi ne, %convert_element_type3A_113, %cond3A_114 : i32
      scf.if %cond3A_115 {
        %add3A_132 = arith.addi %select_n3A_10, %add3A_111 : i32
        %run_scoped3A_133 = arith.constant 1 : i32
        "tpu.region"() ({
          %run_scoped3A_146 = tpu.sem_alloc : memref<!tpu.dma_semaphore, #tpu.memory_space<semaphore_mem>>
          %dma_start3A_147 = arith.constant 0 : i32
          %dma_start3A_148 = arith.constant 0 : i32
          %dma_start3A_149 = tpu.memref_slice %arg7[%run_scoped3A_133, %dma_start3A_147, %dma_start3A_148] : memref<3x2x120xi32, #tpu.memory_space<vmem>> -> memref<1x2x120xi32, #tpu.memory_space<vmem>>
          %dma_start3A_150 = tpu.memref_squeeze %dma_start3A_149 : memref<1x2x120xi32, #tpu.memory_space<vmem>> -> memref<2x120xi32, #tpu.memory_space<vmem>>
          %dma_start3A_151 = arith.constant 0 : i32
          %dma_start3A_152 = arith.constant 0 : i32
          %dma_start3A_153 = tpu.memref_slice %arg3[%add3A_132, %dma_start3A_151, %dma_start3A_152] : memref<2688x2x120xi32, #tpu.memory_space<hbm>> -> memref<1x2x120xi32, #tpu.memory_space<hbm>>
          %dma_start3A_154 = tpu.memref_squeeze %dma_start3A_153 : memref<1x2x120xi32, #tpu.memory_space<hbm>> -> memref<2x120xi32, #tpu.memory_space<hbm>>
          %dma_start3A_155 = arith.constant 0 : i32
          %dma_start3A_156 = arith.constant 0 : i32
          %dma_start3A_157 = tpu.memref_slice %arg7[%run_scoped3A_133, %dma_start3A_155, %dma_start3A_156] : memref<3x2x120xi32, #tpu.memory_space<vmem>> -> memref<1x2x120xi32, #tpu.memory_space<vmem>>
          %dma_start3A_158 = tpu.memref_squeeze %dma_start3A_157 : memref<1x2x120xi32, #tpu.memory_space<vmem>> -> memref<2x120xi32, #tpu.memory_space<vmem>>
          %dma_start3A_159 = arith.constant 0 : i32
          %dma_start3A_160 = arith.constant 0 : i32
          %dma_start3A_161 = tpu.memref_slice %arg3[%add3A_132, %dma_start3A_159, %dma_start3A_160] : memref<2688x2x120xi32, #tpu.memory_space<hbm>> -> memref<1x2x120xi32, #tpu.memory_space<hbm>>
          %dma_start3A_162 = tpu.memref_squeeze %dma_start3A_161 : memref<1x2x120xi32, #tpu.memory_space<hbm>> -> memref<2x120xi32, #tpu.memory_space<hbm>>
          tpu.enqueue_dma source(%dma_start3A_162 : memref<2x120xi32, #tpu.memory_space<hbm>>) target(%dma_start3A_158 : memref<2x120xi32, #tpu.memory_space<vmem>>) target_semaphore(%run_scoped3A_146 : memref<!tpu.dma_semaphore, #tpu.memory_space<semaphore_mem>>)
          %dma_wait3A_163 = arith.constant 0 : i32
          %dma_wait3A_164 = arith.constant 0 : i32
          %dma_wait3A_165 = tpu.memref_slice %arg7[%run_scoped3A_133, %dma_wait3A_163, %dma_wait3A_164] : memref<3x2x120xi32, #tpu.memory_space<vmem>> -> memref<1x2x120xi32, #tpu.memory_space<vmem>>
          %dma_wait3A_166 = tpu.memref_squeeze %dma_wait3A_165 : memref<1x2x120xi32, #tpu.memory_space<vmem>> -> memref<2x120xi32, #tpu.memory_space<vmem>>
          %dma_wait3A_167 = arith.constant 0 : i32
          %dma_wait3A_168 = arith.constant 0 : i32
          %dma_wait3A_169 = tpu.memref_slice %arg3[%add3A_132, %dma_wait3A_167, %dma_wait3A_168] : memref<2688x2x120xi32, #tpu.memory_space<hbm>> -> memref<1x2x120xi32, #tpu.memory_space<hbm>>
          %dma_wait3A_170 = tpu.memref_squeeze %dma_wait3A_169 : memref<1x2x120xi32, #tpu.memory_space<hbm>> -> memref<2x120xi32, #tpu.memory_space<hbm>>
          %dma_wait3A_171 = arith.constant 0 : i32
          %dma_wait3A_172 = arith.constant 0 : i32
          %dma_wait3A_173 = tpu.memref_slice %arg7[%run_scoped3A_133, %dma_wait3A_171, %dma_wait3A_172] : memref<3x2x120xi32, #tpu.memory_space<vmem>> -> memref<1x2x120xi32, #tpu.memory_space<vmem>>
          %dma_wait3A_174 = tpu.memref_squeeze %dma_wait3A_173 : memref<1x2x120xi32, #tpu.memory_space<vmem>> -> memref<2x120xi32, #tpu.memory_space<vmem>>
          %dma_wait3A_175 = arith.constant 0 : i32
          %dma_wait3A_176 = arith.constant 0 : i32
          %dma_wait3A_177 = tpu.memref_slice %arg3[%add3A_132, %dma_wait3A_175, %dma_wait3A_176] : memref<2688x2x120xi32, #tpu.memory_space<hbm>> -> memref<1x2x120xi32, #tpu.memory_space<hbm>>
          %dma_wait3A_178 = tpu.memref_squeeze %dma_wait3A_177 : memref<1x2x120xi32, #tpu.memory_space<hbm>> -> memref<2x120xi32, #tpu.memory_space<hbm>>
          tpu.wait_dma2 semaphore(%run_scoped3A_146 : memref<!tpu.dma_semaphore, #tpu.memory_space<semaphore_mem>>) src(%dma_wait3A_178 : memref<2x120xi32, #tpu.memory_space<hbm>>) dst(%dma_wait3A_174 : memref<2x120xi32, #tpu.memory_space<vmem>>)
          tpu.yield
        }) : () -> ()
        %dma_start3A = arith.constant 1 : i32
        %dma_start3A_134 = arith.constant 0 : i32
        %dma_start3A_135 = arith.constant 1 : i32
        %dma_start3A_136 = arith.constant 0 : i32
        %dma_start3A_137 = arith.constant 0 : i32
        %dma_start3A_138 = tpu.memref_slice %arg8[%dma_start3A_135, %dma_start3A_136, %dma_start3A_137] : memref<3x120x128xf32, #tpu.memory_space<vmem>> -> memref<1x120x128xf32, #tpu.memory_space<vmem>>
        %dma_start3A_139 = tpu.memref_squeeze %dma_start3A_138 : memref<1x120x128xf32, #tpu.memory_space<vmem>> -> memref<120x128xf32, #tpu.memory_space<vmem>>
        %dma_start3A_140 = arith.constant 0 : i32
        %dma_start3A_141 = tpu.memref_slice %arg7[%dma_start3A, %dma_start3A_134, %dma_start3A_140] : memref<3x2x120xi32, #tpu.memory_space<vmem>> -> memref<1x1x120xi32, #tpu.memory_space<vmem>>
        %dma_start3A_142 = tpu.memref_squeeze %dma_start3A_141 : memref<1x1x120xi32, #tpu.memory_space<vmem>> -> memref<120xi32, #tpu.memory_space<vmem>>
        %dma_start3A_143 = arith.constant 0 : i32
        %dma_start3A_144 = arith.constant 0 : i32
        %dma_start3A_145 = tpu.memref_slice %arg2[%dma_start3A_143, %dma_start3A_144] : memref<10000x128xf32, #tpu.memory_space<hbm>> -> memref<10000x128xf32, #tpu.memory_space<hbm>>
        tpu.enqueue_indirect_dma source(%dma_start3A_145 : memref<10000x128xf32, #tpu.memory_space<hbm>>) target(%dma_start3A_139 : memref<120x128xf32, #tpu.memory_space<vmem>>) offsets(%dma_start3A_142 : memref<120xi32, #tpu.memory_space<vmem>>) semaphore(%arg11 : memref<!tpu.dma_semaphore, #tpu.memory_space<semaphore_mem>>)
      } else {
      }
      %dma_wait3A_116 = arith.constant 2 : i32
      %dma_wait3A_117 = arith.constant 0 : i32
      %dma_wait3A_118 = arith.constant 2 : i32
      %dma_wait3A_119 = arith.constant 0 : i32
      %dma_wait3A_120 = arith.constant 0 : i32
      %dma_wait3A_121 = tpu.memref_slice %arg8[%dma_wait3A_118, %dma_wait3A_119, %dma_wait3A_120] : memref<3x120x128xf32, #tpu.memory_space<vmem>> -> memref<1x120x128xf32, #tpu.memory_space<vmem>>
      %dma_wait3A_122 = tpu.memref_squeeze %dma_wait3A_121 : memref<1x120x128xf32, #tpu.memory_space<vmem>> -> memref<120x128xf32, #tpu.memory_space<vmem>>
      %dma_wait3A_123 = arith.constant 0 : i32
      %dma_wait3A_124 = tpu.memref_slice %arg7[%dma_wait3A_116, %dma_wait3A_117, %dma_wait3A_123] : memref<3x2x120xi32, #tpu.memory_space<vmem>> -> memref<1x1x120xi32, #tpu.memory_space<vmem>>
      %dma_wait3A_125 = tpu.memref_squeeze %dma_wait3A_124 : memref<1x1x120xi32, #tpu.memory_space<vmem>> -> memref<120xi32, #tpu.memory_space<vmem>>
      %dma_wait3A_126 = arith.constant 0 : i32
      %dma_wait3A_127 = arith.constant 0 : i32
      %dma_wait3A_128 = tpu.memref_slice %arg2[%dma_wait3A_126, %dma_wait3A_127] : memref<10000x128xf32, #tpu.memory_space<hbm>> -> memref<10000x128xf32, #tpu.memory_space<hbm>>
      tpu.wait_indirect_dma semaphore(%arg12 : memref<!tpu.dma_semaphore, #tpu.memory_space<semaphore_mem>>) src(%dma_wait3A_128 : memref<10000x128xf32, #tpu.memory_space<hbm>>) dst(%dma_wait3A_122 : memref<120x128xf32, #tpu.memory_space<vmem>>)
      %run_scoped3A_129 = arith.constant 2 : i32
      %run_scoped3A_130 = arith.constant 2 : i32
      %run_scoped3A_131 = arith.constant 1 : i32
      "tpu.region"() ({
        %run_scoped3A_132 = tpu.sem_alloc : memref<!tpu.dma_semaphore, #tpu.memory_space<semaphore_mem>>
        %dma_start3A = arith.constant 0 : i32
        %dma_start3A_133 = arith.constant 0 : i32
        %dma_start3A_134 = tpu.memref_slice %arg8[%run_scoped3A_129, %dma_start3A, %dma_start3A_133] : memref<3x120x128xf32, #tpu.memory_space<vmem>> -> memref<1x120x128xf32, #tpu.memory_space<vmem>>
        %dma_start3A_135 = tpu.memref_squeeze %dma_start3A_134 : memref<1x120x128xf32, #tpu.memory_space<vmem>> -> memref<120x128xf32, #tpu.memory_space<vmem>>
        %dma_start3A_136 = arith.constant 0 : i32
        %dma_start3A_137 = tpu.memref_slice %arg7[%run_scoped3A_130, %run_scoped3A_131, %dma_start3A_136] : memref<3x2x120xi32, #tpu.memory_space<vmem>> -> memref<1x1x120xi32, #tpu.memory_space<vmem>>
        %dma_start3A_138 = tpu.memref_squeeze %dma_start3A_137 : memref<1x1x120xi32, #tpu.memory_space<vmem>> -> memref<120xi32, #tpu.memory_space<vmem>>
        %dma_start3A_139 = arith.constant 0 : i32
        %dma_start3A_140 = arith.constant 0 : i32
        %dma_start3A_141 = tpu.memref_slice %arg9[%dma_start3A_139, %dma_start3A_140] : memref<10112x128xf32, #tpu.memory_space<vmem_shared>> -> memref<10112x128xf32, #tpu.memory_space<vmem_shared>>
        tpu.enqueue_indirect_dma source(%dma_start3A_135 : memref<120x128xf32, #tpu.memory_space<vmem>>) target(%dma_start3A_141 : memref<10112x128xf32, #tpu.memory_space<vmem_shared>>) offsets(%dma_start3A_138 : memref<120xi32, #tpu.memory_space<vmem>>) semaphore(%run_scoped3A_132 : memref<!tpu.dma_semaphore, #tpu.memory_space<semaphore_mem>>) {add = true}
        %dma_wait3A_142 = arith.constant 0 : i32
        %dma_wait3A_143 = arith.constant 0 : i32
        %dma_wait3A_144 = tpu.memref_slice %arg8[%run_scoped3A_129, %dma_wait3A_142, %dma_wait3A_143] : memref<3x120x128xf32, #tpu.memory_space<vmem>> -> memref<1x120x128xf32, #tpu.memory_space<vmem>>
        %dma_wait3A_145 = tpu.memref_squeeze %dma_wait3A_144 : memref<1x120x128xf32, #tpu.memory_space<vmem>> -> memref<120x128xf32, #tpu.memory_space<vmem>>
        %dma_wait3A_146 = arith.constant 0 : i32
        %dma_wait3A_147 = tpu.memref_slice %arg7[%run_scoped3A_130, %run_scoped3A_131, %dma_wait3A_146] : memref<3x2x120xi32, #tpu.memory_space<vmem>> -> memref<1x1x120xi32, #tpu.memory_space<vmem>>
        %dma_wait3A_148 = tpu.memref_squeeze %dma_wait3A_147 : memref<1x1x120xi32, #tpu.memory_space<vmem>> -> memref<120xi32, #tpu.memory_space<vmem>>
        %dma_wait3A_149 = arith.constant 0 : i32
        %dma_wait3A_150 = arith.constant 0 : i32
        %dma_wait3A_151 = tpu.memref_slice %arg9[%dma_wait3A_149, %dma_wait3A_150] : memref<10112x128xf32, #tpu.memory_space<vmem_shared>> -> memref<10112x128xf32, #tpu.memory_space<vmem_shared>>
        tpu.wait_indirect_dma semaphore(%run_scoped3A_132 : memref<!tpu.dma_semaphore, #tpu.memory_space<semaphore_mem>>) src(%dma_wait3A_145 : memref<120x128xf32, #tpu.memory_space<vmem>>) dst(%dma_wait3A_151 : memref<10112x128xf32, #tpu.memory_space<vmem_shared>>)
        tpu.yield
      }) : () -> ()
    }
    %while3A_44 = arith.constant 1 : i32
    scf.for %while3A_56 = %while3A_42 to %while3A_38 step %while3A_44  : i32 {
      %mul3A_57 = arith.constant 3 : i32
      %mul3A_58 = arith.muli %mul3A_57, %while3A_56 : i32
      %add3A_59 = arith.constant 0 : i32
      %add3A_60 = arith.addi %mul3A_58, %add3A_59 : i32
      %add3A_61 = arith.constant 2 : i32
      %add3A_62 = arith.addi %add3A_60, %add3A_61 : i32
      %lt3A = arith.cmpi slt, %add3A_62, %select_n3A : i32
      %convert_element_type3A_63 = arith.extui %lt3A : i1 to i32
      %cond3A_64 = arith.constant 0 : i32
      %cond3A_65 = arith.cmpi ne, %convert_element_type3A_63, %cond3A_64 : i32
      scf.if %cond3A_65 {
        %add3A_132 = arith.addi %select_n3A_10, %add3A_62 : i32
        %run_scoped3A_133 = arith.constant 2 : i32
        "tpu.region"() ({
          %run_scoped3A_146 = tpu.sem_alloc : memref<!tpu.dma_semaphore, #tpu.memory_space<semaphore_mem>>
          %dma_start3A_147 = arith.constant 0 : i32
          %dma_start3A_148 = arith.constant 0 : i32
          %dma_start3A_149 = tpu.memref_slice %arg7[%run_scoped3A_133, %dma_start3A_147, %dma_start3A_148] : memref<3x2x120xi32, #tpu.memory_space<vmem>> -> memref<1x2x120xi32, #tpu.memory_space<vmem>>
          %dma_start3A_150 = tpu.memref_squeeze %dma_start3A_149 : memref<1x2x120xi32, #tpu.memory_space<vmem>> -> memref<2x120xi32, #tpu.memory_space<vmem>>
          %dma_start3A_151 = arith.constant 0 : i32
          %dma_start3A_152 = arith.constant 0 : i32
          %dma_start3A_153 = tpu.memref_slice %arg3[%add3A_132, %dma_start3A_151, %dma_start3A_152] : memref<2688x2x120xi32, #tpu.memory_space<hbm>> -> memref<1x2x120xi32, #tpu.memory_space<hbm>>
          %dma_start3A_154 = tpu.memref_squeeze %dma_start3A_153 : memref<1x2x120xi32, #tpu.memory_space<hbm>> -> memref<2x120xi32, #tpu.memory_space<hbm>>
          %dma_start3A_155 = arith.constant 0 : i32
          %dma_start3A_156 = arith.constant 0 : i32
          %dma_start3A_157 = tpu.memref_slice %arg7[%run_scoped3A_133, %dma_start3A_155, %dma_start3A_156] : memref<3x2x120xi32, #tpu.memory_space<vmem>> -> memref<1x2x120xi32, #tpu.memory_space<vmem>>
          %dma_start3A_158 = tpu.memref_squeeze %dma_start3A_157 : memref<1x2x120xi32, #tpu.memory_space<vmem>> -> memref<2x120xi32, #tpu.memory_space<vmem>>
          %dma_start3A_159 = arith.constant 0 : i32
          %dma_start3A_160 = arith.constant 0 : i32
          %dma_start3A_161 = tpu.memref_slice %arg3[%add3A_132, %dma_start3A_159, %dma_start3A_160] : memref<2688x2x120xi32, #tpu.memory_space<hbm>> -> memref<1x2x120xi32, #tpu.memory_space<hbm>>
          %dma_start3A_162 = tpu.memref_squeeze %dma_start3A_161 : memref<1x2x120xi32, #tpu.memory_space<hbm>> -> memref<2x120xi32, #tpu.memory_space<hbm>>
          tpu.enqueue_dma source(%dma_start3A_162 : memref<2x120xi32, #tpu.memory_space<hbm>>) target(%dma_start3A_158 : memref<2x120xi32, #tpu.memory_space<vmem>>) target_semaphore(%run_scoped3A_146 : memref<!tpu.dma_semaphore, #tpu.memory_space<semaphore_mem>>)
          %dma_wait3A_163 = arith.constant 0 : i32
          %dma_wait3A_164 = arith.constant 0 : i32
          %dma_wait3A_165 = tpu.memref_slice %arg7[%run_scoped3A_133, %dma_wait3A_163, %dma_wait3A_164] : memref<3x2x120xi32, #tpu.memory_space<vmem>> -> memref<1x2x120xi32, #tpu.memory_space<vmem>>
          %dma_wait3A_166 = tpu.memref_squeeze %dma_wait3A_165 : memref<1x2x120xi32, #tpu.memory_space<vmem>> -> memref<2x120xi32, #tpu.memory_space<vmem>>
          %dma_wait3A_167 = arith.constant 0 : i32
          %dma_wait3A_168 = arith.constant 0 : i32
          %dma_wait3A_169 = tpu.memref_slice %arg3[%add3A_132, %dma_wait3A_167, %dma_wait3A_168] : memref<2688x2x120xi32, #tpu.memory_space<hbm>> -> memref<1x2x120xi32, #tpu.memory_space<hbm>>
          %dma_wait3A_170 = tpu.memref_squeeze %dma_wait3A_169 : memref<1x2x120xi32, #tpu.memory_space<hbm>> -> memref<2x120xi32, #tpu.memory_space<hbm>>
          %dma_wait3A_171 = arith.constant 0 : i32
          %dma_wait3A_172 = arith.constant 0 : i32
          %dma_wait3A_173 = tpu.memref_slice %arg7[%run_scoped3A_133, %dma_wait3A_171, %dma_wait3A_172] : memref<3x2x120xi32, #tpu.memory_space<vmem>> -> memref<1x2x120xi32, #tpu.memory_space<vmem>>
          %dma_wait3A_174 = tpu.memref_squeeze %dma_wait3A_173 : memref<1x2x120xi32, #tpu.memory_space<vmem>> -> memref<2x120xi32, #tpu.memory_space<vmem>>
          %dma_wait3A_175 = arith.constant 0 : i32
          %dma_wait3A_176 = arith.constant 0 : i32
          %dma_wait3A_177 = tpu.memref_slice %arg3[%add3A_132, %dma_wait3A_175, %dma_wait3A_176] : memref<2688x2x120xi32, #tpu.memory_space<hbm>> -> memref<1x2x120xi32, #tpu.memory_space<hbm>>
          %dma_wait3A_178 = tpu.memref_squeeze %dma_wait3A_177 : memref<1x2x120xi32, #tpu.memory_space<hbm>> -> memref<2x120xi32, #tpu.memory_space<hbm>>
          tpu.wait_dma2 semaphore(%run_scoped3A_146 : memref<!tpu.dma_semaphore, #tpu.memory_space<semaphore_mem>>) src(%dma_wait3A_178 : memref<2x120xi32, #tpu.memory_space<hbm>>) dst(%dma_wait3A_174 : memref<2x120xi32, #tpu.memory_space<vmem>>)
          tpu.yield
        }) : () -> ()
        %dma_start3A = arith.constant 2 : i32
        %dma_start3A_134 = arith.constant 0 : i32
        %dma_start3A_135 = arith.constant 2 : i32
        %dma_start3A_136 = arith.constant 0 : i32
        %dma_start3A_137 = arith.constant 0 : i32
        %dma_start3A_138 = tpu.memref_slice %arg8[%dma_start3A_135, %dma_start3A_136, %dma_start3A_137] : memref<3x120x128xf32, #tpu.memory_space<vmem>> -> memref<1x120x128xf32, #tpu.memory_space<vmem>>
        %dma_start3A_139 = tpu.memref_squeeze %dma_start3A_138 : memref<1x120x128xf32, #tpu.memory_space<vmem>> -> memref<120x128xf32, #tpu.memory_space<vmem>>
        %dma_start3A_140 = arith.constant 0 : i32
        %dma_start3A_141 = tpu.memref_slice %arg7[%dma_start3A, %dma_start3A_134, %dma_start3A_140] : memref<3x2x120xi32, #tpu.memory_space<vmem>> -> memref<1x1x120xi32, #tpu.memory_space<vmem>>
        %dma_start3A_142 = tpu.memref_squeeze %dma_start3A_141 : memref<1x1x120xi32, #tpu.memory_space<vmem>> -> memref<120xi32, #tpu.memory_space<vmem>>
        %dma_start3A_143 = arith.constant 0 : i32
        %dma_start3A_144 = arith.constant 0 : i32
        %dma_start3A_145 = tpu.memref_slice %arg2[%dma_start3A_143, %dma_start3A_144] : memref<10000x128xf32, #tpu.memory_space<hbm>> -> memref<10000x128xf32, #tpu.memory_space<hbm>>
        tpu.enqueue_indirect_dma source(%dma_start3A_145 : memref<10000x128xf32, #tpu.memory_space<hbm>>) target(%dma_start3A_139 : memref<120x128xf32, #tpu.memory_space<vmem>>) offsets(%dma_start3A_142 : memref<120xi32, #tpu.memory_space<vmem>>) semaphore(%arg12 : memref<!tpu.dma_semaphore, #tpu.memory_space<semaphore_mem>>)
      } else {
      }
      %dma_wait3A = arith.constant 0 : i32
      %dma_wait3A_66 = arith.constant 0 : i32
      %dma_wait3A_67 = arith.constant 0 : i32
      %dma_wait3A_68 = arith.constant 0 : i32
      %dma_wait3A_69 = arith.constant 0 : i32
      %dma_wait3A_70 = tpu.memref_slice %arg8[%dma_wait3A_67, %dma_wait3A_68, %dma_wait3A_69] : memref<3x120x128xf32, #tpu.memory_space<vmem>> -> memref<1x120x128xf32, #tpu.memory_space<vmem>>
      %dma_wait3A_71 = tpu.memref_squeeze %dma_wait3A_70 : memref<1x120x128xf32, #tpu.memory_space<vmem>> -> memref<120x128xf32, #tpu.memory_space<vmem>>
      %dma_wait3A_72 = arith.constant 0 : i32
      %dma_wait3A_73 = tpu.memref_slice %arg7[%dma_wait3A, %dma_wait3A_66, %dma_wait3A_72] : memref<3x2x120xi32, #tpu.memory_space<vmem>> -> memref<1x1x120xi32, #tpu.memory_space<vmem>>
      %dma_wait3A_74 = tpu.memref_squeeze %dma_wait3A_73 : memref<1x1x120xi32, #tpu.memory_space<vmem>> -> memref<120xi32, #tpu.memory_space<vmem>>
      %dma_wait3A_75 = arith.constant 0 : i32
      %dma_wait3A_76 = arith.constant 0 : i32
      %dma_wait3A_77 = tpu.memref_slice %arg2[%dma_wait3A_75, %dma_wait3A_76] : memref<10000x128xf32, #tpu.memory_space<hbm>> -> memref<10000x128xf32, #tpu.memory_space<hbm>>
      tpu.wait_indirect_dma semaphore(%arg10 : memref<!tpu.dma_semaphore, #tpu.memory_space<semaphore_mem>>) src(%dma_wait3A_77 : memref<10000x128xf32, #tpu.memory_space<hbm>>) dst(%dma_wait3A_71 : memref<120x128xf32, #tpu.memory_space<vmem>>)
      %run_scoped3A = arith.constant 0 : i32
      %run_scoped3A_78 = arith.constant 0 : i32
      %run_scoped3A_79 = arith.constant 1 : i32
      "tpu.region"() ({
        %run_scoped3A_132 = tpu.sem_alloc : memref<!tpu.dma_semaphore, #tpu.memory_space<semaphore_mem>>
        %dma_start3A = arith.constant 0 : i32
        %dma_start3A_133 = arith.constant 0 : i32
        %dma_start3A_134 = tpu.memref_slice %arg8[%run_scoped3A, %dma_start3A, %dma_start3A_133] : memref<3x120x128xf32, #tpu.memory_space<vmem>> -> memref<1x120x128xf32, #tpu.memory_space<vmem>>
        %dma_start3A_135 = tpu.memref_squeeze %dma_start3A_134 : memref<1x120x128xf32, #tpu.memory_space<vmem>> -> memref<120x128xf32, #tpu.memory_space<vmem>>
        %dma_start3A_136 = arith.constant 0 : i32
        %dma_start3A_137 = tpu.memref_slice %arg7[%run_scoped3A_78, %run_scoped3A_79, %dma_start3A_136] : memref<3x2x120xi32, #tpu.memory_space<vmem>> -> memref<1x1x120xi32, #tpu.memory_space<vmem>>
        %dma_start3A_138 = tpu.memref_squeeze %dma_start3A_137 : memref<1x1x120xi32, #tpu.memory_space<vmem>> -> memref<120xi32, #tpu.memory_space<vmem>>
        %dma_start3A_139 = arith.constant 0 : i32
        %dma_start3A_140 = arith.constant 0 : i32
        %dma_start3A_141 = tpu.memref_slice %arg9[%dma_start3A_139, %dma_start3A_140] : memref<10112x128xf32, #tpu.memory_space<vmem_shared>> -> memref<10112x128xf32, #tpu.memory_space<vmem_shared>>
        tpu.enqueue_indirect_dma source(%dma_start3A_135 : memref<120x128xf32, #tpu.memory_space<vmem>>) target(%dma_start3A_141 : memref<10112x128xf32, #tpu.memory_space<vmem_shared>>) offsets(%dma_start3A_138 : memref<120xi32, #tpu.memory_space<vmem>>) semaphore(%run_scoped3A_132 : memref<!tpu.dma_semaphore, #tpu.memory_space<semaphore_mem>>) {add = true}
        %dma_wait3A_142 = arith.constant 0 : i32
        %dma_wait3A_143 = arith.constant 0 : i32
        %dma_wait3A_144 = tpu.memref_slice %arg8[%run_scoped3A, %dma_wait3A_142, %dma_wait3A_143] : memref<3x120x128xf32, #tpu.memory_space<vmem>> -> memref<1x120x128xf32, #tpu.memory_space<vmem>>
        %dma_wait3A_145 = tpu.memref_squeeze %dma_wait3A_144 : memref<1x120x128xf32, #tpu.memory_space<vmem>> -> memref<120x128xf32, #tpu.memory_space<vmem>>
        %dma_wait3A_146 = arith.constant 0 : i32
        %dma_wait3A_147 = tpu.memref_slice %arg7[%run_scoped3A_78, %run_scoped3A_79, %dma_wait3A_146] : memref<3x2x120xi32, #tpu.memory_space<vmem>> -> memref<1x1x120xi32, #tpu.memory_space<vmem>>
        %dma_wait3A_148 = tpu.memref_squeeze %dma_wait3A_147 : memref<1x1x120xi32, #tpu.memory_space<vmem>> -> memref<120xi32, #tpu.memory_space<vmem>>
        %dma_wait3A_149 = arith.constant 0 : i32
        %dma_wait3A_150 = arith.constant 0 : i32
        %dma_wait3A_151 = tpu.memref_slice %arg9[%dma_wait3A_149, %dma_wait3A_150] : memref<10112x128xf32, #tpu.memory_space<vmem_shared>> -> memref<10112x128xf32, #tpu.memory_space<vmem_shared>>
        tpu.wait_indirect_dma semaphore(%run_scoped3A_132 : memref<!tpu.dma_semaphore, #tpu.memory_space<semaphore_mem>>) src(%dma_wait3A_145 : memref<120x128xf32, #tpu.memory_space<vmem>>) dst(%dma_wait3A_151 : memref<10112x128xf32, #tpu.memory_space<vmem_shared>>)
        tpu.yield
      }) : () -> ()
      %mul3A_80 = arith.constant 3 : i32
      %mul3A_81 = arith.muli %mul3A_80, %while3A_56 : i32
      %add3A_82 = arith.constant 1 : i32
      %add3A_83 = arith.addi %mul3A_81, %add3A_82 : i32
      %add3A_84 = arith.constant 2 : i32
      %add3A_85 = arith.addi %add3A_83, %add3A_84 : i32
      %lt3A_86 = arith.cmpi slt, %add3A_85, %select_n3A : i32
      %convert_element_type3A_87 = arith.extui %lt3A_86 : i1 to i32
      %cond3A_88 = arith.constant 0 : i32
      %cond3A_89 = arith.cmpi ne, %convert_element_type3A_87, %cond3A_88 : i32
      scf.if %cond3A_89 {
        %add3A_132 = arith.addi %select_n3A_10, %add3A_85 : i32
        %run_scoped3A_133 = arith.constant 0 : i32
        "tpu.region"() ({
          %run_scoped3A_146 = tpu.sem_alloc : memref<!tpu.dma_semaphore, #tpu.memory_space<semaphore_mem>>
          %dma_start3A_147 = arith.constant 0 : i32
          %dma_start3A_148 = arith.constant 0 : i32
          %dma_start3A_149 = tpu.memref_slice %arg7[%run_scoped3A_133, %dma_start3A_147, %dma_start3A_148] : memref<3x2x120xi32, #tpu.memory_space<vmem>> -> memref<1x2x120xi32, #tpu.memory_space<vmem>>
          %dma_start3A_150 = tpu.memref_squeeze %dma_start3A_149 : memref<1x2x120xi32, #tpu.memory_space<vmem>> -> memref<2x120xi32, #tpu.memory_space<vmem>>
          %dma_start3A_151 = arith.constant 0 : i32
          %dma_start3A_152 = arith.constant 0 : i32
          %dma_start3A_153 = tpu.memref_slice %arg3[%add3A_132, %dma_start3A_151, %dma_start3A_152] : memref<2688x2x120xi32, #tpu.memory_space<hbm>> -> memref<1x2x120xi32, #tpu.memory_space<hbm>>
          %dma_start3A_154 = tpu.memref_squeeze %dma_start3A_153 : memref<1x2x120xi32, #tpu.memory_space<hbm>> -> memref<2x120xi32, #tpu.memory_space<hbm>>
          %dma_start3A_155 = arith.constant 0 : i32
          %dma_start3A_156 = arith.constant 0 : i32
          %dma_start3A_157 = tpu.memref_slice %arg7[%run_scoped3A_133, %dma_start3A_155, %dma_start3A_156] : memref<3x2x120xi32, #tpu.memory_space<vmem>> -> memref<1x2x120xi32, #tpu.memory_space<vmem>>
          %dma_start3A_158 = tpu.memref_squeeze %dma_start3A_157 : memref<1x2x120xi32, #tpu.memory_space<vmem>> -> memref<2x120xi32, #tpu.memory_space<vmem>>
          %dma_start3A_159 = arith.constant 0 : i32
          %dma_start3A_160 = arith.constant 0 : i32
          %dma_start3A_161 = tpu.memref_slice %arg3[%add3A_132, %dma_start3A_159, %dma_start3A_160] : memref<2688x2x120xi32, #tpu.memory_space<hbm>> -> memref<1x2x120xi32, #tpu.memory_space<hbm>>
          %dma_start3A_162 = tpu.memref_squeeze %dma_start3A_161 : memref<1x2x120xi32, #tpu.memory_space<hbm>> -> memref<2x120xi32, #tpu.memory_space<hbm>>
          tpu.enqueue_dma source(%dma_start3A_162 : memref<2x120xi32, #tpu.memory_space<hbm>>) target(%dma_start3A_158 : memref<2x120xi32, #tpu.memory_space<vmem>>) target_semaphore(%run_scoped3A_146 : memref<!tpu.dma_semaphore, #tpu.memory_space<semaphore_mem>>)
          %dma_wait3A_163 = arith.constant 0 : i32
          %dma_wait3A_164 = arith.constant 0 : i32
          %dma_wait3A_165 = tpu.memref_slice %arg7[%run_scoped3A_133, %dma_wait3A_163, %dma_wait3A_164] : memref<3x2x120xi32, #tpu.memory_space<vmem>> -> memref<1x2x120xi32, #tpu.memory_space<vmem>>
          %dma_wait3A_166 = tpu.memref_squeeze %dma_wait3A_165 : memref<1x2x120xi32, #tpu.memory_space<vmem>> -> memref<2x120xi32, #tpu.memory_space<vmem>>
          %dma_wait3A_167 = arith.constant 0 : i32
          %dma_wait3A_168 = arith.constant 0 : i32
          %dma_wait3A_169 = tpu.memref_slice %arg3[%add3A_132, %dma_wait3A_167, %dma_wait3A_168] : memref<2688x2x120xi32, #tpu.memory_space<hbm>> -> memref<1x2x120xi32, #tpu.memory_space<hbm>>
          %dma_wait3A_170 = tpu.memref_squeeze %dma_wait3A_169 : memref<1x2x120xi32, #tpu.memory_space<hbm>> -> memref<2x120xi32, #tpu.memory_space<hbm>>
          %dma_wait3A_171 = arith.constant 0 : i32
          %dma_wait3A_172 = arith.constant 0 : i32
          %dma_wait3A_173 = tpu.memref_slice %arg7[%run_scoped3A_133, %dma_wait3A_171, %dma_wait3A_172] : memref<3x2x120xi32, #tpu.memory_space<vmem>> -> memref<1x2x120xi32, #tpu.memory_space<vmem>>
          %dma_wait3A_174 = tpu.memref_squeeze %dma_wait3A_173 : memref<1x2x120xi32, #tpu.memory_space<vmem>> -> memref<2x120xi32, #tpu.memory_space<vmem>>
          %dma_wait3A_175 = arith.constant 0 : i32
          %dma_wait3A_176 = arith.constant 0 : i32
          %dma_wait3A_177 = tpu.memref_slice %arg3[%add3A_132, %dma_wait3A_175, %dma_wait3A_176] : memref<2688x2x120xi32, #tpu.memory_space<hbm>> -> memref<1x2x120xi32, #tpu.memory_space<hbm>>
          %dma_wait3A_178 = tpu.memref_squeeze %dma_wait3A_177 : memref<1x2x120xi32, #tpu.memory_space<hbm>> -> memref<2x120xi32, #tpu.memory_space<hbm>>
          tpu.wait_dma2 semaphore(%run_scoped3A_146 : memref<!tpu.dma_semaphore, #tpu.memory_space<semaphore_mem>>) src(%dma_wait3A_178 : memref<2x120xi32, #tpu.memory_space<hbm>>) dst(%dma_wait3A_174 : memref<2x120xi32, #tpu.memory_space<vmem>>)
          tpu.yield
        }) : () -> ()
        %dma_start3A = arith.constant 0 : i32
        %dma_start3A_134 = arith.constant 0 : i32
        %dma_start3A_135 = arith.constant 0 : i32
        %dma_start3A_136 = arith.constant 0 : i32
        %dma_start3A_137 = arith.constant 0 : i32
        %dma_start3A_138 = tpu.memref_slice %arg8[%dma_start3A_135, %dma_start3A_136, %dma_start3A_137] : memref<3x120x128xf32, #tpu.memory_space<vmem>> -> memref<1x120x128xf32, #tpu.memory_space<vmem>>
        %dma_start3A_139 = tpu.memref_squeeze %dma_start3A_138 : memref<1x120x128xf32, #tpu.memory_space<vmem>> -> memref<120x128xf32, #tpu.memory_space<vmem>>
        %dma_start3A_140 = arith.constant 0 : i32
        %dma_start3A_141 = tpu.memref_slice %arg7[%dma_start3A, %dma_start3A_134, %dma_start3A_140] : memref<3x2x120xi32, #tpu.memory_space<vmem>> -> memref<1x1x120xi32, #tpu.memory_space<vmem>>
        %dma_start3A_142 = tpu.memref_squeeze %dma_start3A_141 : memref<1x1x120xi32, #tpu.memory_space<vmem>> -> memref<120xi32, #tpu.memory_space<vmem>>
        %dma_start3A_143 = arith.constant 0 : i32
        %dma_start3A_144 = arith.constant 0 : i32
        %dma_start3A_145 = tpu.memref_slice %arg2[%dma_start3A_143, %dma_start3A_144] : memref<10000x128xf32, #tpu.memory_space<hbm>> -> memref<10000x128xf32, #tpu.memory_space<hbm>>
        tpu.enqueue_indirect_dma source(%dma_start3A_145 : memref<10000x128xf32, #tpu.memory_space<hbm>>) target(%dma_start3A_139 : memref<120x128xf32, #tpu.memory_space<vmem>>) offsets(%dma_start3A_142 : memref<120xi32, #tpu.memory_space<vmem>>) semaphore(%arg10 : memref<!tpu.dma_semaphore, #tpu.memory_space<semaphore_mem>>)
      } else {
      }
      %dma_wait3A_90 = arith.constant 1 : i32
      %dma_wait3A_91 = arith.constant 0 : i32
      %dma_wait3A_92 = arith.constant 1 : i32
      %dma_wait3A_93 = arith.constant 0 : i32
      %dma_wait3A_94 = arith.constant 0 : i32
      %dma_wait3A_95 = tpu.memref_slice %arg8[%dma_wait3A_92, %dma_wait3A_93, %dma_wait3A_94] : memref<3x120x128xf32, #tpu.memory_space<vmem>> -> memref<1x120x128xf32, #tpu.memory_space<vmem>>
      %dma_wait3A_96 = tpu.memref_squeeze %dma_wait3A_95 : memref<1x120x128xf32, #tpu.memory_space<vmem>> -> memref<120x128xf32, #tpu.memory_space<vmem>>
      %dma_wait3A_97 = arith.constant 0 : i32
      %dma_wait3A_98 = tpu.memref_slice %arg7[%dma_wait3A_90, %dma_wait3A_91, %dma_wait3A_97] : memref<3x2x120xi32, #tpu.memory_space<vmem>> -> memref<1x1x120xi32, #tpu.memory_space<vmem>>
      %dma_wait3A_99 = tpu.memref_squeeze %dma_wait3A_98 : memref<1x1x120xi32, #tpu.memory_space<vmem>> -> memref<120xi32, #tpu.memory_space<vmem>>
      %dma_wait3A_100 = arith.constant 0 : i32
      %dma_wait3A_101 = arith.constant 0 : i32
      %dma_wait3A_102 = tpu.memref_slice %arg2[%dma_wait3A_100, %dma_wait3A_101] : memref<10000x128xf32, #tpu.memory_space<hbm>> -> memref<10000x128xf32, #tpu.memory_space<hbm>>
      tpu.wait_indirect_dma semaphore(%arg11 : memref<!tpu.dma_semaphore, #tpu.memory_space<semaphore_mem>>) src(%dma_wait3A_102 : memref<10000x128xf32, #tpu.memory_space<hbm>>) dst(%dma_wait3A_96 : memref<120x128xf32, #tpu.memory_space<vmem>>)
      %run_scoped3A_103 = arith.constant 1 : i32
      %run_scoped3A_104 = arith.constant 1 : i32
      %run_scoped3A_105 = arith.constant 1 : i32
      "tpu.region"() ({
        %run_scoped3A_132 = tpu.sem_alloc : memref<!tpu.dma_semaphore, #tpu.memory_space<semaphore_mem>>
        %dma_start3A = arith.constant 0 : i32
        %dma_start3A_133 = arith.constant 0 : i32
        %dma_start3A_134 = tpu.memref_slice %arg8[%run_scoped3A_103, %dma_start3A, %dma_start3A_133] : memref<3x120x128xf32, #tpu.memory_space<vmem>> -> memref<1x120x128xf32, #tpu.memory_space<vmem>>
        %dma_start3A_135 = tpu.memref_squeeze %dma_start3A_134 : memref<1x120x128xf32, #tpu.memory_space<vmem>> -> memref<120x128xf32, #tpu.memory_space<vmem>>
        %dma_start3A_136 = arith.constant 0 : i32
        %dma_start3A_137 = tpu.memref_slice %arg7[%run_scoped3A_104, %run_scoped3A_105, %dma_start3A_136] : memref<3x2x120xi32, #tpu.memory_space<vmem>> -> memref<1x1x120xi32, #tpu.memory_space<vmem>>
        %dma_start3A_138 = tpu.memref_squeeze %dma_start3A_137 : memref<1x1x120xi32, #tpu.memory_space<vmem>> -> memref<120xi32, #tpu.memory_space<vmem>>
        %dma_start3A_139 = arith.constant 0 : i32
        %dma_start3A_140 = arith.constant 0 : i32
        %dma_start3A_141 = tpu.memref_slice %arg9[%dma_start3A_139, %dma_start3A_140] : memref<10112x128xf32, #tpu.memory_space<vmem_shared>> -> memref<10112x128xf32, #tpu.memory_space<vmem_shared>>
        tpu.enqueue_indirect_dma source(%dma_start3A_135 : memref<120x128xf32, #tpu.memory_space<vmem>>) target(%dma_start3A_141 : memref<10112x128xf32, #tpu.memory_space<vmem_shared>>) offsets(%dma_start3A_138 : memref<120xi32, #tpu.memory_space<vmem>>) semaphore(%run_scoped3A_132 : memref<!tpu.dma_semaphore, #tpu.memory_space<semaphore_mem>>) {add = true}
        %dma_wait3A_142 = arith.constant 0 : i32
        %dma_wait3A_143 = arith.constant 0 : i32
        %dma_wait3A_144 = tpu.memref_slice %arg8[%run_scoped3A_103, %dma_wait3A_142, %dma_wait3A_143] : memref<3x120x128xf32, #tpu.memory_space<vmem>> -> memref<1x120x128xf32, #tpu.memory_space<vmem>>
        %dma_wait3A_145 = tpu.memref_squeeze %dma_wait3A_144 : memref<1x120x128xf32, #tpu.memory_space<vmem>> -> memref<120x128xf32, #tpu.memory_space<vmem>>
        %dma_wait3A_146 = arith.constant 0 : i32
        %dma_wait3A_147 = tpu.memref_slice %arg7[%run_scoped3A_104, %run_scoped3A_105, %dma_wait3A_146] : memref<3x2x120xi32, #tpu.memory_space<vmem>> -> memref<1x1x120xi32, #tpu.memory_space<vmem>>
        %dma_wait3A_148 = tpu.memref_squeeze %dma_wait3A_147 : memref<1x1x120xi32, #tpu.memory_space<vmem>> -> memref<120xi32, #tpu.memory_space<vmem>>
        %dma_wait3A_149 = arith.constant 0 : i32
        %dma_wait3A_150 = arith.constant 0 : i32
        %dma_wait3A_151 = tpu.memref_slice %arg9[%dma_wait3A_149, %dma_wait3A_150] : memref<10112x128xf32, #tpu.memory_space<vmem_shared>> -> memref<10112x128xf32, #tpu.memory_space<vmem_shared>>
        tpu.wait_indirect_dma semaphore(%run_scoped3A_132 : memref<!tpu.dma_semaphore, #tpu.memory_space<semaphore_mem>>) src(%dma_wait3A_145 : memref<120x128xf32, #tpu.memory_space<vmem>>) dst(%dma_wait3A_151 : memref<10112x128xf32, #tpu.memory_space<vmem_shared>>)
        tpu.yield
      }) : () -> ()
      %mul3A_106 = arith.constant 3 : i32
      %mul3A_107 = arith.muli %mul3A_106, %while3A_56 : i32
      %add3A_108 = arith.constant 2 : i32
      %add3A_109 = arith.addi %mul3A_107, %add3A_108 : i32
      %add3A_110 = arith.constant 2 : i32
      %add3A_111 = arith.addi %add3A_109, %add3A_110 : i32
      %lt3A_112 = arith.cmpi slt, %add3A_111, %select_n3A : i32
      %convert_element_type3A_113 = arith.extui %lt3A_112 : i1 to i32
      %cond3A_114 = arith.constant 0 : i32
      %cond3A_115 = arith.cmpi ne, %convert_element_type3A_113, %cond3A_114 : i32
      scf.if %cond3A_115 {
        %add3A_132 = arith.addi %select_n3A_10, %add3A_111 : i32
        %run_scoped3A_133 = arith.constant 1 : i32
        "tpu.region"() ({
          %run_scoped3A_146 = tpu.sem_alloc : memref<!tpu.dma_semaphore, #tpu.memory_space<semaphore_mem>>
          %dma_start3A_147 = arith.constant 0 : i32
          %dma_start3A_148 = arith.constant 0 : i32
          %dma_start3A_149 = tpu.memref_slice %arg7[%run_scoped3A_133, %dma_start3A_147, %dma_start3A_148] : memref<3x2x120xi32, #tpu.memory_space<vmem>> -> memref<1x2x120xi32, #tpu.memory_space<vmem>>
          %dma_start3A_150 = tpu.memref_squeeze %dma_start3A_149 : memref<1x2x120xi32, #tpu.memory_space<vmem>> -> memref<2x120xi32, #tpu.memory_space<vmem>>
          %dma_start3A_151 = arith.constant 0 : i32
          %dma_start3A_152 = arith.constant 0 : i32
          %dma_start3A_153 = tpu.memref_slice %arg3[%add3A_132, %dma_start3A_151, %dma_start3A_152] : memref<2688x2x120xi32, #tpu.memory_space<hbm>> -> memref<1x2x120xi32, #tpu.memory_space<hbm>>
          %dma_start3A_154 = tpu.memref_squeeze %dma_start3A_153 : memref<1x2x120xi32, #tpu.memory_space<hbm>> -> memref<2x120xi32, #tpu.memory_space<hbm>>
          %dma_start3A_155 = arith.constant 0 : i32
          %dma_start3A_156 = arith.constant 0 : i32
          %dma_start3A_157 = tpu.memref_slice %arg7[%run_scoped3A_133, %dma_start3A_155, %dma_start3A_156] : memref<3x2x120xi32, #tpu.memory_space<vmem>> -> memref<1x2x120xi32, #tpu.memory_space<vmem>>
          %dma_start3A_158 = tpu.memref_squeeze %dma_start3A_157 : memref<1x2x120xi32, #tpu.memory_space<vmem>> -> memref<2x120xi32, #tpu.memory_space<vmem>>
          %dma_start3A_159 = arith.constant 0 : i32
          %dma_start3A_160 = arith.constant 0 : i32
          %dma_start3A_161 = tpu.memref_slice %arg3[%add3A_132, %dma_start3A_159, %dma_start3A_160] : memref<2688x2x120xi32, #tpu.memory_space<hbm>> -> memref<1x2x120xi32, #tpu.memory_space<hbm>>
          %dma_start3A_162 = tpu.memref_squeeze %dma_start3A_161 : memref<1x2x120xi32, #tpu.memory_space<hbm>> -> memref<2x120xi32, #tpu.memory_space<hbm>>
          tpu.enqueue_dma source(%dma_start3A_162 : memref<2x120xi32, #tpu.memory_space<hbm>>) target(%dma_start3A_158 : memref<2x120xi32, #tpu.memory_space<vmem>>) target_semaphore(%run_scoped3A_146 : memref<!tpu.dma_semaphore, #tpu.memory_space<semaphore_mem>>)
          %dma_wait3A_163 = arith.constant 0 : i32
          %dma_wait3A_164 = arith.constant 0 : i32
          %dma_wait3A_165 = tpu.memref_slice %arg7[%run_scoped3A_133, %dma_wait3A_163, %dma_wait3A_164] : memref<3x2x120xi32, #tpu.memory_space<vmem>> -> memref<1x2x120xi32, #tpu.memory_space<vmem>>
          %dma_wait3A_166 = tpu.memref_squeeze %dma_wait3A_165 : memref<1x2x120xi32, #tpu.memory_space<vmem>> -> memref<2x120xi32, #tpu.memory_space<vmem>>
          %dma_wait3A_167 = arith.constant 0 : i32
          %dma_wait3A_168 = arith.constant 0 : i32
          %dma_wait3A_169 = tpu.memref_slice %arg3[%add3A_132, %dma_wait3A_167, %dma_wait3A_168] : memref<2688x2x120xi32, #tpu.memory_space<hbm>> -> memref<1x2x120xi32, #tpu.memory_space<hbm>>
          %dma_wait3A_170 = tpu.memref_squeeze %dma_wait3A_169 : memref<1x2x120xi32, #tpu.memory_space<hbm>> -> memref<2x120xi32, #tpu.memory_space<hbm>>
          %dma_wait3A_171 = arith.constant 0 : i32
          %dma_wait3A_172 = arith.constant 0 : i32
          %dma_wait3A_173 = tpu.memref_slice %arg7[%run_scoped3A_133, %dma_wait3A_171, %dma_wait3A_172] : memref<3x2x120xi32, #tpu.memory_space<vmem>> -> memref<1x2x120xi32, #tpu.memory_space<vmem>>
          %dma_wait3A_174 = tpu.memref_squeeze %dma_wait3A_173 : memref<1x2x120xi32, #tpu.memory_space<vmem>> -> memref<2x120xi32, #tpu.memory_space<vmem>>
          %dma_wait3A_175 = arith.constant 0 : i32
          %dma_wait3A_176 = arith.constant 0 : i32
          %dma_wait3A_177 = tpu.memref_slice %arg3[%add3A_132, %dma_wait3A_175, %dma_wait3A_176] : memref<2688x2x120xi32, #tpu.memory_space<hbm>> -> memref<1x2x120xi32, #tpu.memory_space<hbm>>
          %dma_wait3A_178 = tpu.memref_squeeze %dma_wait3A_177 : memref<1x2x120xi32, #tpu.memory_space<hbm>> -> memref<2x120xi32, #tpu.memory_space<hbm>>
          tpu.wait_dma2 semaphore(%run_scoped3A_146 : memref<!tpu.dma_semaphore, #tpu.memory_space<semaphore_mem>>) src(%dma_wait3A_178 : memref<2x120xi32, #tpu.memory_space<hbm>>) dst(%dma_wait3A_174 : memref<2x120xi32, #tpu.memory_space<vmem>>)
          tpu.yield
        }) : () -> ()
        %dma_start3A = arith.constant 1 : i32
        %dma_start3A_134 = arith.constant 0 : i32
        %dma_start3A_135 = arith.constant 1 : i32
        %dma_start3A_136 = arith.constant 0 : i32
        %dma_start3A_137 = arith.constant 0 : i32
        %dma_start3A_138 = tpu.memref_slice %arg8[%dma_start3A_135, %dma_start3A_136, %dma_start3A_137] : memref<3x120x128xf32, #tpu.memory_space<vmem>> -> memref<1x120x128xf32, #tpu.memory_space<vmem>>
        %dma_start3A_139 = tpu.memref_squeeze %dma_start3A_138 : memref<1x120x128xf32, #tpu.memory_space<vmem>> -> memref<120x128xf32, #tpu.memory_space<vmem>>
        %dma_start3A_140 = arith.constant 0 : i32
        %dma_start3A_141 = tpu.memref_slice %arg7[%dma_start3A, %dma_start3A_134, %dma_start3A_140] : memref<3x2x120xi32, #tpu.memory_space<vmem>> -> memref<1x1x120xi32, #tpu.memory_space<vmem>>
        %dma_start3A_142 = tpu.memref_squeeze %dma_start3A_141 : memref<1x1x120xi32, #tpu.memory_space<vmem>> -> memref<120xi32, #tpu.memory_space<vmem>>
        %dma_start3A_143 = arith.constant 0 : i32
        %dma_start3A_144 = arith.constant 0 : i32
        %dma_start3A_145 = tpu.memref_slice %arg2[%dma_start3A_143, %dma_start3A_144] : memref<10000x128xf32, #tpu.memory_space<hbm>> -> memref<10000x128xf32, #tpu.memory_space<hbm>>
        tpu.enqueue_indirect_dma source(%dma_start3A_145 : memref<10000x128xf32, #tpu.memory_space<hbm>>) target(%dma_start3A_139 : memref<120x128xf32, #tpu.memory_space<vmem>>) offsets(%dma_start3A_142 : memref<120xi32, #tpu.memory_space<vmem>>) semaphore(%arg11 : memref<!tpu.dma_semaphore, #tpu.memory_space<semaphore_mem>>)
      } else {
      }
      %dma_wait3A_116 = arith.constant 2 : i32
      %dma_wait3A_117 = arith.constant 0 : i32
      %dma_wait3A_118 = arith.constant 2 : i32
      %dma_wait3A_119 = arith.constant 0 : i32
      %dma_wait3A_120 = arith.constant 0 : i32
      %dma_wait3A_121 = tpu.memref_slice %arg8[%dma_wait3A_118, %dma_wait3A_119, %dma_wait3A_120] : memref<3x120x128xf32, #tpu.memory_space<vmem>> -> memref<1x120x128xf32, #tpu.memory_space<vmem>>
      %dma_wait3A_122 = tpu.memref_squeeze %dma_wait3A_121 : memref<1x120x128xf32, #tpu.memory_space<vmem>> -> memref<120x128xf32, #tpu.memory_space<vmem>>
      %dma_wait3A_123 = arith.constant 0 : i32
      %dma_wait3A_124 = tpu.memref_slice %arg7[%dma_wait3A_116, %dma_wait3A_117, %dma_wait3A_123] : memref<3x2x120xi32, #tpu.memory_space<vmem>> -> memref<1x1x120xi32, #tpu.memory_space<vmem>>
      %dma_wait3A_125 = tpu.memref_squeeze %dma_wait3A_124 : memref<1x1x120xi32, #tpu.memory_space<vmem>> -> memref<120xi32, #tpu.memory_space<vmem>>
      %dma_wait3A_126 = arith.constant 0 : i32
      %dma_wait3A_127 = arith.constant 0 : i32
      %dma_wait3A_128 = tpu.memref_slice %arg2[%dma_wait3A_126, %dma_wait3A_127] : memref<10000x128xf32, #tpu.memory_space<hbm>> -> memref<10000x128xf32, #tpu.memory_space<hbm>>
      tpu.wait_indirect_dma semaphore(%arg12 : memref<!tpu.dma_semaphore, #tpu.memory_space<semaphore_mem>>) src(%dma_wait3A_128 : memref<10000x128xf32, #tpu.memory_space<hbm>>) dst(%dma_wait3A_122 : memref<120x128xf32, #tpu.memory_space<vmem>>)
      %run_scoped3A_129 = arith.constant 2 : i32
      %run_scoped3A_130 = arith.constant 2 : i32
      %run_scoped3A_131 = arith.constant 1 : i32
      "tpu.region"() ({
        %run_scoped3A_132 = tpu.sem_alloc : memref<!tpu.dma_semaphore, #tpu.memory_space<semaphore_mem>>
        %dma_start3A = arith.constant 0 : i32
        %dma_start3A_133 = arith.constant 0 : i32
        %dma_start3A_134 = tpu.memref_slice %arg8[%run_scoped3A_129, %dma_start3A, %dma_start3A_133] : memref<3x120x128xf32, #tpu.memory_space<vmem>> -> memref<1x120x128xf32, #tpu.memory_space<vmem>>
        %dma_start3A_135 = tpu.memref_squeeze %dma_start3A_134 : memref<1x120x128xf32, #tpu.memory_space<vmem>> -> memref<120x128xf32, #tpu.memory_space<vmem>>
        %dma_start3A_136 = arith.constant 0 : i32
        %dma_start3A_137 = tpu.memref_slice %arg7[%run_scoped3A_130, %run_scoped3A_131, %dma_start3A_136] : memref<3x2x120xi32, #tpu.memory_space<vmem>> -> memref<1x1x120xi32, #tpu.memory_space<vmem>>
        %dma_start3A_138 = tpu.memref_squeeze %dma_start3A_137 : memref<1x1x120xi32, #tpu.memory_space<vmem>> -> memref<120xi32, #tpu.memory_space<vmem>>
        %dma_start3A_139 = arith.constant 0 : i32
        %dma_start3A_140 = arith.constant 0 : i32
        %dma_start3A_141 = tpu.memref_slice %arg9[%dma_start3A_139, %dma_start3A_140] : memref<10112x128xf32, #tpu.memory_space<vmem_shared>> -> memref<10112x128xf32, #tpu.memory_space<vmem_shared>>
        tpu.enqueue_indirect_dma source(%dma_start3A_135 : memref<120x128xf32, #tpu.memory_space<vmem>>) target(%dma_start3A_141 : memref<10112x128xf32, #tpu.memory_space<vmem_shared>>) offsets(%dma_start3A_138 : memref<120xi32, #tpu.memory_space<vmem>>) semaphore(%run_scoped3A_132 : memref<!tpu.dma_semaphore, #tpu.memory_space<semaphore_mem>>) {add = true}
        %dma_wait3A_142 = arith.constant 0 : i32
        %dma_wait3A_143 = arith.constant 0 : i32
        %dma_wait3A_144 = tpu.memref_slice %arg8[%run_scoped3A_129, %dma_wait3A_142, %dma_wait3A_143] : memref<3x120x128xf32, #tpu.memory_space<vmem>> -> memref<1x120x128xf32, #tpu.memory_space<vmem>>
        %dma_wait3A_145 = tpu.memref_squeeze %dma_wait3A_144 : memref<1x120x128xf32, #tpu.memory_space<vmem>> -> memref<120x128xf32, #tpu.memory_space<vmem>>
        %dma_wait3A_146 = arith.constant 0 : i32
        %dma_wait3A_147 = tpu.memref_slice %arg7[%run_scoped3A_130, %run_scoped3A_131, %dma_wait3A_146] : memref<3x2x120xi32, #tpu.memory_space<vmem>> -> memref<1x1x120xi32, #tpu.memory_space<vmem>>
        %dma_wait3A_148 = tpu.memref_squeeze %dma_wait3A_147 : memref<1x1x120xi32, #tpu.memory_space<vmem>> -> memref<120xi32, #tpu.memory_space<vmem>>
        %dma_wait3A_149 = arith.constant 0 : i32
        %dma_wait3A_150 = arith.constant 0 : i32
        %dma_wait3A_151 = tpu.memref_slice %arg9[%dma_wait3A_149, %dma_wait3A_150] : memref<10112x128xf32, #tpu.memory_space<vmem_shared>> -> memref<10112x128xf32, #tpu.memory_space<vmem_shared>>
        tpu.wait_indirect_dma semaphore(%run_scoped3A_132 : memref<!tpu.dma_semaphore, #tpu.memory_space<semaphore_mem>>) src(%dma_wait3A_145 : memref<120x128xf32, #tpu.memory_space<vmem>>) dst(%dma_wait3A_151 : memref<10112x128xf32, #tpu.memory_space<vmem_shared>>)
        tpu.yield
      }) : () -> ()
    }
    %barrier3A_45 = arith.constant 0 : index
    tpu.barrier barrier_id(%barrier3A_45)
    %eq3A_46 = arith.constant 0 : i32
    %eq3A_47 = arith.cmpi eq, %arg0, %eq3A_46 : i32
    %convert_element_type3A_48 = arith.extui %eq3A_47 : i1 to i32
    %cond3A_49 = arith.constant 0 : i32
    %cond3A_50 = arith.cmpi ne, %convert_element_type3A_48, %cond3A_49 : i32
    scf.if %cond3A_50 {
      "tpu.region"() ({
        %run_scoped3A = tpu.sem_alloc : memref<!tpu.dma_semaphore, #tpu.memory_space<semaphore_mem>>
        %dma_start3A = arith.constant 0 : i32
        %dma_start3A_56 = tpu.memref_slice %arg5[%mul3A_0, %dma_start3A] : memref<10112x128xf32, #tpu.memory_space<hbm>> -> memref<632x128xf32, #tpu.memory_space<hbm>>
        %dma_start3A_57 = arith.constant 0 : i32
        %dma_start3A_58 = tpu.memref_slice %arg9[%mul3A_0, %dma_start3A_57] : memref<10112x128xf32, #tpu.memory_space<vmem_shared>> -> memref<632x128xf32, #tpu.memory_space<vmem_shared>>
        tpu.enqueue_dma source(%dma_start3A_58 : memref<632x128xf32, #tpu.memory_space<vmem_shared>>) target(%dma_start3A_56 : memref<632x128xf32, #tpu.memory_space<hbm>>) target_semaphore(%run_scoped3A : memref<!tpu.dma_semaphore, #tpu.memory_space<semaphore_mem>>)
        %dma_wait3A = arith.constant 0 : i32
        %dma_wait3A_59 = tpu.memref_slice %arg5[%mul3A_0, %dma_wait3A] : memref<10112x128xf32, #tpu.memory_space<hbm>> -> memref<632x128xf32, #tpu.memory_space<hbm>>
        %dma_wait3A_60 = arith.constant 0 : i32
        %dma_wait3A_61 = tpu.memref_slice %arg9[%mul3A_0, %dma_wait3A_60] : memref<10112x128xf32, #tpu.memory_space<vmem_shared>> -> memref<632x128xf32, #tpu.memory_space<vmem_shared>>
        tpu.wait_dma2 semaphore(%run_scoped3A : memref<!tpu.dma_semaphore, #tpu.memory_space<semaphore_mem>>) src(%dma_wait3A_61 : memref<632x128xf32, #tpu.memory_space<vmem_shared>>) dst(%dma_wait3A_59 : memref<632x128xf32, #tpu.memory_space<hbm>>)
        tpu.yield
      }) : () -> ()
    } else {
    }
    %eq3A_51 = arith.constant 1 : i32
    %eq3A_52 = arith.cmpi eq, %arg0, %eq3A_51 : i32
    %convert_element_type3A_53 = arith.extui %eq3A_52 : i1 to i32
    %cond3A_54 = arith.constant 0 : i32
    %cond3A_55 = arith.cmpi ne, %convert_element_type3A_53, %cond3A_54 : i32
    scf.if %cond3A_55 {
      "tpu.region"() ({
        %run_scoped3A = tpu.sem_alloc : memref<!tpu.dma_semaphore, #tpu.memory_space<semaphore_mem>>
        %dma_start3A = arith.constant 0 : i32
        %dma_start3A_56 = tpu.memref_slice %arg6[%mul3A_0, %dma_start3A] : memref<10112x128xf32, #tpu.memory_space<hbm>> -> memref<632x128xf32, #tpu.memory_space<hbm>>
        %dma_start3A_57 = arith.constant 0 : i32
        %dma_start3A_58 = tpu.memref_slice %arg9[%mul3A_0, %dma_start3A_57] : memref<10112x128xf32, #tpu.memory_space<vmem_shared>> -> memref<632x128xf32, #tpu.memory_space<vmem_shared>>
        tpu.enqueue_dma source(%dma_start3A_58 : memref<632x128xf32, #tpu.memory_space<vmem_shared>>) target(%dma_start3A_56 : memref<632x128xf32, #tpu.memory_space<hbm>>) target_semaphore(%run_scoped3A : memref<!tpu.dma_semaphore, #tpu.memory_space<semaphore_mem>>)
        %dma_wait3A = arith.constant 0 : i32
        %dma_wait3A_59 = tpu.memref_slice %arg6[%mul3A_0, %dma_wait3A] : memref<10112x128xf32, #tpu.memory_space<hbm>> -> memref<632x128xf32, #tpu.memory_space<hbm>>
        %dma_wait3A_60 = arith.constant 0 : i32
        %dma_wait3A_61 = tpu.memref_slice %arg9[%mul3A_0, %dma_wait3A_60] : memref<10112x128xf32, #tpu.memory_space<vmem_shared>> -> memref<632x128xf32, #tpu.memory_space<vmem_shared>>
        tpu.wait_dma2 semaphore(%run_scoped3A : memref<!tpu.dma_semaphore, #tpu.memory_space<semaphore_mem>>) src(%dma_wait3A_61 : memref<632x128xf32, #tpu.memory_space<vmem_shared>>) dst(%dma_wait3A_59 : memref<632x128xf32, #tpu.memory_space<hbm>>)
        tpu.yield
      }) : () -> ()
    } else {
    }
    return
  }
}

#map = affine_map<(d0, d1) -> (0, 0)>
#map1 = affine_map<(d0, d1) -> (0, 0, 0)>
module attributes {stable_mosaic.version = 14 : i64} {
  func.func @agg_kernel(%arg0: i32, %arg1: i32, %arg2: memref<10000x128xf32, #tpu.memory_space<hbm>>, %arg3: memref<2688x2x120xi32, #tpu.memory_space<hbm>>, %arg4: memref<10112x128xf32, #tpu.memory_space<hbm>>, %arg5: memref<10112x128xf32, #tpu.memory_space<hbm>>, %arg6: memref<10112x128xf32, #tpu.memory_space<hbm>>, %arg7: memref<3x2x120xi32, #tpu.memory_space<vmem>>, %arg8: memref<3x120x128xf32, #tpu.memory_space<vmem>>, %arg9: memref<10112x128xf32, #tpu.memory_space<vmem_shared>>, %arg10: memref<!tpu.dma_semaphore, #tpu.memory_space<semaphore_mem>>, %arg11: memref<!tpu.dma_semaphore, #tpu.memory_space<semaphore_mem>>, %arg12: memref<!tpu.dma_semaphore, #tpu.memory_space<semaphore_mem>>) attributes {dimension_semantics = [#tpu.dimension_semantics<core_parallel>, #tpu.dimension_semantics<subcore_parallel>], iteration_bounds = array<i64: 2, 16>, scalar_prefetch = 0 : i64, scratch_operands = 6 : i64, tpu.core_type = #tpu.core_type<sc_vector_subcore>, window_params = [{transform_indices = #map}, {transform_indices = #map1}, {transform_indices = #map}, {transform_indices = #map}, {transform_indices = #map}]} {
    %mul3A = arith.constant 632 : i32
    %mul3A_0 = arith.muli %arg1, %mul3A : i32
    "tpu.region"() ({
      %run_scoped3A = tpu.sem_alloc : memref<!tpu.dma_semaphore, #tpu.memory_space<semaphore_mem>>
      %dma_start3A = arith.constant 0 : i32
      %dma_start3A_56 = tpu.memref_slice %arg9[%mul3A_0, %dma_start3A] : memref<10112x128xf32, #tpu.memory_space<vmem_shared>> -> memref<632x128xf32, #tpu.memory_space<vmem_shared>>
      %dma_start3A_57 = arith.constant 0 : i32
      %dma_start3A_58 = tpu.memref_slice %arg4[%mul3A_0, %dma_start3A_57] : memref<10112x128xf32, #tpu.memory_space<hbm>> -> memref<632x128xf32, #tpu.memory_space<hbm>>
      tpu.enqueue_dma source(%dma_start3A_58 : memref<632x128xf32, #tpu.memory_space<hbm>>) target(%dma_start3A_56 : memref<632x128xf32, #tpu.memory_space<vmem_shared>>) target_semaphore(%run_scoped3A : memref<!tpu.dma_semaphore, #tpu.memory_space<semaphore_mem>>)
      %dma_wait3A = arith.constant 0 : i32
      %dma_wait3A_59 = tpu.memref_slice %arg9[%mul3A_0, %dma_wait3A] : memref<10112x128xf32, #tpu.memory_space<vmem_shared>> -> memref<632x128xf32, #tpu.memory_space<vmem_shared>>
      %dma_wait3A_60 = arith.constant 0 : i32
      %dma_wait3A_61 = tpu.memref_slice %arg4[%mul3A_0, %dma_wait3A_60] : memref<10112x128xf32, #tpu.memory_space<hbm>> -> memref<632x128xf32, #tpu.memory_space<hbm>>
      tpu.wait_dma2 semaphore(%run_scoped3A : memref<!tpu.dma_semaphore, #tpu.memory_space<semaphore_mem>>) src(%dma_wait3A_61 : memref<632x128xf32, #tpu.memory_space<hbm>>) dst(%dma_wait3A_59 : memref<632x128xf32, #tpu.memory_space<vmem_shared>>)
      tpu.yield
    }) : () -> ()
    %barrier3A = arith.constant 0 : index
    tpu.barrier barrier_id(%barrier3A)
    %eq3A = arith.constant 0 : i32
    %eq3A_1 = arith.cmpi eq, %arg0, %eq3A : i32
    %jit3A = arith.constant 138 : i32
    %jit3A_2 = arith.constant 30 : i32
    %select_n3A = arith.select %eq3A_1, %jit3A, %jit3A_2 : i32
    %eq3A_3 = arith.constant 0 : i32
    %eq3A_4 = arith.cmpi eq, %arg0, %eq3A_3 : i32
    %mul3A_5 = arith.constant 138 : i32
    %mul3A_6 = arith.muli %arg1, %mul3A_5 : i32
    %mul3A_7 = arith.constant 30 : i32
    %mul3A_8 = arith.muli %arg1, %mul3A_7 : i32
    %add3A = arith.constant 2208 : i32
    %add3A_9 = arith.addi %add3A, %mul3A_8 : i32
    %select_n3A_10 = arith.select %eq3A_4, %mul3A_6, %add3A_9 : i32
    %gt3A = arith.constant 0 : i32
    %gt3A_11 = arith.cmpi sgt, %select_n3A, %gt3A : i32
    %convert_element_type3A = arith.extui %gt3A_11 : i1 to i32
    %cond3A = arith.constant 0 : i32
    %cond3A_12 = arith.cmpi ne, %convert_element_type3A, %cond3A : i32
    scf.if %cond3A_12 {
      %add3A_56 = arith.constant 0 : i32
      %add3A_57 = arith.addi %select_n3A_10, %add3A_56 : i32
      %run_scoped3A = arith.constant 0 : i32
      "tpu.region"() ({
        %run_scoped3A_70 = tpu.sem_alloc : memref<!tpu.dma_semaphore, #tpu.memory_space<semaphore_mem>>
        %dma_start3A_71 = arith.constant 0 : i32
        %dma_start3A_72 = arith.constant 0 : i32
        %dma_start3A_73 = tpu.memref_slice %arg7[%run_scoped3A, %dma_start3A_71, %dma_start3A_72] : memref<3x2x120xi32, #tpu.memory_space<vmem>> -> memref<1x2x120xi32, #tpu.memory_space<vmem>>
        %dma_start3A_74 = tpu.memref_squeeze %dma_start3A_73 : memref<1x2x120xi32, #tpu.memory_space<vmem>> -> memref<2x120xi32, #tpu.memory_space<vmem>>
        %dma_start3A_75 = arith.constant 0 : i32
        %dma_start3A_76 = arith.constant 0 : i32
        %dma_start3A_77 = tpu.memref_slice %arg3[%add3A_57, %dma_start3A_75, %dma_start3A_76] : memref<2688x2x120xi32, #tpu.memory_space<hbm>> -> memref<1x2x120xi32, #tpu.memory_space<hbm>>
        %dma_start3A_78 = tpu.memref_squeeze %dma_start3A_77 : memref<1x2x120xi32, #tpu.memory_space<hbm>> -> memref<2x120xi32, #tpu.memory_space<hbm>>
        %dma_start3A_79 = arith.constant 0 : i32
        %dma_start3A_80 = arith.constant 0 : i32
        %dma_start3A_81 = tpu.memref_slice %arg7[%run_scoped3A, %dma_start3A_79, %dma_start3A_80] : memref<3x2x120xi32, #tpu.memory_space<vmem>> -> memref<1x2x120xi32, #tpu.memory_space<vmem>>
        %dma_start3A_82 = tpu.memref_squeeze %dma_start3A_81 : memref<1x2x120xi32, #tpu.memory_space<vmem>> -> memref<2x120xi32, #tpu.memory_space<vmem>>
        %dma_start3A_83 = arith.constant 0 : i32
        %dma_start3A_84 = arith.constant 0 : i32
        %dma_start3A_85 = tpu.memref_slice %arg3[%add3A_57, %dma_start3A_83, %dma_start3A_84] : memref<2688x2x120xi32, #tpu.memory_space<hbm>> -> memref<1x2x120xi32, #tpu.memory_space<hbm>>
        %dma_start3A_86 = tpu.memref_squeeze %dma_start3A_85 : memref<1x2x120xi32, #tpu.memory_space<hbm>> -> memref<2x120xi32, #tpu.memory_space<hbm>>
        tpu.enqueue_dma source(%dma_start3A_86 : memref<2x120xi32, #tpu.memory_space<hbm>>) target(%dma_start3A_82 : memref<2x120xi32, #tpu.memory_space<vmem>>) target_semaphore(%run_scoped3A_70 : memref<!tpu.dma_semaphore, #tpu.memory_space<semaphore_mem>>)
        %dma_wait3A = arith.constant 0 : i32
        %dma_wait3A_87 = arith.constant 0 : i32
        %dma_wait3A_88 = tpu.memref_slice %arg7[%run_scoped3A, %dma_wait3A, %dma_wait3A_87] : memref<3x2x120xi32, #tpu.memory_space<vmem>> -> memref<1x2x120xi32, #tpu.memory_space<vmem>>
        %dma_wait3A_89 = tpu.memref_squeeze %dma_wait3A_88 : memref<1x2x120xi32, #tpu.memory_space<vmem>> -> memref<2x120xi32, #tpu.memory_space<vmem>>
        %dma_wait3A_90 = arith.constant 0 : i32
        %dma_wait3A_91 = arith.constant 0 : i32
        %dma_wait3A_92 = tpu.memref_slice %arg3[%add3A_57, %dma_wait3A_90, %dma_wait3A_91] : memref<2688x2x120xi32, #tpu.memory_space<hbm>> -> memref<1x2x120xi32, #tpu.memory_space<hbm>>
        %dma_wait3A_93 = tpu.memref_squeeze %dma_wait3A_92 : memref<1x2x120xi32, #tpu.memory_space<hbm>> -> memref<2x120xi32, #tpu.memory_space<hbm>>
        %dma_wait3A_94 = arith.constant 0 : i32
        %dma_wait3A_95 = arith.constant 0 : i32
        %dma_wait3A_96 = tpu.memref_slice %arg7[%run_scoped3A, %dma_wait3A_94, %dma_wait3A_95] : memref<3x2x120xi32, #tpu.memory_space<vmem>> -> memref<1x2x120xi32, #tpu.memory_space<vmem>>
        %dma_wait3A_97 = tpu.memref_squeeze %dma_wait3A_96 : memref<1x2x120xi32, #tpu.memory_space<vmem>> -> memref<2x120xi32, #tpu.memory_space<vmem>>
        %dma_wait3A_98 = arith.constant 0 : i32
        %dma_wait3A_99 = arith.constant 0 : i32
        %dma_wait3A_100 = tpu.memref_slice %arg3[%add3A_57, %dma_wait3A_98, %dma_wait3A_99] : memref<2688x2x120xi32, #tpu.memory_space<hbm>> -> memref<1x2x120xi32, #tpu.memory_space<hbm>>
        %dma_wait3A_101 = tpu.memref_squeeze %dma_wait3A_100 : memref<1x2x120xi32, #tpu.memory_space<hbm>> -> memref<2x120xi32, #tpu.memory_space<hbm>>
        tpu.wait_dma2 semaphore(%run_scoped3A_70 : memref<!tpu.dma_semaphore, #tpu.memory_space<semaphore_mem>>) src(%dma_wait3A_101 : memref<2x120xi32, #tpu.memory_space<hbm>>) dst(%dma_wait3A_97 : memref<2x120xi32, #tpu.memory_space<vmem>>)
        tpu.yield
      }) : () -> ()
      %dma_start3A = arith.constant 0 : i32
      %dma_start3A_58 = arith.constant 0 : i32
      %dma_start3A_59 = arith.constant 0 : i32
      %dma_start3A_60 = arith.constant 0 : i32
      %dma_start3A_61 = arith.constant 0 : i32
      %dma_start3A_62 = tpu.memref_slice %arg8[%dma_start3A_59, %dma_start3A_60, %dma_start3A_61] : memref<3x120x128xf32, #tpu.memory_space<vmem>> -> memref<1x120x128xf32, #tpu.memory_space<vmem>>
      %dma_start3A_63 = tpu.memref_squeeze %dma_start3A_62 : memref<1x120x128xf32, #tpu.memory_space<vmem>> -> memref<120x128xf32, #tpu.memory_space<vmem>>
      %dma_start3A_64 = arith.constant 0 : i32
      %dma_start3A_65 = tpu.memref_slice %arg7[%dma_start3A, %dma_start3A_58, %dma_start3A_64] : memref<3x2x120xi32, #tpu.memory_space<vmem>> -> memref<1x1x120xi32, #tpu.memory_space<vmem>>
      %dma_start3A_66 = tpu.memref_squeeze %dma_start3A_65 : memref<1x1x120xi32, #tpu.memory_space<vmem>> -> memref<120xi32, #tpu.memory_space<vmem>>
      %dma_start3A_67 = arith.constant 0 : i32
      %dma_start3A_68 = arith.constant 0 : i32
      %dma_start3A_69 = tpu.memref_slice %arg2[%dma_start3A_67, %dma_start3A_68] : memref<10000x128xf32, #tpu.memory_space<hbm>> -> memref<10000x128xf32, #tpu.memory_space<hbm>>
      tpu.enqueue_indirect_dma source(%dma_start3A_69 : memref<10000x128xf32, #tpu.memory_space<hbm>>) target(%dma_start3A_63 : memref<120x128xf32, #tpu.memory_space<vmem>>) offsets(%dma_start3A_66 : memref<120xi32, #tpu.memory_space<vmem>>) semaphore(%arg10 : memref<!tpu.dma_semaphore, #tpu.memory_space<semaphore_mem>>)
    } else {
    }
    %gt3A_13 = arith.constant 1 : i32
    %gt3A_14 = arith.cmpi sgt, %select_n3A, %gt3A_13 : i32
    %convert_element_type3A_15 = arith.extui %gt3A_14 : i1 to i32
    %cond3A_16 = arith.constant 0 : i32
    %cond3A_17 = arith.cmpi ne, %convert_element_type3A_15, %cond3A_16 : i32
    scf.if %cond3A_17 {
      %add3A_56 = arith.constant 1 : i32
      %add3A_57 = arith.addi %select_n3A_10, %add3A_56 : i32
      %run_scoped3A = arith.constant 1 : i32
      "tpu.region"() ({
        %run_scoped3A_70 = tpu.sem_alloc : memref<!tpu.dma_semaphore, #tpu.memory_space<semaphore_mem>>
        %dma_start3A_71 = arith.constant 0 : i32
        %dma_start3A_72 = arith.constant 0 : i32
        %dma_start3A_73 = tpu.memref_slice %arg7[%run_scoped3A, %dma_start3A_71, %dma_start3A_72] : memref<3x2x120xi32, #tpu.memory_space<vmem>> -> memref<1x2x120xi32, #tpu.memory_space<vmem>>
        %dma_start3A_74 = tpu.memref_squeeze %dma_start3A_73 : memref<1x2x120xi32, #tpu.memory_space<vmem>> -> memref<2x120xi32, #tpu.memory_space<vmem>>
        %dma_start3A_75 = arith.constant 0 : i32
        %dma_start3A_76 = arith.constant 0 : i32
        %dma_start3A_77 = tpu.memref_slice %arg3[%add3A_57, %dma_start3A_75, %dma_start3A_76] : memref<2688x2x120xi32, #tpu.memory_space<hbm>> -> memref<1x2x120xi32, #tpu.memory_space<hbm>>
        %dma_start3A_78 = tpu.memref_squeeze %dma_start3A_77 : memref<1x2x120xi32, #tpu.memory_space<hbm>> -> memref<2x120xi32, #tpu.memory_space<hbm>>
        %dma_start3A_79 = arith.constant 0 : i32
        %dma_start3A_80 = arith.constant 0 : i32
        %dma_start3A_81 = tpu.memref_slice %arg7[%run_scoped3A, %dma_start3A_79, %dma_start3A_80] : memref<3x2x120xi32, #tpu.memory_space<vmem>> -> memref<1x2x120xi32, #tpu.memory_space<vmem>>
        %dma_start3A_82 = tpu.memref_squeeze %dma_start3A_81 : memref<1x2x120xi32, #tpu.memory_space<vmem>> -> memref<2x120xi32, #tpu.memory_space<vmem>>
        %dma_start3A_83 = arith.constant 0 : i32
        %dma_start3A_84 = arith.constant 0 : i32
        %dma_start3A_85 = tpu.memref_slice %arg3[%add3A_57, %dma_start3A_83, %dma_start3A_84] : memref<2688x2x120xi32, #tpu.memory_space<hbm>> -> memref<1x2x120xi32, #tpu.memory_space<hbm>>
        %dma_start3A_86 = tpu.memref_squeeze %dma_start3A_85 : memref<1x2x120xi32, #tpu.memory_space<hbm>> -> memref<2x120xi32, #tpu.memory_space<hbm>>
        tpu.enqueue_dma source(%dma_start3A_86 : memref<2x120xi32, #tpu.memory_space<hbm>>) target(%dma_start3A_82 : memref<2x120xi32, #tpu.memory_space<vmem>>) target_semaphore(%run_scoped3A_70 : memref<!tpu.dma_semaphore, #tpu.memory_space<semaphore_mem>>)
        %dma_wait3A = arith.constant 0 : i32
        %dma_wait3A_87 = arith.constant 0 : i32
        %dma_wait3A_88 = tpu.memref_slice %arg7[%run_scoped3A, %dma_wait3A, %dma_wait3A_87] : memref<3x2x120xi32, #tpu.memory_space<vmem>> -> memref<1x2x120xi32, #tpu.memory_space<vmem>>
        %dma_wait3A_89 = tpu.memref_squeeze %dma_wait3A_88 : memref<1x2x120xi32, #tpu.memory_space<vmem>> -> memref<2x120xi32, #tpu.memory_space<vmem>>
        %dma_wait3A_90 = arith.constant 0 : i32
        %dma_wait3A_91 = arith.constant 0 : i32
        %dma_wait3A_92 = tpu.memref_slice %arg3[%add3A_57, %dma_wait3A_90, %dma_wait3A_91] : memref<2688x2x120xi32, #tpu.memory_space<hbm>> -> memref<1x2x120xi32, #tpu.memory_space<hbm>>
        %dma_wait3A_93 = tpu.memref_squeeze %dma_wait3A_92 : memref<1x2x120xi32, #tpu.memory_space<hbm>> -> memref<2x120xi32, #tpu.memory_space<hbm>>
        %dma_wait3A_94 = arith.constant 0 : i32
        %dma_wait3A_95 = arith.constant 0 : i32
        %dma_wait3A_96 = tpu.memref_slice %arg7[%run_scoped3A, %dma_wait3A_94, %dma_wait3A_95] : memref<3x2x120xi32, #tpu.memory_space<vmem>> -> memref<1x2x120xi32, #tpu.memory_space<vmem>>
        %dma_wait3A_97 = tpu.memref_squeeze %dma_wait3A_96 : memref<1x2x120xi32, #tpu.memory_space<vmem>> -> memref<2x120xi32, #tpu.memory_space<vmem>>
        %dma_wait3A_98 = arith.constant 0 : i32
        %dma_wait3A_99 = arith.constant 0 : i32
        %dma_wait3A_100 = tpu.memref_slice %arg3[%add3A_57, %dma_wait3A_98, %dma_wait3A_99] : memref<2688x2x120xi32, #tpu.memory_space<hbm>> -> memref<1x2x120xi32, #tpu.memory_space<hbm>>
        %dma_wait3A_101 = tpu.memref_squeeze %dma_wait3A_100 : memref<1x2x120xi32, #tpu.memory_space<hbm>> -> memref<2x120xi32, #tpu.memory_space<hbm>>
        tpu.wait_dma2 semaphore(%run_scoped3A_70 : memref<!tpu.dma_semaphore, #tpu.memory_space<semaphore_mem>>) src(%dma_wait3A_101 : memref<2x120xi32, #tpu.memory_space<hbm>>) dst(%dma_wait3A_97 : memref<2x120xi32, #tpu.memory_space<vmem>>)
        tpu.yield
      }) : () -> ()
      %dma_start3A = arith.constant 1 : i32
      %dma_start3A_58 = arith.constant 0 : i32
      %dma_start3A_59 = arith.constant 1 : i32
      %dma_start3A_60 = arith.constant 0 : i32
      %dma_start3A_61 = arith.constant 0 : i32
      %dma_start3A_62 = tpu.memref_slice %arg8[%dma_start3A_59, %dma_start3A_60, %dma_start3A_61] : memref<3x120x128xf32, #tpu.memory_space<vmem>> -> memref<1x120x128xf32, #tpu.memory_space<vmem>>
      %dma_start3A_63 = tpu.memref_squeeze %dma_start3A_62 : memref<1x120x128xf32, #tpu.memory_space<vmem>> -> memref<120x128xf32, #tpu.memory_space<vmem>>
      %dma_start3A_64 = arith.constant 0 : i32
      %dma_start3A_65 = tpu.memref_slice %arg7[%dma_start3A, %dma_start3A_58, %dma_start3A_64] : memref<3x2x120xi32, #tpu.memory_space<vmem>> -> memref<1x1x120xi32, #tpu.memory_space<vmem>>
      %dma_start3A_66 = tpu.memref_squeeze %dma_start3A_65 : memref<1x1x120xi32, #tpu.memory_space<vmem>> -> memref<120xi32, #tpu.memory_space<vmem>>
      %dma_start3A_67 = arith.constant 0 : i32
      %dma_start3A_68 = arith.constant 0 : i32
      %dma_start3A_69 = tpu.memref_slice %arg2[%dma_start3A_67, %dma_start3A_68] : memref<10000x128xf32, #tpu.memory_space<hbm>> -> memref<10000x128xf32, #tpu.memory_space<hbm>>
      tpu.enqueue_indirect_dma source(%dma_start3A_69 : memref<10000x128xf32, #tpu.memory_space<hbm>>) target(%dma_start3A_63 : memref<120x128xf32, #tpu.memory_space<vmem>>) offsets(%dma_start3A_66 : memref<120xi32, #tpu.memory_space<vmem>>) semaphore(%arg11 : memref<!tpu.dma_semaphore, #tpu.memory_space<semaphore_mem>>)
    } else {
    }
    %jit3A_18 = arith.constant 3 : i32
    %div3A = arith.divsi %select_n3A, %jit3A_18 : i32
    %sign3A = arith.constant 0 : i32
    %sign3A_19 = arith.cmpi sgt, %select_n3A, %sign3A : i32
    %sign3A_20 = arith.extui %sign3A_19 : i1 to i32
    %sign3A_21 = arith.constant 0 : i32
    %sign3A_22 = arith.cmpi slt, %select_n3A, %sign3A_21 : i32
    %sign3A_23 = arith.extui %sign3A_22 : i1 to i32
    %sign3A_24 = arith.subi %sign3A_20, %sign3A_23 : i32
    %sign3A_25 = arith.constant 0 : i32
    %sign3A_26 = arith.cmpi sgt, %jit3A_18, %sign3A_25 : i32
    %sign3A_27 = arith.extui %sign3A_26 : i1 to i32
    %sign3A_28 = arith.constant 0 : i32
    %sign3A_29 = arith.cmpi slt, %jit3A_18, %sign3A_28 : i32
    %sign3A_30 = arith.extui %sign3A_29 : i1 to i32
    %sign3A_31 = arith.subi %sign3A_27, %sign3A_30 : i32
    %ne3A = arith.cmpi ne, %sign3A_24, %sign3A_31 : i32
    %rem3A = arith.remsi %select_n3A, %jit3A_18 : i32
    %ne3A_32 = arith.constant 0 : i32
    %ne3A_33 = arith.cmpi ne, %rem3A, %ne3A_32 : i32
    %and3A = arith.andi %ne3A, %ne3A_33 : i1
    %sub3A = arith.constant 1 : i32
    %sub3A_34 = arith.subi %div3A, %sub3A : i32
    %select_n3A_35 = arith.select %and3A, %sub3A_34, %div3A : i32
    %while3A = arith.constant 0 : i32
    %while3A_36 = arith.constant 0 : i32
    %while3A_37 = arith.subi %select_n3A_35, %while3A_36 : i32
    %while3A_38 = arith.addi %while3A_36, %while3A_37 : i32
    %while3A_39 = arith.constant 1 : i32
    %while3A_40 = arith.divsi %while3A_37, %while3A_39 : i32
    %while3A_41 = arith.muli %while3A_40, %while3A_39 : i32
    %while3A_42 = arith.addi %while3A_36, %while3A_41 : i32
    %while3A_43 = arith.constant 1 : i32
    scf.for %while3A_56 = %while3A_36 to %while3A_42 step %while3A_43  : i32 {
      %mul3A_57 = arith.constant 3 : i32
      %mul3A_58 = arith.muli %mul3A_57, %while3A_56 : i32
      %add3A_59 = arith.constant 0 : i32
      %add3A_60 = arith.addi %mul3A_58, %add3A_59 : i32
      %add3A_61 = arith.constant 2 : i32
      %add3A_62 = arith.addi %add3A_60, %add3A_61 : i32
      %lt3A = arith.cmpi slt, %add3A_62, %select_n3A : i32
      %convert_element_type3A_63 = arith.extui %lt3A : i1 to i32
      %cond3A_64 = arith.constant 0 : i32
      %cond3A_65 = arith.cmpi ne, %convert_element_type3A_63, %cond3A_64 : i32
      scf.if %cond3A_65 {
        %add3A_132 = arith.addi %select_n3A_10, %add3A_62 : i32
        %run_scoped3A_133 = arith.constant 2 : i32
        "tpu.region"() ({
          %run_scoped3A_146 = tpu.sem_alloc : memref<!tpu.dma_semaphore, #tpu.memory_space<semaphore_mem>>
          %dma_start3A_147 = arith.constant 0 : i32
          %dma_start3A_148 = arith.constant 0 : i32
          %dma_start3A_149 = tpu.memref_slice %arg7[%run_scoped3A_133, %dma_start3A_147, %dma_start3A_148] : memref<3x2x120xi32, #tpu.memory_space<vmem>> -> memref<1x2x120xi32, #tpu.memory_space<vmem>>
          %dma_start3A_150 = tpu.memref_squeeze %dma_start3A_149 : memref<1x2x120xi32, #tpu.memory_space<vmem>> -> memref<2x120xi32, #tpu.memory_space<vmem>>
          %dma_start3A_151 = arith.constant 0 : i32
          %dma_start3A_152 = arith.constant 0 : i32
          %dma_start3A_153 = tpu.memref_slice %arg3[%add3A_132, %dma_start3A_151, %dma_start3A_152] : memref<2688x2x120xi32, #tpu.memory_space<hbm>> -> memref<1x2x120xi32, #tpu.memory_space<hbm>>
          %dma_start3A_154 = tpu.memref_squeeze %dma_start3A_153 : memref<1x2x120xi32, #tpu.memory_space<hbm>> -> memref<2x120xi32, #tpu.memory_space<hbm>>
          %dma_start3A_155 = arith.constant 0 : i32
          %dma_start3A_156 = arith.constant 0 : i32
          %dma_start3A_157 = tpu.memref_slice %arg7[%run_scoped3A_133, %dma_start3A_155, %dma_start3A_156] : memref<3x2x120xi32, #tpu.memory_space<vmem>> -> memref<1x2x120xi32, #tpu.memory_space<vmem>>
          %dma_start3A_158 = tpu.memref_squeeze %dma_start3A_157 : memref<1x2x120xi32, #tpu.memory_space<vmem>> -> memref<2x120xi32, #tpu.memory_space<vmem>>
          %dma_start3A_159 = arith.constant 0 : i32
          %dma_start3A_160 = arith.constant 0 : i32
          %dma_start3A_161 = tpu.memref_slice %arg3[%add3A_132, %dma_start3A_159, %dma_start3A_160] : memref<2688x2x120xi32, #tpu.memory_space<hbm>> -> memref<1x2x120xi32, #tpu.memory_space<hbm>>
          %dma_start3A_162 = tpu.memref_squeeze %dma_start3A_161 : memref<1x2x120xi32, #tpu.memory_space<hbm>> -> memref<2x120xi32, #tpu.memory_space<hbm>>
          tpu.enqueue_dma source(%dma_start3A_162 : memref<2x120xi32, #tpu.memory_space<hbm>>) target(%dma_start3A_158 : memref<2x120xi32, #tpu.memory_space<vmem>>) target_semaphore(%run_scoped3A_146 : memref<!tpu.dma_semaphore, #tpu.memory_space<semaphore_mem>>)
          %dma_wait3A_163 = arith.constant 0 : i32
          %dma_wait3A_164 = arith.constant 0 : i32
          %dma_wait3A_165 = tpu.memref_slice %arg7[%run_scoped3A_133, %dma_wait3A_163, %dma_wait3A_164] : memref<3x2x120xi32, #tpu.memory_space<vmem>> -> memref<1x2x120xi32, #tpu.memory_space<vmem>>
          %dma_wait3A_166 = tpu.memref_squeeze %dma_wait3A_165 : memref<1x2x120xi32, #tpu.memory_space<vmem>> -> memref<2x120xi32, #tpu.memory_space<vmem>>
          %dma_wait3A_167 = arith.constant 0 : i32
          %dma_wait3A_168 = arith.constant 0 : i32
          %dma_wait3A_169 = tpu.memref_slice %arg3[%add3A_132, %dma_wait3A_167, %dma_wait3A_168] : memref<2688x2x120xi32, #tpu.memory_space<hbm>> -> memref<1x2x120xi32, #tpu.memory_space<hbm>>
          %dma_wait3A_170 = tpu.memref_squeeze %dma_wait3A_169 : memref<1x2x120xi32, #tpu.memory_space<hbm>> -> memref<2x120xi32, #tpu.memory_space<hbm>>
          %dma_wait3A_171 = arith.constant 0 : i32
          %dma_wait3A_172 = arith.constant 0 : i32
          %dma_wait3A_173 = tpu.memref_slice %arg7[%run_scoped3A_133, %dma_wait3A_171, %dma_wait3A_172] : memref<3x2x120xi32, #tpu.memory_space<vmem>> -> memref<1x2x120xi32, #tpu.memory_space<vmem>>
          %dma_wait3A_174 = tpu.memref_squeeze %dma_wait3A_173 : memref<1x2x120xi32, #tpu.memory_space<vmem>> -> memref<2x120xi32, #tpu.memory_space<vmem>>
          %dma_wait3A_175 = arith.constant 0 : i32
          %dma_wait3A_176 = arith.constant 0 : i32
          %dma_wait3A_177 = tpu.memref_slice %arg3[%add3A_132, %dma_wait3A_175, %dma_wait3A_176] : memref<2688x2x120xi32, #tpu.memory_space<hbm>> -> memref<1x2x120xi32, #tpu.memory_space<hbm>>
          %dma_wait3A_178 = tpu.memref_squeeze %dma_wait3A_177 : memref<1x2x120xi32, #tpu.memory_space<hbm>> -> memref<2x120xi32, #tpu.memory_space<hbm>>
          tpu.wait_dma2 semaphore(%run_scoped3A_146 : memref<!tpu.dma_semaphore, #tpu.memory_space<semaphore_mem>>) src(%dma_wait3A_178 : memref<2x120xi32, #tpu.memory_space<hbm>>) dst(%dma_wait3A_174 : memref<2x120xi32, #tpu.memory_space<vmem>>)
          tpu.yield
        }) : () -> ()
        %dma_start3A = arith.constant 2 : i32
        %dma_start3A_134 = arith.constant 0 : i32
        %dma_start3A_135 = arith.constant 2 : i32
        %dma_start3A_136 = arith.constant 0 : i32
        %dma_start3A_137 = arith.constant 0 : i32
        %dma_start3A_138 = tpu.memref_slice %arg8[%dma_start3A_135, %dma_start3A_136, %dma_start3A_137] : memref<3x120x128xf32, #tpu.memory_space<vmem>> -> memref<1x120x128xf32, #tpu.memory_space<vmem>>
        %dma_start3A_139 = tpu.memref_squeeze %dma_start3A_138 : memref<1x120x128xf32, #tpu.memory_space<vmem>> -> memref<120x128xf32, #tpu.memory_space<vmem>>
        %dma_start3A_140 = arith.constant 0 : i32
        %dma_start3A_141 = tpu.memref_slice %arg7[%dma_start3A, %dma_start3A_134, %dma_start3A_140] : memref<3x2x120xi32, #tpu.memory_space<vmem>> -> memref<1x1x120xi32, #tpu.memory_space<vmem>>
        %dma_start3A_142 = tpu.memref_squeeze %dma_start3A_141 : memref<1x1x120xi32, #tpu.memory_space<vmem>> -> memref<120xi32, #tpu.memory_space<vmem>>
        %dma_start3A_143 = arith.constant 0 : i32
        %dma_start3A_144 = arith.constant 0 : i32
        %dma_start3A_145 = tpu.memref_slice %arg2[%dma_start3A_143, %dma_start3A_144] : memref<10000x128xf32, #tpu.memory_space<hbm>> -> memref<10000x128xf32, #tpu.memory_space<hbm>>
        tpu.enqueue_indirect_dma source(%dma_start3A_145 : memref<10000x128xf32, #tpu.memory_space<hbm>>) target(%dma_start3A_139 : memref<120x128xf32, #tpu.memory_space<vmem>>) offsets(%dma_start3A_142 : memref<120xi32, #tpu.memory_space<vmem>>) semaphore(%arg12 : memref<!tpu.dma_semaphore, #tpu.memory_space<semaphore_mem>>)
      } else {
      }
      %dma_wait3A = arith.constant 0 : i32
      %dma_wait3A_66 = arith.constant 0 : i32
      %dma_wait3A_67 = arith.constant 0 : i32
      %dma_wait3A_68 = arith.constant 0 : i32
      %dma_wait3A_69 = arith.constant 0 : i32
      %dma_wait3A_70 = tpu.memref_slice %arg8[%dma_wait3A_67, %dma_wait3A_68, %dma_wait3A_69] : memref<3x120x128xf32, #tpu.memory_space<vmem>> -> memref<1x120x128xf32, #tpu.memory_space<vmem>>
      %dma_wait3A_71 = tpu.memref_squeeze %dma_wait3A_70 : memref<1x120x128xf32, #tpu.memory_space<vmem>> -> memref<120x128xf32, #tpu.memory_space<vmem>>
      %dma_wait3A_72 = arith.constant 0 : i32
      %dma_wait3A_73 = tpu.memref_slice %arg7[%dma_wait3A, %dma_wait3A_66, %dma_wait3A_72] : memref<3x2x120xi32, #tpu.memory_space<vmem>> -> memref<1x1x120xi32, #tpu.memory_space<vmem>>
      %dma_wait3A_74 = tpu.memref_squeeze %dma_wait3A_73 : memref<1x1x120xi32, #tpu.memory_space<vmem>> -> memref<120xi32, #tpu.memory_space<vmem>>
      %dma_wait3A_75 = arith.constant 0 : i32
      %dma_wait3A_76 = arith.constant 0 : i32
      %dma_wait3A_77 = tpu.memref_slice %arg2[%dma_wait3A_75, %dma_wait3A_76] : memref<10000x128xf32, #tpu.memory_space<hbm>> -> memref<10000x128xf32, #tpu.memory_space<hbm>>
      tpu.wait_indirect_dma semaphore(%arg10 : memref<!tpu.dma_semaphore, #tpu.memory_space<semaphore_mem>>) src(%dma_wait3A_77 : memref<10000x128xf32, #tpu.memory_space<hbm>>) dst(%dma_wait3A_71 : memref<120x128xf32, #tpu.memory_space<vmem>>)
      %run_scoped3A = arith.constant 0 : i32
      %run_scoped3A_78 = arith.constant 0 : i32
      %run_scoped3A_79 = arith.constant 1 : i32
      "tpu.region"() ({
        %run_scoped3A_132 = tpu.sem_alloc : memref<!tpu.dma_semaphore, #tpu.memory_space<semaphore_mem>>
        %dma_start3A = arith.constant 0 : i32
        %dma_start3A_133 = arith.constant 0 : i32
        %dma_start3A_134 = tpu.memref_slice %arg8[%run_scoped3A, %dma_start3A, %dma_start3A_133] : memref<3x120x128xf32, #tpu.memory_space<vmem>> -> memref<1x120x128xf32, #tpu.memory_space<vmem>>
        %dma_start3A_135 = tpu.memref_squeeze %dma_start3A_134 : memref<1x120x128xf32, #tpu.memory_space<vmem>> -> memref<120x128xf32, #tpu.memory_space<vmem>>
        %dma_start3A_136 = arith.constant 0 : i32
        %dma_start3A_137 = tpu.memref_slice %arg7[%run_scoped3A_78, %run_scoped3A_79, %dma_start3A_136] : memref<3x2x120xi32, #tpu.memory_space<vmem>> -> memref<1x1x120xi32, #tpu.memory_space<vmem>>
        %dma_start3A_138 = tpu.memref_squeeze %dma_start3A_137 : memref<1x1x120xi32, #tpu.memory_space<vmem>> -> memref<120xi32, #tpu.memory_space<vmem>>
        %dma_start3A_139 = arith.constant 0 : i32
        %dma_start3A_140 = arith.constant 0 : i32
        %dma_start3A_141 = tpu.memref_slice %arg9[%dma_start3A_139, %dma_start3A_140] : memref<10112x128xf32, #tpu.memory_space<vmem_shared>> -> memref<10112x128xf32, #tpu.memory_space<vmem_shared>>
        tpu.enqueue_indirect_dma source(%dma_start3A_135 : memref<120x128xf32, #tpu.memory_space<vmem>>) target(%dma_start3A_141 : memref<10112x128xf32, #tpu.memory_space<vmem_shared>>) offsets(%dma_start3A_138 : memref<120xi32, #tpu.memory_space<vmem>>) semaphore(%run_scoped3A_132 : memref<!tpu.dma_semaphore, #tpu.memory_space<semaphore_mem>>) {add = true}
        %dma_wait3A_142 = arith.constant 0 : i32
        %dma_wait3A_143 = arith.constant 0 : i32
        %dma_wait3A_144 = tpu.memref_slice %arg8[%run_scoped3A, %dma_wait3A_142, %dma_wait3A_143] : memref<3x120x128xf32, #tpu.memory_space<vmem>> -> memref<1x120x128xf32, #tpu.memory_space<vmem>>
        %dma_wait3A_145 = tpu.memref_squeeze %dma_wait3A_144 : memref<1x120x128xf32, #tpu.memory_space<vmem>> -> memref<120x128xf32, #tpu.memory_space<vmem>>
        %dma_wait3A_146 = arith.constant 0 : i32
        %dma_wait3A_147 = tpu.memref_slice %arg7[%run_scoped3A_78, %run_scoped3A_79, %dma_wait3A_146] : memref<3x2x120xi32, #tpu.memory_space<vmem>> -> memref<1x1x120xi32, #tpu.memory_space<vmem>>
        %dma_wait3A_148 = tpu.memref_squeeze %dma_wait3A_147 : memref<1x1x120xi32, #tpu.memory_space<vmem>> -> memref<120xi32, #tpu.memory_space<vmem>>
        %dma_wait3A_149 = arith.constant 0 : i32
        %dma_wait3A_150 = arith.constant 0 : i32
        %dma_wait3A_151 = tpu.memref_slice %arg9[%dma_wait3A_149, %dma_wait3A_150] : memref<10112x128xf32, #tpu.memory_space<vmem_shared>> -> memref<10112x128xf32, #tpu.memory_space<vmem_shared>>
        tpu.wait_indirect_dma semaphore(%run_scoped3A_132 : memref<!tpu.dma_semaphore, #tpu.memory_space<semaphore_mem>>) src(%dma_wait3A_145 : memref<120x128xf32, #tpu.memory_space<vmem>>) dst(%dma_wait3A_151 : memref<10112x128xf32, #tpu.memory_space<vmem_shared>>)
        tpu.yield
      }) : () -> ()
      %mul3A_80 = arith.constant 3 : i32
      %mul3A_81 = arith.muli %mul3A_80, %while3A_56 : i32
      %add3A_82 = arith.constant 1 : i32
      %add3A_83 = arith.addi %mul3A_81, %add3A_82 : i32
      %add3A_84 = arith.constant 2 : i32
      %add3A_85 = arith.addi %add3A_83, %add3A_84 : i32
      %lt3A_86 = arith.cmpi slt, %add3A_85, %select_n3A : i32
      %convert_element_type3A_87 = arith.extui %lt3A_86 : i1 to i32
      %cond3A_88 = arith.constant 0 : i32
      %cond3A_89 = arith.cmpi ne, %convert_element_type3A_87, %cond3A_88 : i32
      scf.if %cond3A_89 {
        %add3A_132 = arith.addi %select_n3A_10, %add3A_85 : i32
        %run_scoped3A_133 = arith.constant 0 : i32
        "tpu.region"() ({
          %run_scoped3A_146 = tpu.sem_alloc : memref<!tpu.dma_semaphore, #tpu.memory_space<semaphore_mem>>
          %dma_start3A_147 = arith.constant 0 : i32
          %dma_start3A_148 = arith.constant 0 : i32
          %dma_start3A_149 = tpu.memref_slice %arg7[%run_scoped3A_133, %dma_start3A_147, %dma_start3A_148] : memref<3x2x120xi32, #tpu.memory_space<vmem>> -> memref<1x2x120xi32, #tpu.memory_space<vmem>>
          %dma_start3A_150 = tpu.memref_squeeze %dma_start3A_149 : memref<1x2x120xi32, #tpu.memory_space<vmem>> -> memref<2x120xi32, #tpu.memory_space<vmem>>
          %dma_start3A_151 = arith.constant 0 : i32
          %dma_start3A_152 = arith.constant 0 : i32
          %dma_start3A_153 = tpu.memref_slice %arg3[%add3A_132, %dma_start3A_151, %dma_start3A_152] : memref<2688x2x120xi32, #tpu.memory_space<hbm>> -> memref<1x2x120xi32, #tpu.memory_space<hbm>>
          %dma_start3A_154 = tpu.memref_squeeze %dma_start3A_153 : memref<1x2x120xi32, #tpu.memory_space<hbm>> -> memref<2x120xi32, #tpu.memory_space<hbm>>
          %dma_start3A_155 = arith.constant 0 : i32
          %dma_start3A_156 = arith.constant 0 : i32
          %dma_start3A_157 = tpu.memref_slice %arg7[%run_scoped3A_133, %dma_start3A_155, %dma_start3A_156] : memref<3x2x120xi32, #tpu.memory_space<vmem>> -> memref<1x2x120xi32, #tpu.memory_space<vmem>>
          %dma_start3A_158 = tpu.memref_squeeze %dma_start3A_157 : memref<1x2x120xi32, #tpu.memory_space<vmem>> -> memref<2x120xi32, #tpu.memory_space<vmem>>
          %dma_start3A_159 = arith.constant 0 : i32
          %dma_start3A_160 = arith.constant 0 : i32
          %dma_start3A_161 = tpu.memref_slice %arg3[%add3A_132, %dma_start3A_159, %dma_start3A_160] : memref<2688x2x120xi32, #tpu.memory_space<hbm>> -> memref<1x2x120xi32, #tpu.memory_space<hbm>>
          %dma_start3A_162 = tpu.memref_squeeze %dma_start3A_161 : memref<1x2x120xi32, #tpu.memory_space<hbm>> -> memref<2x120xi32, #tpu.memory_space<hbm>>
          tpu.enqueue_dma source(%dma_start3A_162 : memref<2x120xi32, #tpu.memory_space<hbm>>) target(%dma_start3A_158 : memref<2x120xi32, #tpu.memory_space<vmem>>) target_semaphore(%run_scoped3A_146 : memref<!tpu.dma_semaphore, #tpu.memory_space<semaphore_mem>>)
          %dma_wait3A_163 = arith.constant 0 : i32
          %dma_wait3A_164 = arith.constant 0 : i32
          %dma_wait3A_165 = tpu.memref_slice %arg7[%run_scoped3A_133, %dma_wait3A_163, %dma_wait3A_164] : memref<3x2x120xi32, #tpu.memory_space<vmem>> -> memref<1x2x120xi32, #tpu.memory_space<vmem>>
          %dma_wait3A_166 = tpu.memref_squeeze %dma_wait3A_165 : memref<1x2x120xi32, #tpu.memory_space<vmem>> -> memref<2x120xi32, #tpu.memory_space<vmem>>
          %dma_wait3A_167 = arith.constant 0 : i32
          %dma_wait3A_168 = arith.constant 0 : i32
          %dma_wait3A_169 = tpu.memref_slice %arg3[%add3A_132, %dma_wait3A_167, %dma_wait3A_168] : memref<2688x2x120xi32, #tpu.memory_space<hbm>> -> memref<1x2x120xi32, #tpu.memory_space<hbm>>
          %dma_wait3A_170 = tpu.memref_squeeze %dma_wait3A_169 : memref<1x2x120xi32, #tpu.memory_space<hbm>> -> memref<2x120xi32, #tpu.memory_space<hbm>>
          %dma_wait3A_171 = arith.constant 0 : i32
          %dma_wait3A_172 = arith.constant 0 : i32
          %dma_wait3A_173 = tpu.memref_slice %arg7[%run_scoped3A_133, %dma_wait3A_171, %dma_wait3A_172] : memref<3x2x120xi32, #tpu.memory_space<vmem>> -> memref<1x2x120xi32, #tpu.memory_space<vmem>>
          %dma_wait3A_174 = tpu.memref_squeeze %dma_wait3A_173 : memref<1x2x120xi32, #tpu.memory_space<vmem>> -> memref<2x120xi32, #tpu.memory_space<vmem>>
          %dma_wait3A_175 = arith.constant 0 : i32
          %dma_wait3A_176 = arith.constant 0 : i32
          %dma_wait3A_177 = tpu.memref_slice %arg3[%add3A_132, %dma_wait3A_175, %dma_wait3A_176] : memref<2688x2x120xi32, #tpu.memory_space<hbm>> -> memref<1x2x120xi32, #tpu.memory_space<hbm>>
          %dma_wait3A_178 = tpu.memref_squeeze %dma_wait3A_177 : memref<1x2x120xi32, #tpu.memory_space<hbm>> -> memref<2x120xi32, #tpu.memory_space<hbm>>
          tpu.wait_dma2 semaphore(%run_scoped3A_146 : memref<!tpu.dma_semaphore, #tpu.memory_space<semaphore_mem>>) src(%dma_wait3A_178 : memref<2x120xi32, #tpu.memory_space<hbm>>) dst(%dma_wait3A_174 : memref<2x120xi32, #tpu.memory_space<vmem>>)
          tpu.yield
        }) : () -> ()
        %dma_start3A = arith.constant 0 : i32
        %dma_start3A_134 = arith.constant 0 : i32
        %dma_start3A_135 = arith.constant 0 : i32
        %dma_start3A_136 = arith.constant 0 : i32
        %dma_start3A_137 = arith.constant 0 : i32
        %dma_start3A_138 = tpu.memref_slice %arg8[%dma_start3A_135, %dma_start3A_136, %dma_start3A_137] : memref<3x120x128xf32, #tpu.memory_space<vmem>> -> memref<1x120x128xf32, #tpu.memory_space<vmem>>
        %dma_start3A_139 = tpu.memref_squeeze %dma_start3A_138 : memref<1x120x128xf32, #tpu.memory_space<vmem>> -> memref<120x128xf32, #tpu.memory_space<vmem>>
        %dma_start3A_140 = arith.constant 0 : i32
        %dma_start3A_141 = tpu.memref_slice %arg7[%dma_start3A, %dma_start3A_134, %dma_start3A_140] : memref<3x2x120xi32, #tpu.memory_space<vmem>> -> memref<1x1x120xi32, #tpu.memory_space<vmem>>
        %dma_start3A_142 = tpu.memref_squeeze %dma_start3A_141 : memref<1x1x120xi32, #tpu.memory_space<vmem>> -> memref<120xi32, #tpu.memory_space<vmem>>
        %dma_start3A_143 = arith.constant 0 : i32
        %dma_start3A_144 = arith.constant 0 : i32
        %dma_start3A_145 = tpu.memref_slice %arg2[%dma_start3A_143, %dma_start3A_144] : memref<10000x128xf32, #tpu.memory_space<hbm>> -> memref<10000x128xf32, #tpu.memory_space<hbm>>
        tpu.enqueue_indirect_dma source(%dma_start3A_145 : memref<10000x128xf32, #tpu.memory_space<hbm>>) target(%dma_start3A_139 : memref<120x128xf32, #tpu.memory_space<vmem>>) offsets(%dma_start3A_142 : memref<120xi32, #tpu.memory_space<vmem>>) semaphore(%arg10 : memref<!tpu.dma_semaphore, #tpu.memory_space<semaphore_mem>>)
      } else {
      }
      %dma_wait3A_90 = arith.constant 1 : i32
      %dma_wait3A_91 = arith.constant 0 : i32
      %dma_wait3A_92 = arith.constant 1 : i32
      %dma_wait3A_93 = arith.constant 0 : i32
      %dma_wait3A_94 = arith.constant 0 : i32
      %dma_wait3A_95 = tpu.memref_slice %arg8[%dma_wait3A_92, %dma_wait3A_93, %dma_wait3A_94] : memref<3x120x128xf32, #tpu.memory_space<vmem>> -> memref<1x120x128xf32, #tpu.memory_space<vmem>>
      %dma_wait3A_96 = tpu.memref_squeeze %dma_wait3A_95 : memref<1x120x128xf32, #tpu.memory_space<vmem>> -> memref<120x128xf32, #tpu.memory_space<vmem>>
      %dma_wait3A_97 = arith.constant 0 : i32
      %dma_wait3A_98 = tpu.memref_slice %arg7[%dma_wait3A_90, %dma_wait3A_91, %dma_wait3A_97] : memref<3x2x120xi32, #tpu.memory_space<vmem>> -> memref<1x1x120xi32, #tpu.memory_space<vmem>>
      %dma_wait3A_99 = tpu.memref_squeeze %dma_wait3A_98 : memref<1x1x120xi32, #tpu.memory_space<vmem>> -> memref<120xi32, #tpu.memory_space<vmem>>
      %dma_wait3A_100 = arith.constant 0 : i32
      %dma_wait3A_101 = arith.constant 0 : i32
      %dma_wait3A_102 = tpu.memref_slice %arg2[%dma_wait3A_100, %dma_wait3A_101] : memref<10000x128xf32, #tpu.memory_space<hbm>> -> memref<10000x128xf32, #tpu.memory_space<hbm>>
      tpu.wait_indirect_dma semaphore(%arg11 : memref<!tpu.dma_semaphore, #tpu.memory_space<semaphore_mem>>) src(%dma_wait3A_102 : memref<10000x128xf32, #tpu.memory_space<hbm>>) dst(%dma_wait3A_96 : memref<120x128xf32, #tpu.memory_space<vmem>>)
      %run_scoped3A_103 = arith.constant 1 : i32
      %run_scoped3A_104 = arith.constant 1 : i32
      %run_scoped3A_105 = arith.constant 1 : i32
      "tpu.region"() ({
        %run_scoped3A_132 = tpu.sem_alloc : memref<!tpu.dma_semaphore, #tpu.memory_space<semaphore_mem>>
        %dma_start3A = arith.constant 0 : i32
        %dma_start3A_133 = arith.constant 0 : i32
        %dma_start3A_134 = tpu.memref_slice %arg8[%run_scoped3A_103, %dma_start3A, %dma_start3A_133] : memref<3x120x128xf32, #tpu.memory_space<vmem>> -> memref<1x120x128xf32, #tpu.memory_space<vmem>>
        %dma_start3A_135 = tpu.memref_squeeze %dma_start3A_134 : memref<1x120x128xf32, #tpu.memory_space<vmem>> -> memref<120x128xf32, #tpu.memory_space<vmem>>
        %dma_start3A_136 = arith.constant 0 : i32
        %dma_start3A_137 = tpu.memref_slice %arg7[%run_scoped3A_104, %run_scoped3A_105, %dma_start3A_136] : memref<3x2x120xi32, #tpu.memory_space<vmem>> -> memref<1x1x120xi32, #tpu.memory_space<vmem>>
        %dma_start3A_138 = tpu.memref_squeeze %dma_start3A_137 : memref<1x1x120xi32, #tpu.memory_space<vmem>> -> memref<120xi32, #tpu.memory_space<vmem>>
        %dma_start3A_139 = arith.constant 0 : i32
        %dma_start3A_140 = arith.constant 0 : i32
        %dma_start3A_141 = tpu.memref_slice %arg9[%dma_start3A_139, %dma_start3A_140] : memref<10112x128xf32, #tpu.memory_space<vmem_shared>> -> memref<10112x128xf32, #tpu.memory_space<vmem_shared>>
        tpu.enqueue_indirect_dma source(%dma_start3A_135 : memref<120x128xf32, #tpu.memory_space<vmem>>) target(%dma_start3A_141 : memref<10112x128xf32, #tpu.memory_space<vmem_shared>>) offsets(%dma_start3A_138 : memref<120xi32, #tpu.memory_space<vmem>>) semaphore(%run_scoped3A_132 : memref<!tpu.dma_semaphore, #tpu.memory_space<semaphore_mem>>) {add = true}
        %dma_wait3A_142 = arith.constant 0 : i32
        %dma_wait3A_143 = arith.constant 0 : i32
        %dma_wait3A_144 = tpu.memref_slice %arg8[%run_scoped3A_103, %dma_wait3A_142, %dma_wait3A_143] : memref<3x120x128xf32, #tpu.memory_space<vmem>> -> memref<1x120x128xf32, #tpu.memory_space<vmem>>
        %dma_wait3A_145 = tpu.memref_squeeze %dma_wait3A_144 : memref<1x120x128xf32, #tpu.memory_space<vmem>> -> memref<120x128xf32, #tpu.memory_space<vmem>>
        %dma_wait3A_146 = arith.constant 0 : i32
        %dma_wait3A_147 = tpu.memref_slice %arg7[%run_scoped3A_104, %run_scoped3A_105, %dma_wait3A_146] : memref<3x2x120xi32, #tpu.memory_space<vmem>> -> memref<1x1x120xi32, #tpu.memory_space<vmem>>
        %dma_wait3A_148 = tpu.memref_squeeze %dma_wait3A_147 : memref<1x1x120xi32, #tpu.memory_space<vmem>> -> memref<120xi32, #tpu.memory_space<vmem>>
        %dma_wait3A_149 = arith.constant 0 : i32
        %dma_wait3A_150 = arith.constant 0 : i32
        %dma_wait3A_151 = tpu.memref_slice %arg9[%dma_wait3A_149, %dma_wait3A_150] : memref<10112x128xf32, #tpu.memory_space<vmem_shared>> -> memref<10112x128xf32, #tpu.memory_space<vmem_shared>>
        tpu.wait_indirect_dma semaphore(%run_scoped3A_132 : memref<!tpu.dma_semaphore, #tpu.memory_space<semaphore_mem>>) src(%dma_wait3A_145 : memref<120x128xf32, #tpu.memory_space<vmem>>) dst(%dma_wait3A_151 : memref<10112x128xf32, #tpu.memory_space<vmem_shared>>)
        tpu.yield
      }) : () -> ()
      %mul3A_106 = arith.constant 3 : i32
      %mul3A_107 = arith.muli %mul3A_106, %while3A_56 : i32
      %add3A_108 = arith.constant 2 : i32
      %add3A_109 = arith.addi %mul3A_107, %add3A_108 : i32
      %add3A_110 = arith.constant 2 : i32
      %add3A_111 = arith.addi %add3A_109, %add3A_110 : i32
      %lt3A_112 = arith.cmpi slt, %add3A_111, %select_n3A : i32
      %convert_element_type3A_113 = arith.extui %lt3A_112 : i1 to i32
      %cond3A_114 = arith.constant 0 : i32
      %cond3A_115 = arith.cmpi ne, %convert_element_type3A_113, %cond3A_114 : i32
      scf.if %cond3A_115 {
        %add3A_132 = arith.addi %select_n3A_10, %add3A_111 : i32
        %run_scoped3A_133 = arith.constant 1 : i32
        "tpu.region"() ({
          %run_scoped3A_146 = tpu.sem_alloc : memref<!tpu.dma_semaphore, #tpu.memory_space<semaphore_mem>>
          %dma_start3A_147 = arith.constant 0 : i32
          %dma_start3A_148 = arith.constant 0 : i32
          %dma_start3A_149 = tpu.memref_slice %arg7[%run_scoped3A_133, %dma_start3A_147, %dma_start3A_148] : memref<3x2x120xi32, #tpu.memory_space<vmem>> -> memref<1x2x120xi32, #tpu.memory_space<vmem>>
          %dma_start3A_150 = tpu.memref_squeeze %dma_start3A_149 : memref<1x2x120xi32, #tpu.memory_space<vmem>> -> memref<2x120xi32, #tpu.memory_space<vmem>>
          %dma_start3A_151 = arith.constant 0 : i32
          %dma_start3A_152 = arith.constant 0 : i32
          %dma_start3A_153 = tpu.memref_slice %arg3[%add3A_132, %dma_start3A_151, %dma_start3A_152] : memref<2688x2x120xi32, #tpu.memory_space<hbm>> -> memref<1x2x120xi32, #tpu.memory_space<hbm>>
          %dma_start3A_154 = tpu.memref_squeeze %dma_start3A_153 : memref<1x2x120xi32, #tpu.memory_space<hbm>> -> memref<2x120xi32, #tpu.memory_space<hbm>>
          %dma_start3A_155 = arith.constant 0 : i32
          %dma_start3A_156 = arith.constant 0 : i32
          %dma_start3A_157 = tpu.memref_slice %arg7[%run_scoped3A_133, %dma_start3A_155, %dma_start3A_156] : memref<3x2x120xi32, #tpu.memory_space<vmem>> -> memref<1x2x120xi32, #tpu.memory_space<vmem>>
          %dma_start3A_158 = tpu.memref_squeeze %dma_start3A_157 : memref<1x2x120xi32, #tpu.memory_space<vmem>> -> memref<2x120xi32, #tpu.memory_space<vmem>>
          %dma_start3A_159 = arith.constant 0 : i32
          %dma_start3A_160 = arith.constant 0 : i32
          %dma_start3A_161 = tpu.memref_slice %arg3[%add3A_132, %dma_start3A_159, %dma_start3A_160] : memref<2688x2x120xi32, #tpu.memory_space<hbm>> -> memref<1x2x120xi32, #tpu.memory_space<hbm>>
          %dma_start3A_162 = tpu.memref_squeeze %dma_start3A_161 : memref<1x2x120xi32, #tpu.memory_space<hbm>> -> memref<2x120xi32, #tpu.memory_space<hbm>>
          tpu.enqueue_dma source(%dma_start3A_162 : memref<2x120xi32, #tpu.memory_space<hbm>>) target(%dma_start3A_158 : memref<2x120xi32, #tpu.memory_space<vmem>>) target_semaphore(%run_scoped3A_146 : memref<!tpu.dma_semaphore, #tpu.memory_space<semaphore_mem>>)
          %dma_wait3A_163 = arith.constant 0 : i32
          %dma_wait3A_164 = arith.constant 0 : i32
          %dma_wait3A_165 = tpu.memref_slice %arg7[%run_scoped3A_133, %dma_wait3A_163, %dma_wait3A_164] : memref<3x2x120xi32, #tpu.memory_space<vmem>> -> memref<1x2x120xi32, #tpu.memory_space<vmem>>
          %dma_wait3A_166 = tpu.memref_squeeze %dma_wait3A_165 : memref<1x2x120xi32, #tpu.memory_space<vmem>> -> memref<2x120xi32, #tpu.memory_space<vmem>>
          %dma_wait3A_167 = arith.constant 0 : i32
          %dma_wait3A_168 = arith.constant 0 : i32
          %dma_wait3A_169 = tpu.memref_slice %arg3[%add3A_132, %dma_wait3A_167, %dma_wait3A_168] : memref<2688x2x120xi32, #tpu.memory_space<hbm>> -> memref<1x2x120xi32, #tpu.memory_space<hbm>>
          %dma_wait3A_170 = tpu.memref_squeeze %dma_wait3A_169 : memref<1x2x120xi32, #tpu.memory_space<hbm>> -> memref<2x120xi32, #tpu.memory_space<hbm>>
          %dma_wait3A_171 = arith.constant 0 : i32
          %dma_wait3A_172 = arith.constant 0 : i32
          %dma_wait3A_173 = tpu.memref_slice %arg7[%run_scoped3A_133, %dma_wait3A_171, %dma_wait3A_172] : memref<3x2x120xi32, #tpu.memory_space<vmem>> -> memref<1x2x120xi32, #tpu.memory_space<vmem>>
          %dma_wait3A_174 = tpu.memref_squeeze %dma_wait3A_173 : memref<1x2x120xi32, #tpu.memory_space<vmem>> -> memref<2x120xi32, #tpu.memory_space<vmem>>
          %dma_wait3A_175 = arith.constant 0 : i32
          %dma_wait3A_176 = arith.constant 0 : i32
          %dma_wait3A_177 = tpu.memref_slice %arg3[%add3A_132, %dma_wait3A_175, %dma_wait3A_176] : memref<2688x2x120xi32, #tpu.memory_space<hbm>> -> memref<1x2x120xi32, #tpu.memory_space<hbm>>
          %dma_wait3A_178 = tpu.memref_squeeze %dma_wait3A_177 : memref<1x2x120xi32, #tpu.memory_space<hbm>> -> memref<2x120xi32, #tpu.memory_space<hbm>>
          tpu.wait_dma2 semaphore(%run_scoped3A_146 : memref<!tpu.dma_semaphore, #tpu.memory_space<semaphore_mem>>) src(%dma_wait3A_178 : memref<2x120xi32, #tpu.memory_space<hbm>>) dst(%dma_wait3A_174 : memref<2x120xi32, #tpu.memory_space<vmem>>)
          tpu.yield
        }) : () -> ()
        %dma_start3A = arith.constant 1 : i32
        %dma_start3A_134 = arith.constant 0 : i32
        %dma_start3A_135 = arith.constant 1 : i32
        %dma_start3A_136 = arith.constant 0 : i32
        %dma_start3A_137 = arith.constant 0 : i32
        %dma_start3A_138 = tpu.memref_slice %arg8[%dma_start3A_135, %dma_start3A_136, %dma_start3A_137] : memref<3x120x128xf32, #tpu.memory_space<vmem>> -> memref<1x120x128xf32, #tpu.memory_space<vmem>>
        %dma_start3A_139 = tpu.memref_squeeze %dma_start3A_138 : memref<1x120x128xf32, #tpu.memory_space<vmem>> -> memref<120x128xf32, #tpu.memory_space<vmem>>
        %dma_start3A_140 = arith.constant 0 : i32
        %dma_start3A_141 = tpu.memref_slice %arg7[%dma_start3A, %dma_start3A_134, %dma_start3A_140] : memref<3x2x120xi32, #tpu.memory_space<vmem>> -> memref<1x1x120xi32, #tpu.memory_space<vmem>>
        %dma_start3A_142 = tpu.memref_squeeze %dma_start3A_141 : memref<1x1x120xi32, #tpu.memory_space<vmem>> -> memref<120xi32, #tpu.memory_space<vmem>>
        %dma_start3A_143 = arith.constant 0 : i32
        %dma_start3A_144 = arith.constant 0 : i32
        %dma_start3A_145 = tpu.memref_slice %arg2[%dma_start3A_143, %dma_start3A_144] : memref<10000x128xf32, #tpu.memory_space<hbm>> -> memref<10000x128xf32, #tpu.memory_space<hbm>>
        tpu.enqueue_indirect_dma source(%dma_start3A_145 : memref<10000x128xf32, #tpu.memory_space<hbm>>) target(%dma_start3A_139 : memref<120x128xf32, #tpu.memory_space<vmem>>) offsets(%dma_start3A_142 : memref<120xi32, #tpu.memory_space<vmem>>) semaphore(%arg11 : memref<!tpu.dma_semaphore, #tpu.memory_space<semaphore_mem>>)
      } else {
      }
      %dma_wait3A_116 = arith.constant 2 : i32
      %dma_wait3A_117 = arith.constant 0 : i32
      %dma_wait3A_118 = arith.constant 2 : i32
      %dma_wait3A_119 = arith.constant 0 : i32
      %dma_wait3A_120 = arith.constant 0 : i32
      %dma_wait3A_121 = tpu.memref_slice %arg8[%dma_wait3A_118, %dma_wait3A_119, %dma_wait3A_120] : memref<3x120x128xf32, #tpu.memory_space<vmem>> -> memref<1x120x128xf32, #tpu.memory_space<vmem>>
      %dma_wait3A_122 = tpu.memref_squeeze %dma_wait3A_121 : memref<1x120x128xf32, #tpu.memory_space<vmem>> -> memref<120x128xf32, #tpu.memory_space<vmem>>
      %dma_wait3A_123 = arith.constant 0 : i32
      %dma_wait3A_124 = tpu.memref_slice %arg7[%dma_wait3A_116, %dma_wait3A_117, %dma_wait3A_123] : memref<3x2x120xi32, #tpu.memory_space<vmem>> -> memref<1x1x120xi32, #tpu.memory_space<vmem>>
      %dma_wait3A_125 = tpu.memref_squeeze %dma_wait3A_124 : memref<1x1x120xi32, #tpu.memory_space<vmem>> -> memref<120xi32, #tpu.memory_space<vmem>>
      %dma_wait3A_126 = arith.constant 0 : i32
      %dma_wait3A_127 = arith.constant 0 : i32
      %dma_wait3A_128 = tpu.memref_slice %arg2[%dma_wait3A_126, %dma_wait3A_127] : memref<10000x128xf32, #tpu.memory_space<hbm>> -> memref<10000x128xf32, #tpu.memory_space<hbm>>
      tpu.wait_indirect_dma semaphore(%arg12 : memref<!tpu.dma_semaphore, #tpu.memory_space<semaphore_mem>>) src(%dma_wait3A_128 : memref<10000x128xf32, #tpu.memory_space<hbm>>) dst(%dma_wait3A_122 : memref<120x128xf32, #tpu.memory_space<vmem>>)
      %run_scoped3A_129 = arith.constant 2 : i32
      %run_scoped3A_130 = arith.constant 2 : i32
      %run_scoped3A_131 = arith.constant 1 : i32
      "tpu.region"() ({
        %run_scoped3A_132 = tpu.sem_alloc : memref<!tpu.dma_semaphore, #tpu.memory_space<semaphore_mem>>
        %dma_start3A = arith.constant 0 : i32
        %dma_start3A_133 = arith.constant 0 : i32
        %dma_start3A_134 = tpu.memref_slice %arg8[%run_scoped3A_129, %dma_start3A, %dma_start3A_133] : memref<3x120x128xf32, #tpu.memory_space<vmem>> -> memref<1x120x128xf32, #tpu.memory_space<vmem>>
        %dma_start3A_135 = tpu.memref_squeeze %dma_start3A_134 : memref<1x120x128xf32, #tpu.memory_space<vmem>> -> memref<120x128xf32, #tpu.memory_space<vmem>>
        %dma_start3A_136 = arith.constant 0 : i32
        %dma_start3A_137 = tpu.memref_slice %arg7[%run_scoped3A_130, %run_scoped3A_131, %dma_start3A_136] : memref<3x2x120xi32, #tpu.memory_space<vmem>> -> memref<1x1x120xi32, #tpu.memory_space<vmem>>
        %dma_start3A_138 = tpu.memref_squeeze %dma_start3A_137 : memref<1x1x120xi32, #tpu.memory_space<vmem>> -> memref<120xi32, #tpu.memory_space<vmem>>
        %dma_start3A_139 = arith.constant 0 : i32
        %dma_start3A_140 = arith.constant 0 : i32
        %dma_start3A_141 = tpu.memref_slice %arg9[%dma_start3A_139, %dma_start3A_140] : memref<10112x128xf32, #tpu.memory_space<vmem_shared>> -> memref<10112x128xf32, #tpu.memory_space<vmem_shared>>
        tpu.enqueue_indirect_dma source(%dma_start3A_135 : memref<120x128xf32, #tpu.memory_space<vmem>>) target(%dma_start3A_141 : memref<10112x128xf32, #tpu.memory_space<vmem_shared>>) offsets(%dma_start3A_138 : memref<120xi32, #tpu.memory_space<vmem>>) semaphore(%run_scoped3A_132 : memref<!tpu.dma_semaphore, #tpu.memory_space<semaphore_mem>>) {add = true}
        %dma_wait3A_142 = arith.constant 0 : i32
        %dma_wait3A_143 = arith.constant 0 : i32
        %dma_wait3A_144 = tpu.memref_slice %arg8[%run_scoped3A_129, %dma_wait3A_142, %dma_wait3A_143] : memref<3x120x128xf32, #tpu.memory_space<vmem>> -> memref<1x120x128xf32, #tpu.memory_space<vmem>>
        %dma_wait3A_145 = tpu.memref_squeeze %dma_wait3A_144 : memref<1x120x128xf32, #tpu.memory_space<vmem>> -> memref<120x128xf32, #tpu.memory_space<vmem>>
        %dma_wait3A_146 = arith.constant 0 : i32
        %dma_wait3A_147 = tpu.memref_slice %arg7[%run_scoped3A_130, %run_scoped3A_131, %dma_wait3A_146] : memref<3x2x120xi32, #tpu.memory_space<vmem>> -> memref<1x1x120xi32, #tpu.memory_space<vmem>>
        %dma_wait3A_148 = tpu.memref_squeeze %dma_wait3A_147 : memref<1x1x120xi32, #tpu.memory_space<vmem>> -> memref<120xi32, #tpu.memory_space<vmem>>
        %dma_wait3A_149 = arith.constant 0 : i32
        %dma_wait3A_150 = arith.constant 0 : i32
        %dma_wait3A_151 = tpu.memref_slice %arg9[%dma_wait3A_149, %dma_wait3A_150] : memref<10112x128xf32, #tpu.memory_space<vmem_shared>> -> memref<10112x128xf32, #tpu.memory_space<vmem_shared>>
        tpu.wait_indirect_dma semaphore(%run_scoped3A_132 : memref<!tpu.dma_semaphore, #tpu.memory_space<semaphore_mem>>) src(%dma_wait3A_145 : memref<120x128xf32, #tpu.memory_space<vmem>>) dst(%dma_wait3A_151 : memref<10112x128xf32, #tpu.memory_space<vmem_shared>>)
        tpu.yield
      }) : () -> ()
    }
    %while3A_44 = arith.constant 1 : i32
    scf.for %while3A_56 = %while3A_42 to %while3A_38 step %while3A_44  : i32 {
      %mul3A_57 = arith.constant 3 : i32
      %mul3A_58 = arith.muli %mul3A_57, %while3A_56 : i32
      %add3A_59 = arith.constant 0 : i32
      %add3A_60 = arith.addi %mul3A_58, %add3A_59 : i32
      %add3A_61 = arith.constant 2 : i32
      %add3A_62 = arith.addi %add3A_60, %add3A_61 : i32
      %lt3A = arith.cmpi slt, %add3A_62, %select_n3A : i32
      %convert_element_type3A_63 = arith.extui %lt3A : i1 to i32
      %cond3A_64 = arith.constant 0 : i32
      %cond3A_65 = arith.cmpi ne, %convert_element_type3A_63, %cond3A_64 : i32
      scf.if %cond3A_65 {
        %add3A_132 = arith.addi %select_n3A_10, %add3A_62 : i32
        %run_scoped3A_133 = arith.constant 2 : i32
        "tpu.region"() ({
          %run_scoped3A_146 = tpu.sem_alloc : memref<!tpu.dma_semaphore, #tpu.memory_space<semaphore_mem>>
          %dma_start3A_147 = arith.constant 0 : i32
          %dma_start3A_148 = arith.constant 0 : i32
          %dma_start3A_149 = tpu.memref_slice %arg7[%run_scoped3A_133, %dma_start3A_147, %dma_start3A_148] : memref<3x2x120xi32, #tpu.memory_space<vmem>> -> memref<1x2x120xi32, #tpu.memory_space<vmem>>
          %dma_start3A_150 = tpu.memref_squeeze %dma_start3A_149 : memref<1x2x120xi32, #tpu.memory_space<vmem>> -> memref<2x120xi32, #tpu.memory_space<vmem>>
          %dma_start3A_151 = arith.constant 0 : i32
          %dma_start3A_152 = arith.constant 0 : i32
          %dma_start3A_153 = tpu.memref_slice %arg3[%add3A_132, %dma_start3A_151, %dma_start3A_152] : memref<2688x2x120xi32, #tpu.memory_space<hbm>> -> memref<1x2x120xi32, #tpu.memory_space<hbm>>
          %dma_start3A_154 = tpu.memref_squeeze %dma_start3A_153 : memref<1x2x120xi32, #tpu.memory_space<hbm>> -> memref<2x120xi32, #tpu.memory_space<hbm>>
          %dma_start3A_155 = arith.constant 0 : i32
          %dma_start3A_156 = arith.constant 0 : i32
          %dma_start3A_157 = tpu.memref_slice %arg7[%run_scoped3A_133, %dma_start3A_155, %dma_start3A_156] : memref<3x2x120xi32, #tpu.memory_space<vmem>> -> memref<1x2x120xi32, #tpu.memory_space<vmem>>
          %dma_start3A_158 = tpu.memref_squeeze %dma_start3A_157 : memref<1x2x120xi32, #tpu.memory_space<vmem>> -> memref<2x120xi32, #tpu.memory_space<vmem>>
          %dma_start3A_159 = arith.constant 0 : i32
          %dma_start3A_160 = arith.constant 0 : i32
          %dma_start3A_161 = tpu.memref_slice %arg3[%add3A_132, %dma_start3A_159, %dma_start3A_160] : memref<2688x2x120xi32, #tpu.memory_space<hbm>> -> memref<1x2x120xi32, #tpu.memory_space<hbm>>
          %dma_start3A_162 = tpu.memref_squeeze %dma_start3A_161 : memref<1x2x120xi32, #tpu.memory_space<hbm>> -> memref<2x120xi32, #tpu.memory_space<hbm>>
          tpu.enqueue_dma source(%dma_start3A_162 : memref<2x120xi32, #tpu.memory_space<hbm>>) target(%dma_start3A_158 : memref<2x120xi32, #tpu.memory_space<vmem>>) target_semaphore(%run_scoped3A_146 : memref<!tpu.dma_semaphore, #tpu.memory_space<semaphore_mem>>)
          %dma_wait3A_163 = arith.constant 0 : i32
          %dma_wait3A_164 = arith.constant 0 : i32
          %dma_wait3A_165 = tpu.memref_slice %arg7[%run_scoped3A_133, %dma_wait3A_163, %dma_wait3A_164] : memref<3x2x120xi32, #tpu.memory_space<vmem>> -> memref<1x2x120xi32, #tpu.memory_space<vmem>>
          %dma_wait3A_166 = tpu.memref_squeeze %dma_wait3A_165 : memref<1x2x120xi32, #tpu.memory_space<vmem>> -> memref<2x120xi32, #tpu.memory_space<vmem>>
          %dma_wait3A_167 = arith.constant 0 : i32
          %dma_wait3A_168 = arith.constant 0 : i32
          %dma_wait3A_169 = tpu.memref_slice %arg3[%add3A_132, %dma_wait3A_167, %dma_wait3A_168] : memref<2688x2x120xi32, #tpu.memory_space<hbm>> -> memref<1x2x120xi32, #tpu.memory_space<hbm>>
          %dma_wait3A_170 = tpu.memref_squeeze %dma_wait3A_169 : memref<1x2x120xi32, #tpu.memory_space<hbm>> -> memref<2x120xi32, #tpu.memory_space<hbm>>
          %dma_wait3A_171 = arith.constant 0 : i32
          %dma_wait3A_172 = arith.constant 0 : i32
          %dma_wait3A_173 = tpu.memref_slice %arg7[%run_scoped3A_133, %dma_wait3A_171, %dma_wait3A_172] : memref<3x2x120xi32, #tpu.memory_space<vmem>> -> memref<1x2x120xi32, #tpu.memory_space<vmem>>
          %dma_wait3A_174 = tpu.memref_squeeze %dma_wait3A_173 : memref<1x2x120xi32, #tpu.memory_space<vmem>> -> memref<2x120xi32, #tpu.memory_space<vmem>>
          %dma_wait3A_175 = arith.constant 0 : i32
          %dma_wait3A_176 = arith.constant 0 : i32
          %dma_wait3A_177 = tpu.memref_slice %arg3[%add3A_132, %dma_wait3A_175, %dma_wait3A_176] : memref<2688x2x120xi32, #tpu.memory_space<hbm>> -> memref<1x2x120xi32, #tpu.memory_space<hbm>>
          %dma_wait3A_178 = tpu.memref_squeeze %dma_wait3A_177 : memref<1x2x120xi32, #tpu.memory_space<hbm>> -> memref<2x120xi32, #tpu.memory_space<hbm>>
          tpu.wait_dma2 semaphore(%run_scoped3A_146 : memref<!tpu.dma_semaphore, #tpu.memory_space<semaphore_mem>>) src(%dma_wait3A_178 : memref<2x120xi32, #tpu.memory_space<hbm>>) dst(%dma_wait3A_174 : memref<2x120xi32, #tpu.memory_space<vmem>>)
          tpu.yield
        }) : () -> ()
        %dma_start3A = arith.constant 2 : i32
        %dma_start3A_134 = arith.constant 0 : i32
        %dma_start3A_135 = arith.constant 2 : i32
        %dma_start3A_136 = arith.constant 0 : i32
        %dma_start3A_137 = arith.constant 0 : i32
        %dma_start3A_138 = tpu.memref_slice %arg8[%dma_start3A_135, %dma_start3A_136, %dma_start3A_137] : memref<3x120x128xf32, #tpu.memory_space<vmem>> -> memref<1x120x128xf32, #tpu.memory_space<vmem>>
        %dma_start3A_139 = tpu.memref_squeeze %dma_start3A_138 : memref<1x120x128xf32, #tpu.memory_space<vmem>> -> memref<120x128xf32, #tpu.memory_space<vmem>>
        %dma_start3A_140 = arith.constant 0 : i32
        %dma_start3A_141 = tpu.memref_slice %arg7[%dma_start3A, %dma_start3A_134, %dma_start3A_140] : memref<3x2x120xi32, #tpu.memory_space<vmem>> -> memref<1x1x120xi32, #tpu.memory_space<vmem>>
        %dma_start3A_142 = tpu.memref_squeeze %dma_start3A_141 : memref<1x1x120xi32, #tpu.memory_space<vmem>> -> memref<120xi32, #tpu.memory_space<vmem>>
        %dma_start3A_143 = arith.constant 0 : i32
        %dma_start3A_144 = arith.constant 0 : i32
        %dma_start3A_145 = tpu.memref_slice %arg2[%dma_start3A_143, %dma_start3A_144] : memref<10000x128xf32, #tpu.memory_space<hbm>> -> memref<10000x128xf32, #tpu.memory_space<hbm>>
        tpu.enqueue_indirect_dma source(%dma_start3A_145 : memref<10000x128xf32, #tpu.memory_space<hbm>>) target(%dma_start3A_139 : memref<120x128xf32, #tpu.memory_space<vmem>>) offsets(%dma_start3A_142 : memref<120xi32, #tpu.memory_space<vmem>>) semaphore(%arg12 : memref<!tpu.dma_semaphore, #tpu.memory_space<semaphore_mem>>)
      } else {
      }
      %dma_wait3A = arith.constant 0 : i32
      %dma_wait3A_66 = arith.constant 0 : i32
      %dma_wait3A_67 = arith.constant 0 : i32
      %dma_wait3A_68 = arith.constant 0 : i32
      %dma_wait3A_69 = arith.constant 0 : i32
      %dma_wait3A_70 = tpu.memref_slice %arg8[%dma_wait3A_67, %dma_wait3A_68, %dma_wait3A_69] : memref<3x120x128xf32, #tpu.memory_space<vmem>> -> memref<1x120x128xf32, #tpu.memory_space<vmem>>
      %dma_wait3A_71 = tpu.memref_squeeze %dma_wait3A_70 : memref<1x120x128xf32, #tpu.memory_space<vmem>> -> memref<120x128xf32, #tpu.memory_space<vmem>>
      %dma_wait3A_72 = arith.constant 0 : i32
      %dma_wait3A_73 = tpu.memref_slice %arg7[%dma_wait3A, %dma_wait3A_66, %dma_wait3A_72] : memref<3x2x120xi32, #tpu.memory_space<vmem>> -> memref<1x1x120xi32, #tpu.memory_space<vmem>>
      %dma_wait3A_74 = tpu.memref_squeeze %dma_wait3A_73 : memref<1x1x120xi32, #tpu.memory_space<vmem>> -> memref<120xi32, #tpu.memory_space<vmem>>
      %dma_wait3A_75 = arith.constant 0 : i32
      %dma_wait3A_76 = arith.constant 0 : i32
      %dma_wait3A_77 = tpu.memref_slice %arg2[%dma_wait3A_75, %dma_wait3A_76] : memref<10000x128xf32, #tpu.memory_space<hbm>> -> memref<10000x128xf32, #tpu.memory_space<hbm>>
      tpu.wait_indirect_dma semaphore(%arg10 : memref<!tpu.dma_semaphore, #tpu.memory_space<semaphore_mem>>) src(%dma_wait3A_77 : memref<10000x128xf32, #tpu.memory_space<hbm>>) dst(%dma_wait3A_71 : memref<120x128xf32, #tpu.memory_space<vmem>>)
      %run_scoped3A = arith.constant 0 : i32
      %run_scoped3A_78 = arith.constant 0 : i32
      %run_scoped3A_79 = arith.constant 1 : i32
      "tpu.region"() ({
        %run_scoped3A_132 = tpu.sem_alloc : memref<!tpu.dma_semaphore, #tpu.memory_space<semaphore_mem>>
        %dma_start3A = arith.constant 0 : i32
        %dma_start3A_133 = arith.constant 0 : i32
        %dma_start3A_134 = tpu.memref_slice %arg8[%run_scoped3A, %dma_start3A, %dma_start3A_133] : memref<3x120x128xf32, #tpu.memory_space<vmem>> -> memref<1x120x128xf32, #tpu.memory_space<vmem>>
        %dma_start3A_135 = tpu.memref_squeeze %dma_start3A_134 : memref<1x120x128xf32, #tpu.memory_space<vmem>> -> memref<120x128xf32, #tpu.memory_space<vmem>>
        %dma_start3A_136 = arith.constant 0 : i32
        %dma_start3A_137 = tpu.memref_slice %arg7[%run_scoped3A_78, %run_scoped3A_79, %dma_start3A_136] : memref<3x2x120xi32, #tpu.memory_space<vmem>> -> memref<1x1x120xi32, #tpu.memory_space<vmem>>
        %dma_start3A_138 = tpu.memref_squeeze %dma_start3A_137 : memref<1x1x120xi32, #tpu.memory_space<vmem>> -> memref<120xi32, #tpu.memory_space<vmem>>
        %dma_start3A_139 = arith.constant 0 : i32
        %dma_start3A_140 = arith.constant 0 : i32
        %dma_start3A_141 = tpu.memref_slice %arg9[%dma_start3A_139, %dma_start3A_140] : memref<10112x128xf32, #tpu.memory_space<vmem_shared>> -> memref<10112x128xf32, #tpu.memory_space<vmem_shared>>
        tpu.enqueue_indirect_dma source(%dma_start3A_135 : memref<120x128xf32, #tpu.memory_space<vmem>>) target(%dma_start3A_141 : memref<10112x128xf32, #tpu.memory_space<vmem_shared>>) offsets(%dma_start3A_138 : memref<120xi32, #tpu.memory_space<vmem>>) semaphore(%run_scoped3A_132 : memref<!tpu.dma_semaphore, #tpu.memory_space<semaphore_mem>>) {add = true}
        %dma_wait3A_142 = arith.constant 0 : i32
        %dma_wait3A_143 = arith.constant 0 : i32
        %dma_wait3A_144 = tpu.memref_slice %arg8[%run_scoped3A, %dma_wait3A_142, %dma_wait3A_143] : memref<3x120x128xf32, #tpu.memory_space<vmem>> -> memref<1x120x128xf32, #tpu.memory_space<vmem>>
        %dma_wait3A_145 = tpu.memref_squeeze %dma_wait3A_144 : memref<1x120x128xf32, #tpu.memory_space<vmem>> -> memref<120x128xf32, #tpu.memory_space<vmem>>
        %dma_wait3A_146 = arith.constant 0 : i32
        %dma_wait3A_147 = tpu.memref_slice %arg7[%run_scoped3A_78, %run_scoped3A_79, %dma_wait3A_146] : memref<3x2x120xi32, #tpu.memory_space<vmem>> -> memref<1x1x120xi32, #tpu.memory_space<vmem>>
        %dma_wait3A_148 = tpu.memref_squeeze %dma_wait3A_147 : memref<1x1x120xi32, #tpu.memory_space<vmem>> -> memref<120xi32, #tpu.memory_space<vmem>>
        %dma_wait3A_149 = arith.constant 0 : i32
        %dma_wait3A_150 = arith.constant 0 : i32
        %dma_wait3A_151 = tpu.memref_slice %arg9[%dma_wait3A_149, %dma_wait3A_150] : memref<10112x128xf32, #tpu.memory_space<vmem_shared>> -> memref<10112x128xf32, #tpu.memory_space<vmem_shared>>
        tpu.wait_indirect_dma semaphore(%run_scoped3A_132 : memref<!tpu.dma_semaphore, #tpu.memory_space<semaphore_mem>>) src(%dma_wait3A_145 : memref<120x128xf32, #tpu.memory_space<vmem>>) dst(%dma_wait3A_151 : memref<10112x128xf32, #tpu.memory_space<vmem_shared>>)
        tpu.yield
      }) : () -> ()
      %mul3A_80 = arith.constant 3 : i32
      %mul3A_81 = arith.muli %mul3A_80, %while3A_56 : i32
      %add3A_82 = arith.constant 1 : i32
      %add3A_83 = arith.addi %mul3A_81, %add3A_82 : i32
      %add3A_84 = arith.constant 2 : i32
      %add3A_85 = arith.addi %add3A_83, %add3A_84 : i32
      %lt3A_86 = arith.cmpi slt, %add3A_85, %select_n3A : i32
      %convert_element_type3A_87 = arith.extui %lt3A_86 : i1 to i32
      %cond3A_88 = arith.constant 0 : i32
      %cond3A_89 = arith.cmpi ne, %convert_element_type3A_87, %cond3A_88 : i32
      scf.if %cond3A_89 {
        %add3A_132 = arith.addi %select_n3A_10, %add3A_85 : i32
        %run_scoped3A_133 = arith.constant 0 : i32
        "tpu.region"() ({
          %run_scoped3A_146 = tpu.sem_alloc : memref<!tpu.dma_semaphore, #tpu.memory_space<semaphore_mem>>
          %dma_start3A_147 = arith.constant 0 : i32
          %dma_start3A_148 = arith.constant 0 : i32
          %dma_start3A_149 = tpu.memref_slice %arg7[%run_scoped3A_133, %dma_start3A_147, %dma_start3A_148] : memref<3x2x120xi32, #tpu.memory_space<vmem>> -> memref<1x2x120xi32, #tpu.memory_space<vmem>>
          %dma_start3A_150 = tpu.memref_squeeze %dma_start3A_149 : memref<1x2x120xi32, #tpu.memory_space<vmem>> -> memref<2x120xi32, #tpu.memory_space<vmem>>
          %dma_start3A_151 = arith.constant 0 : i32
          %dma_start3A_152 = arith.constant 0 : i32
          %dma_start3A_153 = tpu.memref_slice %arg3[%add3A_132, %dma_start3A_151, %dma_start3A_152] : memref<2688x2x120xi32, #tpu.memory_space<hbm>> -> memref<1x2x120xi32, #tpu.memory_space<hbm>>
          %dma_start3A_154 = tpu.memref_squeeze %dma_start3A_153 : memref<1x2x120xi32, #tpu.memory_space<hbm>> -> memref<2x120xi32, #tpu.memory_space<hbm>>
          %dma_start3A_155 = arith.constant 0 : i32
          %dma_start3A_156 = arith.constant 0 : i32
          %dma_start3A_157 = tpu.memref_slice %arg7[%run_scoped3A_133, %dma_start3A_155, %dma_start3A_156] : memref<3x2x120xi32, #tpu.memory_space<vmem>> -> memref<1x2x120xi32, #tpu.memory_space<vmem>>
          %dma_start3A_158 = tpu.memref_squeeze %dma_start3A_157 : memref<1x2x120xi32, #tpu.memory_space<vmem>> -> memref<2x120xi32, #tpu.memory_space<vmem>>
          %dma_start3A_159 = arith.constant 0 : i32
          %dma_start3A_160 = arith.constant 0 : i32
          %dma_start3A_161 = tpu.memref_slice %arg3[%add3A_132, %dma_start3A_159, %dma_start3A_160] : memref<2688x2x120xi32, #tpu.memory_space<hbm>> -> memref<1x2x120xi32, #tpu.memory_space<hbm>>
          %dma_start3A_162 = tpu.memref_squeeze %dma_start3A_161 : memref<1x2x120xi32, #tpu.memory_space<hbm>> -> memref<2x120xi32, #tpu.memory_space<hbm>>
          tpu.enqueue_dma source(%dma_start3A_162 : memref<2x120xi32, #tpu.memory_space<hbm>>) target(%dma_start3A_158 : memref<2x120xi32, #tpu.memory_space<vmem>>) target_semaphore(%run_scoped3A_146 : memref<!tpu.dma_semaphore, #tpu.memory_space<semaphore_mem>>)
          %dma_wait3A_163 = arith.constant 0 : i32
          %dma_wait3A_164 = arith.constant 0 : i32
          %dma_wait3A_165 = tpu.memref_slice %arg7[%run_scoped3A_133, %dma_wait3A_163, %dma_wait3A_164] : memref<3x2x120xi32, #tpu.memory_space<vmem>> -> memref<1x2x120xi32, #tpu.memory_space<vmem>>
          %dma_wait3A_166 = tpu.memref_squeeze %dma_wait3A_165 : memref<1x2x120xi32, #tpu.memory_space<vmem>> -> memref<2x120xi32, #tpu.memory_space<vmem>>
          %dma_wait3A_167 = arith.constant 0 : i32
          %dma_wait3A_168 = arith.constant 0 : i32
          %dma_wait3A_169 = tpu.memref_slice %arg3[%add3A_132, %dma_wait3A_167, %dma_wait3A_168] : memref<2688x2x120xi32, #tpu.memory_space<hbm>> -> memref<1x2x120xi32, #tpu.memory_space<hbm>>
          %dma_wait3A_170 = tpu.memref_squeeze %dma_wait3A_169 : memref<1x2x120xi32, #tpu.memory_space<hbm>> -> memref<2x120xi32, #tpu.memory_space<hbm>>
          %dma_wait3A_171 = arith.constant 0 : i32
          %dma_wait3A_172 = arith.constant 0 : i32
          %dma_wait3A_173 = tpu.memref_slice %arg7[%run_scoped3A_133, %dma_wait3A_171, %dma_wait3A_172] : memref<3x2x120xi32, #tpu.memory_space<vmem>> -> memref<1x2x120xi32, #tpu.memory_space<vmem>>
          %dma_wait3A_174 = tpu.memref_squeeze %dma_wait3A_173 : memref<1x2x120xi32, #tpu.memory_space<vmem>> -> memref<2x120xi32, #tpu.memory_space<vmem>>
          %dma_wait3A_175 = arith.constant 0 : i32
          %dma_wait3A_176 = arith.constant 0 : i32
          %dma_wait3A_177 = tpu.memref_slice %arg3[%add3A_132, %dma_wait3A_175, %dma_wait3A_176] : memref<2688x2x120xi32, #tpu.memory_space<hbm>> -> memref<1x2x120xi32, #tpu.memory_space<hbm>>
          %dma_wait3A_178 = tpu.memref_squeeze %dma_wait3A_177 : memref<1x2x120xi32, #tpu.memory_space<hbm>> -> memref<2x120xi32, #tpu.memory_space<hbm>>
          tpu.wait_dma2 semaphore(%run_scoped3A_146 : memref<!tpu.dma_semaphore, #tpu.memory_space<semaphore_mem>>) src(%dma_wait3A_178 : memref<2x120xi32, #tpu.memory_space<hbm>>) dst(%dma_wait3A_174 : memref<2x120xi32, #tpu.memory_space<vmem>>)
          tpu.yield
        }) : () -> ()
        %dma_start3A = arith.constant 0 : i32
        %dma_start3A_134 = arith.constant 0 : i32
        %dma_start3A_135 = arith.constant 0 : i32
        %dma_start3A_136 = arith.constant 0 : i32
        %dma_start3A_137 = arith.constant 0 : i32
        %dma_start3A_138 = tpu.memref_slice %arg8[%dma_start3A_135, %dma_start3A_136, %dma_start3A_137] : memref<3x120x128xf32, #tpu.memory_space<vmem>> -> memref<1x120x128xf32, #tpu.memory_space<vmem>>
        %dma_start3A_139 = tpu.memref_squeeze %dma_start3A_138 : memref<1x120x128xf32, #tpu.memory_space<vmem>> -> memref<120x128xf32, #tpu.memory_space<vmem>>
        %dma_start3A_140 = arith.constant 0 : i32
        %dma_start3A_141 = tpu.memref_slice %arg7[%dma_start3A, %dma_start3A_134, %dma_start3A_140] : memref<3x2x120xi32, #tpu.memory_space<vmem>> -> memref<1x1x120xi32, #tpu.memory_space<vmem>>
        %dma_start3A_142 = tpu.memref_squeeze %dma_start3A_141 : memref<1x1x120xi32, #tpu.memory_space<vmem>> -> memref<120xi32, #tpu.memory_space<vmem>>
        %dma_start3A_143 = arith.constant 0 : i32
        %dma_start3A_144 = arith.constant 0 : i32
        %dma_start3A_145 = tpu.memref_slice %arg2[%dma_start3A_143, %dma_start3A_144] : memref<10000x128xf32, #tpu.memory_space<hbm>> -> memref<10000x128xf32, #tpu.memory_space<hbm>>
        tpu.enqueue_indirect_dma source(%dma_start3A_145 : memref<10000x128xf32, #tpu.memory_space<hbm>>) target(%dma_start3A_139 : memref<120x128xf32, #tpu.memory_space<vmem>>) offsets(%dma_start3A_142 : memref<120xi32, #tpu.memory_space<vmem>>) semaphore(%arg10 : memref<!tpu.dma_semaphore, #tpu.memory_space<semaphore_mem>>)
      } else {
      }
      %dma_wait3A_90 = arith.constant 1 : i32
      %dma_wait3A_91 = arith.constant 0 : i32
      %dma_wait3A_92 = arith.constant 1 : i32
      %dma_wait3A_93 = arith.constant 0 : i32
      %dma_wait3A_94 = arith.constant 0 : i32
      %dma_wait3A_95 = tpu.memref_slice %arg8[%dma_wait3A_92, %dma_wait3A_93, %dma_wait3A_94] : memref<3x120x128xf32, #tpu.memory_space<vmem>> -> memref<1x120x128xf32, #tpu.memory_space<vmem>>
      %dma_wait3A_96 = tpu.memref_squeeze %dma_wait3A_95 : memref<1x120x128xf32, #tpu.memory_space<vmem>> -> memref<120x128xf32, #tpu.memory_space<vmem>>
      %dma_wait3A_97 = arith.constant 0 : i32
      %dma_wait3A_98 = tpu.memref_slice %arg7[%dma_wait3A_90, %dma_wait3A_91, %dma_wait3A_97] : memref<3x2x120xi32, #tpu.memory_space<vmem>> -> memref<1x1x120xi32, #tpu.memory_space<vmem>>
      %dma_wait3A_99 = tpu.memref_squeeze %dma_wait3A_98 : memref<1x1x120xi32, #tpu.memory_space<vmem>> -> memref<120xi32, #tpu.memory_space<vmem>>
      %dma_wait3A_100 = arith.constant 0 : i32
      %dma_wait3A_101 = arith.constant 0 : i32
      %dma_wait3A_102 = tpu.memref_slice %arg2[%dma_wait3A_100, %dma_wait3A_101] : memref<10000x128xf32, #tpu.memory_space<hbm>> -> memref<10000x128xf32, #tpu.memory_space<hbm>>
      tpu.wait_indirect_dma semaphore(%arg11 : memref<!tpu.dma_semaphore, #tpu.memory_space<semaphore_mem>>) src(%dma_wait3A_102 : memref<10000x128xf32, #tpu.memory_space<hbm>>) dst(%dma_wait3A_96 : memref<120x128xf32, #tpu.memory_space<vmem>>)
      %run_scoped3A_103 = arith.constant 1 : i32
      %run_scoped3A_104 = arith.constant 1 : i32
      %run_scoped3A_105 = arith.constant 1 : i32
      "tpu.region"() ({
        %run_scoped3A_132 = tpu.sem_alloc : memref<!tpu.dma_semaphore, #tpu.memory_space<semaphore_mem>>
        %dma_start3A = arith.constant 0 : i32
        %dma_start3A_133 = arith.constant 0 : i32
        %dma_start3A_134 = tpu.memref_slice %arg8[%run_scoped3A_103, %dma_start3A, %dma_start3A_133] : memref<3x120x128xf32, #tpu.memory_space<vmem>> -> memref<1x120x128xf32, #tpu.memory_space<vmem>>
        %dma_start3A_135 = tpu.memref_squeeze %dma_start3A_134 : memref<1x120x128xf32, #tpu.memory_space<vmem>> -> memref<120x128xf32, #tpu.memory_space<vmem>>
        %dma_start3A_136 = arith.constant 0 : i32
        %dma_start3A_137 = tpu.memref_slice %arg7[%run_scoped3A_104, %run_scoped3A_105, %dma_start3A_136] : memref<3x2x120xi32, #tpu.memory_space<vmem>> -> memref<1x1x120xi32, #tpu.memory_space<vmem>>
        %dma_start3A_138 = tpu.memref_squeeze %dma_start3A_137 : memref<1x1x120xi32, #tpu.memory_space<vmem>> -> memref<120xi32, #tpu.memory_space<vmem>>
        %dma_start3A_139 = arith.constant 0 : i32
        %dma_start3A_140 = arith.constant 0 : i32
        %dma_start3A_141 = tpu.memref_slice %arg9[%dma_start3A_139, %dma_start3A_140] : memref<10112x128xf32, #tpu.memory_space<vmem_shared>> -> memref<10112x128xf32, #tpu.memory_space<vmem_shared>>
        tpu.enqueue_indirect_dma source(%dma_start3A_135 : memref<120x128xf32, #tpu.memory_space<vmem>>) target(%dma_start3A_141 : memref<10112x128xf32, #tpu.memory_space<vmem_shared>>) offsets(%dma_start3A_138 : memref<120xi32, #tpu.memory_space<vmem>>) semaphore(%run_scoped3A_132 : memref<!tpu.dma_semaphore, #tpu.memory_space<semaphore_mem>>) {add = true}
        %dma_wait3A_142 = arith.constant 0 : i32
        %dma_wait3A_143 = arith.constant 0 : i32
        %dma_wait3A_144 = tpu.memref_slice %arg8[%run_scoped3A_103, %dma_wait3A_142, %dma_wait3A_143] : memref<3x120x128xf32, #tpu.memory_space<vmem>> -> memref<1x120x128xf32, #tpu.memory_space<vmem>>
        %dma_wait3A_145 = tpu.memref_squeeze %dma_wait3A_144 : memref<1x120x128xf32, #tpu.memory_space<vmem>> -> memref<120x128xf32, #tpu.memory_space<vmem>>
        %dma_wait3A_146 = arith.constant 0 : i32
        %dma_wait3A_147 = tpu.memref_slice %arg7[%run_scoped3A_104, %run_scoped3A_105, %dma_wait3A_146] : memref<3x2x120xi32, #tpu.memory_space<vmem>> -> memref<1x1x120xi32, #tpu.memory_space<vmem>>
        %dma_wait3A_148 = tpu.memref_squeeze %dma_wait3A_147 : memref<1x1x120xi32, #tpu.memory_space<vmem>> -> memref<120xi32, #tpu.memory_space<vmem>>
        %dma_wait3A_149 = arith.constant 0 : i32
        %dma_wait3A_150 = arith.constant 0 : i32
        %dma_wait3A_151 = tpu.memref_slice %arg9[%dma_wait3A_149, %dma_wait3A_150] : memref<10112x128xf32, #tpu.memory_space<vmem_shared>> -> memref<10112x128xf32, #tpu.memory_space<vmem_shared>>
        tpu.wait_indirect_dma semaphore(%run_scoped3A_132 : memref<!tpu.dma_semaphore, #tpu.memory_space<semaphore_mem>>) src(%dma_wait3A_145 : memref<120x128xf32, #tpu.memory_space<vmem>>) dst(%dma_wait3A_151 : memref<10112x128xf32, #tpu.memory_space<vmem_shared>>)
        tpu.yield
      }) : () -> ()
      %mul3A_106 = arith.constant 3 : i32
      %mul3A_107 = arith.muli %mul3A_106, %while3A_56 : i32
      %add3A_108 = arith.constant 2 : i32
      %add3A_109 = arith.addi %mul3A_107, %add3A_108 : i32
      %add3A_110 = arith.constant 2 : i32
      %add3A_111 = arith.addi %add3A_109, %add3A_110 : i32
      %lt3A_112 = arith.cmpi slt, %add3A_111, %select_n3A : i32
      %convert_element_type3A_113 = arith.extui %lt3A_112 : i1 to i32
      %cond3A_114 = arith.constant 0 : i32
      %cond3A_115 = arith.cmpi ne, %convert_element_type3A_113, %cond3A_114 : i32
      scf.if %cond3A_115 {
        %add3A_132 = arith.addi %select_n3A_10, %add3A_111 : i32
        %run_scoped3A_133 = arith.constant 1 : i32
        "tpu.region"() ({
          %run_scoped3A_146 = tpu.sem_alloc : memref<!tpu.dma_semaphore, #tpu.memory_space<semaphore_mem>>
          %dma_start3A_147 = arith.constant 0 : i32
          %dma_start3A_148 = arith.constant 0 : i32
          %dma_start3A_149 = tpu.memref_slice %arg7[%run_scoped3A_133, %dma_start3A_147, %dma_start3A_148] : memref<3x2x120xi32, #tpu.memory_space<vmem>> -> memref<1x2x120xi32, #tpu.memory_space<vmem>>
          %dma_start3A_150 = tpu.memref_squeeze %dma_start3A_149 : memref<1x2x120xi32, #tpu.memory_space<vmem>> -> memref<2x120xi32, #tpu.memory_space<vmem>>
          %dma_start3A_151 = arith.constant 0 : i32
          %dma_start3A_152 = arith.constant 0 : i32
          %dma_start3A_153 = tpu.memref_slice %arg3[%add3A_132, %dma_start3A_151, %dma_start3A_152] : memref<2688x2x120xi32, #tpu.memory_space<hbm>> -> memref<1x2x120xi32, #tpu.memory_space<hbm>>
          %dma_start3A_154 = tpu.memref_squeeze %dma_start3A_153 : memref<1x2x120xi32, #tpu.memory_space<hbm>> -> memref<2x120xi32, #tpu.memory_space<hbm>>
          %dma_start3A_155 = arith.constant 0 : i32
          %dma_start3A_156 = arith.constant 0 : i32
          %dma_start3A_157 = tpu.memref_slice %arg7[%run_scoped3A_133, %dma_start3A_155, %dma_start3A_156] : memref<3x2x120xi32, #tpu.memory_space<vmem>> -> memref<1x2x120xi32, #tpu.memory_space<vmem>>
          %dma_start3A_158 = tpu.memref_squeeze %dma_start3A_157 : memref<1x2x120xi32, #tpu.memory_space<vmem>> -> memref<2x120xi32, #tpu.memory_space<vmem>>
          %dma_start3A_159 = arith.constant 0 : i32
          %dma_start3A_160 = arith.constant 0 : i32
          %dma_start3A_161 = tpu.memref_slice %arg3[%add3A_132, %dma_start3A_159, %dma_start3A_160] : memref<2688x2x120xi32, #tpu.memory_space<hbm>> -> memref<1x2x120xi32, #tpu.memory_space<hbm>>
          %dma_start3A_162 = tpu.memref_squeeze %dma_start3A_161 : memref<1x2x120xi32, #tpu.memory_space<hbm>> -> memref<2x120xi32, #tpu.memory_space<hbm>>
          tpu.enqueue_dma source(%dma_start3A_162 : memref<2x120xi32, #tpu.memory_space<hbm>>) target(%dma_start3A_158 : memref<2x120xi32, #tpu.memory_space<vmem>>) target_semaphore(%run_scoped3A_146 : memref<!tpu.dma_semaphore, #tpu.memory_space<semaphore_mem>>)
          %dma_wait3A_163 = arith.constant 0 : i32
          %dma_wait3A_164 = arith.constant 0 : i32
          %dma_wait3A_165 = tpu.memref_slice %arg7[%run_scoped3A_133, %dma_wait3A_163, %dma_wait3A_164] : memref<3x2x120xi32, #tpu.memory_space<vmem>> -> memref<1x2x120xi32, #tpu.memory_space<vmem>>
          %dma_wait3A_166 = tpu.memref_squeeze %dma_wait3A_165 : memref<1x2x120xi32, #tpu.memory_space<vmem>> -> memref<2x120xi32, #tpu.memory_space<vmem>>
          %dma_wait3A_167 = arith.constant 0 : i32
          %dma_wait3A_168 = arith.constant 0 : i32
          %dma_wait3A_169 = tpu.memref_slice %arg3[%add3A_132, %dma_wait3A_167, %dma_wait3A_168] : memref<2688x2x120xi32, #tpu.memory_space<hbm>> -> memref<1x2x120xi32, #tpu.memory_space<hbm>>
          %dma_wait3A_170 = tpu.memref_squeeze %dma_wait3A_169 : memref<1x2x120xi32, #tpu.memory_space<hbm>> -> memref<2x120xi32, #tpu.memory_space<hbm>>
          %dma_wait3A_171 = arith.constant 0 : i32
          %dma_wait3A_172 = arith.constant 0 : i32
          %dma_wait3A_173 = tpu.memref_slice %arg7[%run_scoped3A_133, %dma_wait3A_171, %dma_wait3A_172] : memref<3x2x120xi32, #tpu.memory_space<vmem>> -> memref<1x2x120xi32, #tpu.memory_space<vmem>>
          %dma_wait3A_174 = tpu.memref_squeeze %dma_wait3A_173 : memref<1x2x120xi32, #tpu.memory_space<vmem>> -> memref<2x120xi32, #tpu.memory_space<vmem>>
          %dma_wait3A_175 = arith.constant 0 : i32
          %dma_wait3A_176 = arith.constant 0 : i32
          %dma_wait3A_177 = tpu.memref_slice %arg3[%add3A_132, %dma_wait3A_175, %dma_wait3A_176] : memref<2688x2x120xi32, #tpu.memory_space<hbm>> -> memref<1x2x120xi32, #tpu.memory_space<hbm>>
          %dma_wait3A_178 = tpu.memref_squeeze %dma_wait3A_177 : memref<1x2x120xi32, #tpu.memory_space<hbm>> -> memref<2x120xi32, #tpu.memory_space<hbm>>
          tpu.wait_dma2 semaphore(%run_scoped3A_146 : memref<!tpu.dma_semaphore, #tpu.memory_space<semaphore_mem>>) src(%dma_wait3A_178 : memref<2x120xi32, #tpu.memory_space<hbm>>) dst(%dma_wait3A_174 : memref<2x120xi32, #tpu.memory_space<vmem>>)
          tpu.yield
        }) : () -> ()
        %dma_start3A = arith.constant 1 : i32
        %dma_start3A_134 = arith.constant 0 : i32
        %dma_start3A_135 = arith.constant 1 : i32
        %dma_start3A_136 = arith.constant 0 : i32
        %dma_start3A_137 = arith.constant 0 : i32
        %dma_start3A_138 = tpu.memref_slice %arg8[%dma_start3A_135, %dma_start3A_136, %dma_start3A_137] : memref<3x120x128xf32, #tpu.memory_space<vmem>> -> memref<1x120x128xf32, #tpu.memory_space<vmem>>
        %dma_start3A_139 = tpu.memref_squeeze %dma_start3A_138 : memref<1x120x128xf32, #tpu.memory_space<vmem>> -> memref<120x128xf32, #tpu.memory_space<vmem>>
        %dma_start3A_140 = arith.constant 0 : i32
        %dma_start3A_141 = tpu.memref_slice %arg7[%dma_start3A, %dma_start3A_134, %dma_start3A_140] : memref<3x2x120xi32, #tpu.memory_space<vmem>> -> memref<1x1x120xi32, #tpu.memory_space<vmem>>
        %dma_start3A_142 = tpu.memref_squeeze %dma_start3A_141 : memref<1x1x120xi32, #tpu.memory_space<vmem>> -> memref<120xi32, #tpu.memory_space<vmem>>
        %dma_start3A_143 = arith.constant 0 : i32
        %dma_start3A_144 = arith.constant 0 : i32
        %dma_start3A_145 = tpu.memref_slice %arg2[%dma_start3A_143, %dma_start3A_144] : memref<10000x128xf32, #tpu.memory_space<hbm>> -> memref<10000x128xf32, #tpu.memory_space<hbm>>
        tpu.enqueue_indirect_dma source(%dma_start3A_145 : memref<10000x128xf32, #tpu.memory_space<hbm>>) target(%dma_start3A_139 : memref<120x128xf32, #tpu.memory_space<vmem>>) offsets(%dma_start3A_142 : memref<120xi32, #tpu.memory_space<vmem>>) semaphore(%arg11 : memref<!tpu.dma_semaphore, #tpu.memory_space<semaphore_mem>>)
      } else {
      }
      %dma_wait3A_116 = arith.constant 2 : i32
      %dma_wait3A_117 = arith.constant 0 : i32
      %dma_wait3A_118 = arith.constant 2 : i32
      %dma_wait3A_119 = arith.constant 0 : i32
      %dma_wait3A_120 = arith.constant 0 : i32
      %dma_wait3A_121 = tpu.memref_slice %arg8[%dma_wait3A_118, %dma_wait3A_119, %dma_wait3A_120] : memref<3x120x128xf32, #tpu.memory_space<vmem>> -> memref<1x120x128xf32, #tpu.memory_space<vmem>>
      %dma_wait3A_122 = tpu.memref_squeeze %dma_wait3A_121 : memref<1x120x128xf32, #tpu.memory_space<vmem>> -> memref<120x128xf32, #tpu.memory_space<vmem>>
      %dma_wait3A_123 = arith.constant 0 : i32
      %dma_wait3A_124 = tpu.memref_slice %arg7[%dma_wait3A_116, %dma_wait3A_117, %dma_wait3A_123] : memref<3x2x120xi32, #tpu.memory_space<vmem>> -> memref<1x1x120xi32, #tpu.memory_space<vmem>>
      %dma_wait3A_125 = tpu.memref_squeeze %dma_wait3A_124 : memref<1x1x120xi32, #tpu.memory_space<vmem>> -> memref<120xi32, #tpu.memory_space<vmem>>
      %dma_wait3A_126 = arith.constant 0 : i32
      %dma_wait3A_127 = arith.constant 0 : i32
      %dma_wait3A_128 = tpu.memref_slice %arg2[%dma_wait3A_126, %dma_wait3A_127] : memref<10000x128xf32, #tpu.memory_space<hbm>> -> memref<10000x128xf32, #tpu.memory_space<hbm>>
      tpu.wait_indirect_dma semaphore(%arg12 : memref<!tpu.dma_semaphore, #tpu.memory_space<semaphore_mem>>) src(%dma_wait3A_128 : memref<10000x128xf32, #tpu.memory_space<hbm>>) dst(%dma_wait3A_122 : memref<120x128xf32, #tpu.memory_space<vmem>>)
      %run_scoped3A_129 = arith.constant 2 : i32
      %run_scoped3A_130 = arith.constant 2 : i32
      %run_scoped3A_131 = arith.constant 1 : i32
      "tpu.region"() ({
        %run_scoped3A_132 = tpu.sem_alloc : memref<!tpu.dma_semaphore, #tpu.memory_space<semaphore_mem>>
        %dma_start3A = arith.constant 0 : i32
        %dma_start3A_133 = arith.constant 0 : i32
        %dma_start3A_134 = tpu.memref_slice %arg8[%run_scoped3A_129, %dma_start3A, %dma_start3A_133] : memref<3x120x128xf32, #tpu.memory_space<vmem>> -> memref<1x120x128xf32, #tpu.memory_space<vmem>>
        %dma_start3A_135 = tpu.memref_squeeze %dma_start3A_134 : memref<1x120x128xf32, #tpu.memory_space<vmem>> -> memref<120x128xf32, #tpu.memory_space<vmem>>
        %dma_start3A_136 = arith.constant 0 : i32
        %dma_start3A_137 = tpu.memref_slice %arg7[%run_scoped3A_130, %run_scoped3A_131, %dma_start3A_136] : memref<3x2x120xi32, #tpu.memory_space<vmem>> -> memref<1x1x120xi32, #tpu.memory_space<vmem>>
        %dma_start3A_138 = tpu.memref_squeeze %dma_start3A_137 : memref<1x1x120xi32, #tpu.memory_space<vmem>> -> memref<120xi32, #tpu.memory_space<vmem>>
        %dma_start3A_139 = arith.constant 0 : i32
        %dma_start3A_140 = arith.constant 0 : i32
        %dma_start3A_141 = tpu.memref_slice %arg9[%dma_start3A_139, %dma_start3A_140] : memref<10112x128xf32, #tpu.memory_space<vmem_shared>> -> memref<10112x128xf32, #tpu.memory_space<vmem_shared>>
        tpu.enqueue_indirect_dma source(%dma_start3A_135 : memref<120x128xf32, #tpu.memory_space<vmem>>) target(%dma_start3A_141 : memref<10112x128xf32, #tpu.memory_space<vmem_shared>>) offsets(%dma_start3A_138 : memref<120xi32, #tpu.memory_space<vmem>>) semaphore(%run_scoped3A_132 : memref<!tpu.dma_semaphore, #tpu.memory_space<semaphore_mem>>) {add = true}
        %dma_wait3A_142 = arith.constant 0 : i32
        %dma_wait3A_143 = arith.constant 0 : i32
        %dma_wait3A_144 = tpu.memref_slice %arg8[%run_scoped3A_129, %dma_wait3A_142, %dma_wait3A_143] : memref<3x120x128xf32, #tpu.memory_space<vmem>> -> memref<1x120x128xf32, #tpu.memory_space<vmem>>
        %dma_wait3A_145 = tpu.memref_squeeze %dma_wait3A_144 : memref<1x120x128xf32, #tpu.memory_space<vmem>> -> memref<120x128xf32, #tpu.memory_space<vmem>>
        %dma_wait3A_146 = arith.constant 0 : i32
        %dma_wait3A_147 = tpu.memref_slice %arg7[%run_scoped3A_130, %run_scoped3A_131, %dma_wait3A_146] : memref<3x2x120xi32, #tpu.memory_space<vmem>> -> memref<1x1x120xi32, #tpu.memory_space<vmem>>
        %dma_wait3A_148 = tpu.memref_squeeze %dma_wait3A_147 : memref<1x1x120xi32, #tpu.memory_space<vmem>> -> memref<120xi32, #tpu.memory_space<vmem>>
        %dma_wait3A_149 = arith.constant 0 : i32
        %dma_wait3A_150 = arith.constant 0 : i32
        %dma_wait3A_151 = tpu.memref_slice %arg9[%dma_wait3A_149, %dma_wait3A_150] : memref<10112x128xf32, #tpu.memory_space<vmem_shared>> -> memref<10112x128xf32, #tpu.memory_space<vmem_shared>>
        tpu.wait_indirect_dma semaphore(%run_scoped3A_132 : memref<!tpu.dma_semaphore, #tpu.memory_space<semaphore_mem>>) src(%dma_wait3A_145 : memref<120x128xf32, #tpu.memory_space<vmem>>) dst(%dma_wait3A_151 : memref<10112x128xf32, #tpu.memory_space<vmem_shared>>)
        tpu.yield
      }) : () -> ()
    }
    %barrier3A_45 = arith.constant 0 : index
    tpu.barrier barrier_id(%barrier3A_45)
    %eq3A_46 = arith.constant 0 : i32
    %eq3A_47 = arith.cmpi eq, %arg0, %eq3A_46 : i32
    %convert_element_type3A_48 = arith.extui %eq3A_47 : i1 to i32
    %cond3A_49 = arith.constant 0 : i32
    %cond3A_50 = arith.cmpi ne, %convert_element_type3A_48, %cond3A_49 : i32
    scf.if %cond3A_50 {
      "tpu.region"() ({
        %run_scoped3A = tpu.sem_alloc : memref<!tpu.dma_semaphore, #tpu.memory_space<semaphore_mem>>
        %dma_start3A = arith.constant 0 : i32
        %dma_start3A_56 = tpu.memref_slice %arg5[%mul3A_0, %dma_start3A] : memref<10112x128xf32, #tpu.memory_space<hbm>> -> memref<632x128xf32, #tpu.memory_space<hbm>>
        %dma_start3A_57 = arith.constant 0 : i32
        %dma_start3A_58 = tpu.memref_slice %arg9[%mul3A_0, %dma_start3A_57] : memref<10112x128xf32, #tpu.memory_space<vmem_shared>> -> memref<632x128xf32, #tpu.memory_space<vmem_shared>>
        tpu.enqueue_dma source(%dma_start3A_58 : memref<632x128xf32, #tpu.memory_space<vmem_shared>>) target(%dma_start3A_56 : memref<632x128xf32, #tpu.memory_space<hbm>>) target_semaphore(%run_scoped3A : memref<!tpu.dma_semaphore, #tpu.memory_space<semaphore_mem>>)
        %dma_wait3A = arith.constant 0 : i32
        %dma_wait3A_59 = tpu.memref_slice %arg5[%mul3A_0, %dma_wait3A] : memref<10112x128xf32, #tpu.memory_space<hbm>> -> memref<632x128xf32, #tpu.memory_space<hbm>>
        %dma_wait3A_60 = arith.constant 0 : i32
        %dma_wait3A_61 = tpu.memref_slice %arg9[%mul3A_0, %dma_wait3A_60] : memref<10112x128xf32, #tpu.memory_space<vmem_shared>> -> memref<632x128xf32, #tpu.memory_space<vmem_shared>>
        tpu.wait_dma2 semaphore(%run_scoped3A : memref<!tpu.dma_semaphore, #tpu.memory_space<semaphore_mem>>) src(%dma_wait3A_61 : memref<632x128xf32, #tpu.memory_space<vmem_shared>>) dst(%dma_wait3A_59 : memref<632x128xf32, #tpu.memory_space<hbm>>)
        tpu.yield
      }) : () -> ()
    } else {
    }
    %eq3A_51 = arith.constant 1 : i32
    %eq3A_52 = arith.cmpi eq, %arg0, %eq3A_51 : i32
    %convert_element_type3A_53 = arith.extui %eq3A_52 : i1 to i32
    %cond3A_54 = arith.constant 0 : i32
    %cond3A_55 = arith.cmpi ne, %convert_element_type3A_53, %cond3A_54 : i32
    scf.if %cond3A_55 {
      "tpu.region"() ({
        %run_scoped3A = tpu.sem_alloc : memref<!tpu.dma_semaphore, #tpu.memory_space<semaphore_mem>>
        %dma_start3A = arith.constant 0 : i32
        %dma_start3A_56 = tpu.memref_slice %arg6[%mul3A_0, %dma_start3A] : memref<10112x128xf32, #tpu.memory_space<hbm>> -> memref<632x128xf32, #tpu.memory_space<hbm>>
        %dma_start3A_57 = arith.constant 0 : i32
        %dma_start3A_58 = tpu.memref_slice %arg9[%mul3A_0, %dma_start3A_57] : memref<10112x128xf32, #tpu.memory_space<vmem_shared>> -> memref<632x128xf32, #tpu.memory_space<vmem_shared>>
        tpu.enqueue_dma source(%dma_start3A_58 : memref<632x128xf32, #tpu.memory_space<vmem_shared>>) target(%dma_start3A_56 : memref<632x128xf32, #tpu.memory_space<hbm>>) target_semaphore(%run_scoped3A : memref<!tpu.dma_semaphore, #tpu.memory_space<semaphore_mem>>)
        %dma_wait3A = arith.constant 0 : i32
        %dma_wait3A_59 = tpu.memref_slice %arg6[%mul3A_0, %dma_wait3A] : memref<10112x128xf32, #tpu.memory_space<hbm>> -> memref<632x128xf32, #tpu.memory_space<hbm>>
        %dma_wait3A_60 = arith.constant 0 : i32
        %dma_wait3A_61 = tpu.memref_slice %arg9[%mul3A_0, %dma_wait3A_60] : memref<10112x128xf32, #tpu.memory_space<vmem_shared>> -> memref<632x128xf32, #tpu.memory_space<vmem_shared>>
        tpu.wait_dma2 semaphore(%run_scoped3A : memref<!tpu.dma_semaphore, #tpu.memory_space<semaphore_mem>>) src(%dma_wait3A_61 : memref<632x128xf32, #tpu.memory_space<vmem_shared>>) dst(%dma_wait3A_59 : memref<632x128xf32, #tpu.memory_space<hbm>>)
        tpu.yield
      }) : () -> ()
    } else {
    }
    return
  }
}

#map = affine_map<(d0, d1) -> (0)>
#map1 = affine_map<(d0, d1) -> (0, 0)>
module attributes {stable_mosaic.version = 14 : i64} {
  func.func @deg_kernel(%arg0: i32, %arg1: i32, %arg2: memref<322560xi32, #tpu.memory_space<hbm>>, %arg3: memref<10112x128xf32, #tpu.memory_space<hbm>>, %arg4: memref<120x128xf32, #tpu.memory_space<hbm>>, %arg5: memref<10112x128xf32, #tpu.memory_space<hbm>>, %arg6: memref<10112x128xf32, #tpu.memory_space<hbm>>, %arg7: memref<2x120xi32, #tpu.memory_space<vmem>>, %arg8: memref<120x128xf32, #tpu.memory_space<vmem>>, %arg9: memref<10112x128xf32, #tpu.memory_space<vmem_shared>>, %arg10: memref<!tpu.dma_semaphore, #tpu.memory_space<semaphore_mem>>, %arg11: memref<!tpu.dma_semaphore, #tpu.memory_space<semaphore_mem>>) attributes {dimension_semantics = [#tpu.dimension_semantics<core_parallel>, #tpu.dimension_semantics<subcore_parallel>], iteration_bounds = array<i64: 2, 16>, scalar_prefetch = 0 : i64, scratch_operands = 5 : i64, tpu.core_type = #tpu.core_type<sc_vector_subcore>, window_params = [{transform_indices = #map}, {transform_indices = #map1}, {transform_indices = #map1}, {transform_indices = #map1}, {transform_indices = #map1}]} {
    %mul3A = arith.constant 2 : i32
    %mul3A_0 = arith.muli %arg1, %mul3A : i32
    %add3A = arith.addi %mul3A_0, %arg0 : i32
    %mul3A_1 = arith.constant 632 : i32
    %mul3A_2 = arith.muli %arg1, %mul3A_1 : i32
    "tpu.region"() ({
      %run_scoped3A = tpu.sem_alloc : memref<!tpu.dma_semaphore, #tpu.memory_space<semaphore_mem>>
      tpu.enqueue_dma source(%arg4 : memref<120x128xf32, #tpu.memory_space<hbm>>) target(%arg8 : memref<120x128xf32, #tpu.memory_space<vmem>>) target_semaphore(%run_scoped3A : memref<!tpu.dma_semaphore, #tpu.memory_space<semaphore_mem>>)
      tpu.wait_dma2 semaphore(%run_scoped3A : memref<!tpu.dma_semaphore, #tpu.memory_space<semaphore_mem>>) src(%arg4 : memref<120x128xf32, #tpu.memory_space<hbm>>) dst(%arg8 : memref<120x128xf32, #tpu.memory_space<vmem>>)
      tpu.yield
    }) : () -> ()
    "tpu.region"() ({
      %run_scoped3A = tpu.sem_alloc : memref<!tpu.dma_semaphore, #tpu.memory_space<semaphore_mem>>
      %dma_start3A_39 = arith.constant 0 : i32
      %dma_start3A_40 = tpu.memref_slice %arg9[%mul3A_2, %dma_start3A_39] : memref<10112x128xf32, #tpu.memory_space<vmem_shared>> -> memref<632x128xf32, #tpu.memory_space<vmem_shared>>
      %dma_start3A_41 = arith.constant 0 : i32
      %dma_start3A_42 = tpu.memref_slice %arg3[%mul3A_2, %dma_start3A_41] : memref<10112x128xf32, #tpu.memory_space<hbm>> -> memref<632x128xf32, #tpu.memory_space<hbm>>
      tpu.enqueue_dma source(%dma_start3A_42 : memref<632x128xf32, #tpu.memory_space<hbm>>) target(%dma_start3A_40 : memref<632x128xf32, #tpu.memory_space<vmem_shared>>) target_semaphore(%run_scoped3A : memref<!tpu.dma_semaphore, #tpu.memory_space<semaphore_mem>>)
      %dma_wait3A = arith.constant 0 : i32
      %dma_wait3A_43 = tpu.memref_slice %arg9[%mul3A_2, %dma_wait3A] : memref<10112x128xf32, #tpu.memory_space<vmem_shared>> -> memref<632x128xf32, #tpu.memory_space<vmem_shared>>
      %dma_wait3A_44 = arith.constant 0 : i32
      %dma_wait3A_45 = tpu.memref_slice %arg3[%mul3A_2, %dma_wait3A_44] : memref<10112x128xf32, #tpu.memory_space<hbm>> -> memref<632x128xf32, #tpu.memory_space<hbm>>
      tpu.wait_dma2 semaphore(%run_scoped3A : memref<!tpu.dma_semaphore, #tpu.memory_space<semaphore_mem>>) src(%dma_wait3A_45 : memref<632x128xf32, #tpu.memory_space<hbm>>) dst(%dma_wait3A_43 : memref<632x128xf32, #tpu.memory_space<vmem_shared>>)
      tpu.yield
    }) : () -> ()
    %barrier3A = arith.constant 0 : index
    tpu.barrier barrier_id(%barrier3A)
    %mul3A_3 = arith.constant 10080 : i32
    %mul3A_4 = arith.muli %add3A, %mul3A_3 : i32
    %add3A_5 = arith.constant 0 : i32
    %add3A_6 = arith.addi %mul3A_4, %add3A_5 : i32
    %dma_start3A = arith.constant 0 : i32
    %dma_start3A_7 = arith.constant 0 : i32
    %dma_start3A_8 = tpu.memref_slice %arg7[%dma_start3A, %dma_start3A_7] : memref<2x120xi32, #tpu.memory_space<vmem>> -> memref<1x120xi32, #tpu.memory_space<vmem>>
    %dma_start3A_9 = tpu.memref_squeeze %dma_start3A_8 : memref<1x120xi32, #tpu.memory_space<vmem>> -> memref<120xi32, #tpu.memory_space<vmem>>
    %dma_start3A_10 = tpu.memref_slice %arg2[%add3A_6] : memref<322560xi32, #tpu.memory_space<hbm>> -> memref<120xi32, #tpu.memory_space<hbm>>
    %dma_start3A_11 = arith.constant 0 : i32
    %dma_start3A_12 = tpu.memref_slice %arg7[%dma_start3A, %dma_start3A_11] : memref<2x120xi32, #tpu.memory_space<vmem>> -> memref<1x120xi32, #tpu.memory_space<vmem>>
    %dma_start3A_13 = tpu.memref_squeeze %dma_start3A_12 : memref<1x120xi32, #tpu.memory_space<vmem>> -> memref<120xi32, #tpu.memory_space<vmem>>
    %dma_start3A_14 = tpu.memref_slice %arg2[%add3A_6] : memref<322560xi32, #tpu.memory_space<hbm>> -> memref<120xi32, #tpu.memory_space<hbm>>
    tpu.enqueue_dma source(%dma_start3A_14 : memref<120xi32, #tpu.memory_space<hbm>>) target(%dma_start3A_13 : memref<120xi32, #tpu.memory_space<vmem>>) target_semaphore(%arg10 : memref<!tpu.dma_semaphore, #tpu.memory_space<semaphore_mem>>)
    %add3A_15 = arith.constant 120 : i32
    %add3A_16 = arith.addi %mul3A_4, %add3A_15 : i32
    %dma_start3A_17 = arith.constant 1 : i32
    %dma_start3A_18 = arith.constant 0 : i32
    %dma_start3A_19 = tpu.memref_slice %arg7[%dma_start3A_17, %dma_start3A_18] : memref<2x120xi32, #tpu.memory_space<vmem>> -> memref<1x120xi32, #tpu.memory_space<vmem>>
    %dma_start3A_20 = tpu.memref_squeeze %dma_start3A_19 : memref<1x120xi32, #tpu.memory_space<vmem>> -> memref<120xi32, #tpu.memory_space<vmem>>
    %dma_start3A_21 = tpu.memref_slice %arg2[%add3A_16] : memref<322560xi32, #tpu.memory_space<hbm>> -> memref<120xi32, #tpu.memory_space<hbm>>
    %dma_start3A_22 = arith.constant 0 : i32
    %dma_start3A_23 = tpu.memref_slice %arg7[%dma_start3A_17, %dma_start3A_22] : memref<2x120xi32, #tpu.memory_space<vmem>> -> memref<1x120xi32, #tpu.memory_space<vmem>>
    %dma_start3A_24 = tpu.memref_squeeze %dma_start3A_23 : memref<1x120xi32, #tpu.memory_space<vmem>> -> memref<120xi32, #tpu.memory_space<vmem>>
    %dma_start3A_25 = tpu.memref_slice %arg2[%add3A_16] : memref<322560xi32, #tpu.memory_space<hbm>> -> memref<120xi32, #tpu.memory_space<hbm>>
    tpu.enqueue_dma source(%dma_start3A_25 : memref<120xi32, #tpu.memory_space<hbm>>) target(%dma_start3A_24 : memref<120xi32, #tpu.memory_space<vmem>>) target_semaphore(%arg11 : memref<!tpu.dma_semaphore, #tpu.memory_space<semaphore_mem>>)
    %scan3A = arith.constant 0 : i32
    %scan3A_26 = arith.constant 0 : i32
    %scan3A_27 = arith.constant 42 : i32
    %scan3A_28 = arith.addi %scan3A_26, %scan3A_27 : i32
    %scan3A_29 = arith.constant 1 : i32
    scf.for %scan3A_39 = %scan3A_26 to %scan3A_28 step %scan3A_29  : i32 {
      %mul3A_40 = arith.constant 2 : i32
      %mul3A_41 = arith.muli %mul3A_40, %scan3A_39 : i32
      %add3A_42 = arith.constant 0 : i32
      %add3A_43 = arith.addi %mul3A_41, %add3A_42 : i32
      %mul3A_44 = arith.constant 120 : i32
      %mul3A_45 = arith.muli %add3A_43, %mul3A_44 : i32
      %add3A_46 = arith.addi %mul3A_4, %mul3A_45 : i32
      %dma_wait3A = arith.constant 0 : i32
      %dma_wait3A_47 = arith.constant 0 : i32
      %dma_wait3A_48 = tpu.memref_slice %arg7[%dma_wait3A, %dma_wait3A_47] : memref<2x120xi32, #tpu.memory_space<vmem>> -> memref<1x120xi32, #tpu.memory_space<vmem>>
      %dma_wait3A_49 = tpu.memref_squeeze %dma_wait3A_48 : memref<1x120xi32, #tpu.memory_space<vmem>> -> memref<120xi32, #tpu.memory_space<vmem>>
      %dma_wait3A_50 = tpu.memref_slice %arg2[%add3A_46] : memref<322560xi32, #tpu.memory_space<hbm>> -> memref<120xi32, #tpu.memory_space<hbm>>
      %dma_wait3A_51 = arith.constant 0 : i32
      %dma_wait3A_52 = tpu.memref_slice %arg7[%dma_wait3A, %dma_wait3A_51] : memref<2x120xi32, #tpu.memory_space<vmem>> -> memref<1x120xi32, #tpu.memory_space<vmem>>
      %dma_wait3A_53 = tpu.memref_squeeze %dma_wait3A_52 : memref<1x120xi32, #tpu.memory_space<vmem>> -> memref<120xi32, #tpu.memory_space<vmem>>
      %dma_wait3A_54 = tpu.memref_slice %arg2[%add3A_46] : memref<322560xi32, #tpu.memory_space<hbm>> -> memref<120xi32, #tpu.memory_space<hbm>>
      tpu.wait_dma2 semaphore(%arg10 : memref<!tpu.dma_semaphore, #tpu.memory_space<semaphore_mem>>) src(%dma_wait3A_54 : memref<120xi32, #tpu.memory_space<hbm>>) dst(%dma_wait3A_53 : memref<120xi32, #tpu.memory_space<vmem>>)
      %run_scoped3A = arith.constant 0 : i32
      "tpu.region"() ({
        %run_scoped3A_85 = tpu.sem_alloc : memref<!tpu.dma_semaphore, #tpu.memory_space<semaphore_mem>>
        %dma_start3A_86 = arith.constant 0 : i32
        %dma_start3A_87 = tpu.memref_slice %arg7[%run_scoped3A, %dma_start3A_86] : memref<2x120xi32, #tpu.memory_space<vmem>> -> memref<1x120xi32, #tpu.memory_space<vmem>>
        %dma_start3A_88 = tpu.memref_squeeze %dma_start3A_87 : memref<1x120xi32, #tpu.memory_space<vmem>> -> memref<120xi32, #tpu.memory_space<vmem>>
        %dma_start3A_89 = arith.constant 0 : i32
        %dma_start3A_90 = arith.constant 0 : i32
        %dma_start3A_91 = tpu.memref_slice %arg9[%dma_start3A_89, %dma_start3A_90] : memref<10112x128xf32, #tpu.memory_space<vmem_shared>> -> memref<10112x128xf32, #tpu.memory_space<vmem_shared>>
        tpu.enqueue_indirect_dma source(%arg8 : memref<120x128xf32, #tpu.memory_space<vmem>>) target(%dma_start3A_91 : memref<10112x128xf32, #tpu.memory_space<vmem_shared>>) offsets(%dma_start3A_88 : memref<120xi32, #tpu.memory_space<vmem>>) semaphore(%run_scoped3A_85 : memref<!tpu.dma_semaphore, #tpu.memory_space<semaphore_mem>>) {add = true}
        %dma_wait3A_92 = arith.constant 0 : i32
        %dma_wait3A_93 = tpu.memref_slice %arg7[%run_scoped3A, %dma_wait3A_92] : memref<2x120xi32, #tpu.memory_space<vmem>> -> memref<1x120xi32, #tpu.memory_space<vmem>>
        %dma_wait3A_94 = tpu.memref_squeeze %dma_wait3A_93 : memref<1x120xi32, #tpu.memory_space<vmem>> -> memref<120xi32, #tpu.memory_space<vmem>>
        %dma_wait3A_95 = arith.constant 0 : i32
        %dma_wait3A_96 = arith.constant 0 : i32
        %dma_wait3A_97 = tpu.memref_slice %arg9[%dma_wait3A_95, %dma_wait3A_96] : memref<10112x128xf32, #tpu.memory_space<vmem_shared>> -> memref<10112x128xf32, #tpu.memory_space<vmem_shared>>
        tpu.wait_indirect_dma semaphore(%run_scoped3A_85 : memref<!tpu.dma_semaphore, #tpu.memory_space<semaphore_mem>>) src(%arg8 : memref<120x128xf32, #tpu.memory_space<vmem>>) dst(%dma_wait3A_97 : memref<10112x128xf32, #tpu.memory_space<vmem_shared>>)
        tpu.yield
      }) : () -> ()
      %add3A_55 = arith.constant 2 : i32
      %add3A_56 = arith.addi %add3A_43, %add3A_55 : i32
      %lt3A = arith.constant 84 : i32
      %lt3A_57 = arith.cmpi slt, %add3A_56, %lt3A : i32
      %convert_element_type3A_58 = arith.extui %lt3A_57 : i1 to i32
      %cond3A_59 = arith.constant 0 : i32
      %cond3A_60 = arith.cmpi ne, %convert_element_type3A_58, %cond3A_59 : i32
      scf.if %cond3A_60 {
        %add3A_85 = arith.constant 2 : i32
        %add3A_86 = arith.addi %add3A_43, %add3A_85 : i32
        %mul3A_87 = arith.constant 120 : i32
        %mul3A_88 = arith.muli %add3A_86, %mul3A_87 : i32
        %add3A_89 = arith.addi %mul3A_4, %mul3A_88 : i32
        %dma_start3A_90 = arith.constant 0 : i32
        %dma_start3A_91 = arith.constant 0 : i32
        %dma_start3A_92 = tpu.memref_slice %arg7[%dma_start3A_90, %dma_start3A_91] : memref<2x120xi32, #tpu.memory_space<vmem>> -> memref<1x120xi32, #tpu.memory_space<vmem>>
        %dma_start3A_93 = tpu.memref_squeeze %dma_start3A_92 : memref<1x120xi32, #tpu.memory_space<vmem>> -> memref<120xi32, #tpu.memory_space<vmem>>
        %dma_start3A_94 = tpu.memref_slice %arg2[%add3A_89] : memref<322560xi32, #tpu.memory_space<hbm>> -> memref<120xi32, #tpu.memory_space<hbm>>
        %dma_start3A_95 = arith.constant 0 : i32
        %dma_start3A_96 = tpu.memref_slice %arg7[%dma_start3A_90, %dma_start3A_95] : memref<2x120xi32, #tpu.memory_space<vmem>> -> memref<1x120xi32, #tpu.memory_space<vmem>>
        %dma_start3A_97 = tpu.memref_squeeze %dma_start3A_96 : memref<1x120xi32, #tpu.memory_space<vmem>> -> memref<120xi32, #tpu.memory_space<vmem>>
        %dma_start3A_98 = tpu.memref_slice %arg2[%add3A_89] : memref<322560xi32, #tpu.memory_space<hbm>> -> memref<120xi32, #tpu.memory_space<hbm>>
        tpu.enqueue_dma source(%dma_start3A_98 : memref<120xi32, #tpu.memory_space<hbm>>) target(%dma_start3A_97 : memref<120xi32, #tpu.memory_space<vmem>>) target_semaphore(%arg10 : memref<!tpu.dma_semaphore, #tpu.memory_space<semaphore_mem>>)
      } else {
      }
      %mul3A_61 = arith.constant 2 : i32
      %mul3A_62 = arith.muli %mul3A_61, %scan3A_39 : i32
      %add3A_63 = arith.constant 1 : i32
      %add3A_64 = arith.addi %mul3A_62, %add3A_63 : i32
      %mul3A_65 = arith.constant 120 : i32
      %mul3A_66 = arith.muli %add3A_64, %mul3A_65 : i32
      %add3A_67 = arith.addi %mul3A_4, %mul3A_66 : i32
      %dma_wait3A_68 = arith.constant 1 : i32
      %dma_wait3A_69 = arith.constant 0 : i32
      %dma_wait3A_70 = tpu.memref_slice %arg7[%dma_wait3A_68, %dma_wait3A_69] : memref<2x120xi32, #tpu.memory_space<vmem>> -> memref<1x120xi32, #tpu.memory_space<vmem>>
      %dma_wait3A_71 = tpu.memref_squeeze %dma_wait3A_70 : memref<1x120xi32, #tpu.memory_space<vmem>> -> memref<120xi32, #tpu.memory_space<vmem>>
      %dma_wait3A_72 = tpu.memref_slice %arg2[%add3A_67] : memref<322560xi32, #tpu.memory_space<hbm>> -> memref<120xi32, #tpu.memory_space<hbm>>
      %dma_wait3A_73 = arith.constant 0 : i32
      %dma_wait3A_74 = tpu.memref_slice %arg7[%dma_wait3A_68, %dma_wait3A_73] : memref<2x120xi32, #tpu.memory_space<vmem>> -> memref<1x120xi32, #tpu.memory_space<vmem>>
      %dma_wait3A_75 = tpu.memref_squeeze %dma_wait3A_74 : memref<1x120xi32, #tpu.memory_space<vmem>> -> memref<120xi32, #tpu.memory_space<vmem>>
      %dma_wait3A_76 = tpu.memref_slice %arg2[%add3A_67] : memref<322560xi32, #tpu.memory_space<hbm>> -> memref<120xi32, #tpu.memory_space<hbm>>
      tpu.wait_dma2 semaphore(%arg11 : memref<!tpu.dma_semaphore, #tpu.memory_space<semaphore_mem>>) src(%dma_wait3A_76 : memref<120xi32, #tpu.memory_space<hbm>>) dst(%dma_wait3A_75 : memref<120xi32, #tpu.memory_space<vmem>>)
      %run_scoped3A_77 = arith.constant 1 : i32
      "tpu.region"() ({
        %run_scoped3A_85 = tpu.sem_alloc : memref<!tpu.dma_semaphore, #tpu.memory_space<semaphore_mem>>
        %dma_start3A_86 = arith.constant 0 : i32
        %dma_start3A_87 = tpu.memref_slice %arg7[%run_scoped3A_77, %dma_start3A_86] : memref<2x120xi32, #tpu.memory_space<vmem>> -> memref<1x120xi32, #tpu.memory_space<vmem>>
        %dma_start3A_88 = tpu.memref_squeeze %dma_start3A_87 : memref<1x120xi32, #tpu.memory_space<vmem>> -> memref<120xi32, #tpu.memory_space<vmem>>
        %dma_start3A_89 = arith.constant 0 : i32
        %dma_start3A_90 = arith.constant 0 : i32
        %dma_start3A_91 = tpu.memref_slice %arg9[%dma_start3A_89, %dma_start3A_90] : memref<10112x128xf32, #tpu.memory_space<vmem_shared>> -> memref<10112x128xf32, #tpu.memory_space<vmem_shared>>
        tpu.enqueue_indirect_dma source(%arg8 : memref<120x128xf32, #tpu.memory_space<vmem>>) target(%dma_start3A_91 : memref<10112x128xf32, #tpu.memory_space<vmem_shared>>) offsets(%dma_start3A_88 : memref<120xi32, #tpu.memory_space<vmem>>) semaphore(%run_scoped3A_85 : memref<!tpu.dma_semaphore, #tpu.memory_space<semaphore_mem>>) {add = true}
        %dma_wait3A_92 = arith.constant 0 : i32
        %dma_wait3A_93 = tpu.memref_slice %arg7[%run_scoped3A_77, %dma_wait3A_92] : memref<2x120xi32, #tpu.memory_space<vmem>> -> memref<1x120xi32, #tpu.memory_space<vmem>>
        %dma_wait3A_94 = tpu.memref_squeeze %dma_wait3A_93 : memref<1x120xi32, #tpu.memory_space<vmem>> -> memref<120xi32, #tpu.memory_space<vmem>>
        %dma_wait3A_95 = arith.constant 0 : i32
        %dma_wait3A_96 = arith.constant 0 : i32
        %dma_wait3A_97 = tpu.memref_slice %arg9[%dma_wait3A_95, %dma_wait3A_96] : memref<10112x128xf32, #tpu.memory_space<vmem_shared>> -> memref<10112x128xf32, #tpu.memory_space<vmem_shared>>
        tpu.wait_indirect_dma semaphore(%run_scoped3A_85 : memref<!tpu.dma_semaphore, #tpu.memory_space<semaphore_mem>>) src(%arg8 : memref<120x128xf32, #tpu.memory_space<vmem>>) dst(%dma_wait3A_97 : memref<10112x128xf32, #tpu.memory_space<vmem_shared>>)
        tpu.yield
      }) : () -> ()
      %add3A_78 = arith.constant 2 : i32
      %add3A_79 = arith.addi %add3A_64, %add3A_78 : i32
      %lt3A_80 = arith.constant 84 : i32
      %lt3A_81 = arith.cmpi slt, %add3A_79, %lt3A_80 : i32
      %convert_element_type3A_82 = arith.extui %lt3A_81 : i1 to i32
      %cond3A_83 = arith.constant 0 : i32
      %cond3A_84 = arith.cmpi ne, %convert_element_type3A_82, %cond3A_83 : i32
      scf.if %cond3A_84 {
        %add3A_85 = arith.constant 2 : i32
        %add3A_86 = arith.addi %add3A_64, %add3A_85 : i32
        %mul3A_87 = arith.constant 120 : i32
        %mul3A_88 = arith.muli %add3A_86, %mul3A_87 : i32
        %add3A_89 = arith.addi %mul3A_4, %mul3A_88 : i32
        %dma_start3A_90 = arith.constant 1 : i32
        %dma_start3A_91 = arith.constant 0 : i32
        %dma_start3A_92 = tpu.memref_slice %arg7[%dma_start3A_90, %dma_start3A_91] : memref<2x120xi32, #tpu.memory_space<vmem>> -> memref<1x120xi32, #tpu.memory_space<vmem>>
        %dma_start3A_93 = tpu.memref_squeeze %dma_start3A_92 : memref<1x120xi32, #tpu.memory_space<vmem>> -> memref<120xi32, #tpu.memory_space<vmem>>
        %dma_start3A_94 = tpu.memref_slice %arg2[%add3A_89] : memref<322560xi32, #tpu.memory_space<hbm>> -> memref<120xi32, #tpu.memory_space<hbm>>
        %dma_start3A_95 = arith.constant 0 : i32
        %dma_start3A_96 = tpu.memref_slice %arg7[%dma_start3A_90, %dma_start3A_95] : memref<2x120xi32, #tpu.memory_space<vmem>> -> memref<1x120xi32, #tpu.memory_space<vmem>>
        %dma_start3A_97 = tpu.memref_squeeze %dma_start3A_96 : memref<1x120xi32, #tpu.memory_space<vmem>> -> memref<120xi32, #tpu.memory_space<vmem>>
        %dma_start3A_98 = tpu.memref_slice %arg2[%add3A_89] : memref<322560xi32, #tpu.memory_space<hbm>> -> memref<120xi32, #tpu.memory_space<hbm>>
        tpu.enqueue_dma source(%dma_start3A_98 : memref<120xi32, #tpu.memory_space<hbm>>) target(%dma_start3A_97 : memref<120xi32, #tpu.memory_space<vmem>>) target_semaphore(%arg11 : memref<!tpu.dma_semaphore, #tpu.memory_space<semaphore_mem>>)
      } else {
      }
    }
    %scan3A_30 = arith.constant 42 : i32
    %barrier3A_31 = arith.constant 0 : index
    tpu.barrier barrier_id(%barrier3A_31)
    %eq3A = arith.constant 0 : i32
    %eq3A_32 = arith.cmpi eq, %arg0, %eq3A : i32
    %convert_element_type3A = arith.extui %eq3A_32 : i1 to i32
    %cond3A = arith.constant 0 : i32
    %cond3A_33 = arith.cmpi ne, %convert_element_type3A, %cond3A : i32
    scf.if %cond3A_33 {
      "tpu.region"() ({
        %run_scoped3A = tpu.sem_alloc : memref<!tpu.dma_semaphore, #tpu.memory_space<semaphore_mem>>
        %dma_start3A_39 = arith.constant 0 : i32
        %dma_start3A_40 = tpu.memref_slice %arg5[%mul3A_2, %dma_start3A_39] : memref<10112x128xf32, #tpu.memory_space<hbm>> -> memref<632x128xf32, #tpu.memory_space<hbm>>
        %dma_start3A_41 = arith.constant 0 : i32
        %dma_start3A_42 = tpu.memref_slice %arg9[%mul3A_2, %dma_start3A_41] : memref<10112x128xf32, #tpu.memory_space<vmem_shared>> -> memref<632x128xf32, #tpu.memory_space<vmem_shared>>
        tpu.enqueue_dma source(%dma_start3A_42 : memref<632x128xf32, #tpu.memory_space<vmem_shared>>) target(%dma_start3A_40 : memref<632x128xf32, #tpu.memory_space<hbm>>) target_semaphore(%run_scoped3A : memref<!tpu.dma_semaphore, #tpu.memory_space<semaphore_mem>>)
        %dma_wait3A = arith.constant 0 : i32
        %dma_wait3A_43 = tpu.memref_slice %arg5[%mul3A_2, %dma_wait3A] : memref<10112x128xf32, #tpu.memory_space<hbm>> -> memref<632x128xf32, #tpu.memory_space<hbm>>
        %dma_wait3A_44 = arith.constant 0 : i32
        %dma_wait3A_45 = tpu.memref_slice %arg9[%mul3A_2, %dma_wait3A_44] : memref<10112x128xf32, #tpu.memory_space<vmem_shared>> -> memref<632x128xf32, #tpu.memory_space<vmem_shared>>
        tpu.wait_dma2 semaphore(%run_scoped3A : memref<!tpu.dma_semaphore, #tpu.memory_space<semaphore_mem>>) src(%dma_wait3A_45 : memref<632x128xf32, #tpu.memory_space<vmem_shared>>) dst(%dma_wait3A_43 : memref<632x128xf32, #tpu.memory_space<hbm>>)
        tpu.yield
      }) : () -> ()
    } else {
    }
    %eq3A_34 = arith.constant 1 : i32
    %eq3A_35 = arith.cmpi eq, %arg0, %eq3A_34 : i32
    %convert_element_type3A_36 = arith.extui %eq3A_35 : i1 to i32
    %cond3A_37 = arith.constant 0 : i32
    %cond3A_38 = arith.cmpi ne, %convert_element_type3A_36, %cond3A_37 : i32
    scf.if %cond3A_38 {
      "tpu.region"() ({
        %run_scoped3A = tpu.sem_alloc : memref<!tpu.dma_semaphore, #tpu.memory_space<semaphore_mem>>
        %dma_start3A_39 = arith.constant 0 : i32
        %dma_start3A_40 = tpu.memref_slice %arg6[%mul3A_2, %dma_start3A_39] : memref<10112x128xf32, #tpu.memory_space<hbm>> -> memref<632x128xf32, #tpu.memory_space<hbm>>
        %dma_start3A_41 = arith.constant 0 : i32
        %dma_start3A_42 = tpu.memref_slice %arg9[%mul3A_2, %dma_start3A_41] : memref<10112x128xf32, #tpu.memory_space<vmem_shared>> -> memref<632x128xf32, #tpu.memory_space<vmem_shared>>
        tpu.enqueue_dma source(%dma_start3A_42 : memref<632x128xf32, #tpu.memory_space<vmem_shared>>) target(%dma_start3A_40 : memref<632x128xf32, #tpu.memory_space<hbm>>) target_semaphore(%run_scoped3A : memref<!tpu.dma_semaphore, #tpu.memory_space<semaphore_mem>>)
        %dma_wait3A = arith.constant 0 : i32
        %dma_wait3A_43 = tpu.memref_slice %arg6[%mul3A_2, %dma_wait3A] : memref<10112x128xf32, #tpu.memory_space<hbm>> -> memref<632x128xf32, #tpu.memory_space<hbm>>
        %dma_wait3A_44 = arith.constant 0 : i32
        %dma_wait3A_45 = tpu.memref_slice %arg9[%mul3A_2, %dma_wait3A_44] : memref<10112x128xf32, #tpu.memory_space<vmem_shared>> -> memref<632x128xf32, #tpu.memory_space<vmem_shared>>
        tpu.wait_dma2 semaphore(%run_scoped3A : memref<!tpu.dma_semaphore, #tpu.memory_space<semaphore_mem>>) src(%dma_wait3A_45 : memref<632x128xf32, #tpu.memory_space<vmem_shared>>) dst(%dma_wait3A_43 : memref<632x128xf32, #tpu.memory_space<hbm>>)
        tpu.yield
      }) : () -> ()
    } else {
    }
    return
  }
}

module attributes {stable_mosaic.version = 14 : i64} {
  func.func @_tc1_body(%arg0: i32, %arg1: memref<200x128xf32, #tpu.memory_space<vmem>>, %arg2: memref<200x128xf32, #tpu.memory_space<vmem>>, %arg3: memref<200x128xf32, #tpu.memory_space<vmem>>, %arg4: memref<128x128xf32, #tpu.memory_space<vmem>>, %arg5: memref<200x128xf32, #tpu.memory_space<vmem>>, %arg6: memref<200x128xf32, #tpu.memory_space<vmem>>) attributes {dimension_semantics = [#tpu.dimension_semantics<arbitrary>], iteration_bounds = array<i64: 50>, scalar_prefetch = 0 : i64, scratch_operands = 0 : i64, tpu.core_type = #tpu.core_type<tc>, window_params = [{transform_indices = @transform_0, window_bounds = array<i64: 200, 128>}, {transform_indices = @transform_1, window_bounds = array<i64: 200, 128>}, {transform_indices = @transform_2, window_bounds = array<i64: 200, 128>}, {pipeline_mode = #tpu.pipeline_mode<synchronous>, transform_indices = @transform_3, window_bounds = array<i64: 128, 128>}, {transform_indices = @transform_4, window_bounds = array<i64: 200, 128>}, {transform_indices = @transform_5, window_bounds = array<i64: 200, 128>}]} {
    %get3A = arith.constant 0 : index
    %get3A_0 = arith.constant 0 : index
    %get3A_1 = vector.load %arg1[%get3A, %get3A_0] : memref<200x128xf32, #tpu.memory_space<vmem>>, vector<200x1xf32>
    %get3A_2 = arith.constant 0 : index
    %get3A_3 = arith.constant 0 : index
    %get3A_4 = vector.load %arg2[%get3A_2, %get3A_3] : memref<200x128xf32, #tpu.memory_space<vmem>>, vector<200x1xf32>
    %add3A = arith.addf %get3A_1, %get3A_4 : vector<200x1xf32>
    %add3A_5 = arith.constant 1.000000e+00 : f32
    %add3A_6 = vector.broadcast %add3A_5 : f32 to vector<200x1xf32>
    %add3A_7 = arith.addf %add3A, %add3A_6 : vector<200x1xf32>
    %rsqrt3A = math.rsqrt %add3A_7 : vector<200x1xf32>
    %get3A_8 = arith.constant 0 : index
    %get3A_9 = arith.constant 0 : index
    %get3A_10 = vector.load %arg3[%get3A_8, %get3A_9] : memref<200x128xf32, #tpu.memory_space<vmem>>, vector<200x128xf32>
    %get3A_11 = arith.constant 0 : index
    %get3A_12 = arith.constant 0 : index
    %get3A_13 = vector.load %arg4[%get3A_11, %get3A_12] : memref<128x128xf32, #tpu.memory_space<vmem>>, vector<128x128xf32>
    %dot_general3A = arith.constant dense<0.000000e+00> : vector<200x128xf32>
    %dot_general3A_14 = tpu.matmul %get3A_10, %get3A_13, %dot_general3A {dimension_numbers = #tpu.dot_dimension_numbers<[1], [0], [0], [1], [0, 0, 1, 1], [], []>, transpose_lhs_hint = false} : vector<200x128xf32>, vector<128x128xf32>, vector<200x128xf32> -> vector<200x128xf32>
    %mul3A = vector.broadcast %rsqrt3A : vector<200x1xf32> to vector<200x128xf32>
    %mul3A_15 = arith.mulf %dot_general3A_14, %mul3A : vector<200x128xf32>
    %swap3A = arith.constant 0 : index
    %swap3A_16 = arith.constant 0 : index
    %swap3A_17 = vector.load %arg5[%swap3A, %swap3A_16] : memref<200x128xf32, #tpu.memory_space<vmem>>, vector<200x128xf32>
    tpu.vector_store %arg5[%swap3A, %swap3A_16], %mul3A_15 {strides = array<i32>} : memref<200x128xf32, #tpu.memory_space<vmem>>, vector<200x128xf32>,
    %broadcast_in_dim3A = vector.shape_cast %rsqrt3A : vector<200x1xf32> to vector<200x1xf32>
    %broadcast_in_dim3A_18 = vector.broadcast %broadcast_in_dim3A : vector<200x1xf32> to vector<200x128xf32>
    %swap3A_19 = arith.constant 0 : index
    %swap3A_20 = arith.constant 0 : index
    %swap3A_21 = vector.load %arg6[%swap3A_19, %swap3A_20] : memref<200x128xf32, #tpu.memory_space<vmem>>, vector<200x128xf32>
    tpu.vector_store %arg6[%swap3A_19, %swap3A_20], %broadcast_in_dim3A_18 {strides = array<i32>} : memref<200x128xf32, #tpu.memory_space<vmem>>, vector<200x128xf32>,
    return
  }
  func.func @transform_0(%arg0: i32) -> (i32, i32) {
    %add3A = arith.constant 0 : i32
    %add3A_0 = arith.addi %arg0, %add3A : i32
    %c0_i32 = arith.constant 0 : i32
    %c0_i32_1 = arith.constant 0 : i32
    return %add3A_0, %c0_i32 : i32, i32
  }
  func.func @transform_1(%arg0: i32) -> (i32, i32) {
    %add3A = arith.constant 0 : i32
    %add3A_0 = arith.addi %arg0, %add3A : i32
    %c0_i32 = arith.constant 0 : i32
    %c0_i32_1 = arith.constant 0 : i32
    return %add3A_0, %c0_i32 : i32, i32
  }
  func.func @transform_2(%arg0: i32) -> (i32, i32) {
    %add3A = arith.constant 0 : i32
    %add3A_0 = arith.addi %arg0, %add3A : i32
    %c0_i32 = arith.constant 0 : i32
    %c0_i32_1 = arith.constant 0 : i32
    return %add3A_0, %c0_i32 : i32, i32
  }
  func.func @transform_3(%arg0: i32) -> (i32, i32) {
    %c0_i32 = arith.constant 0 : i32
    %c0_i32_0 = arith.constant 0 : i32
    %c0_i32_1 = arith.constant 0 : i32
    return %c0_i32, %c0_i32_0 : i32, i32
  }
  func.func @transform_4(%arg0: i32) -> (i32, i32) {
    %add3A = arith.constant 0 : i32
    %add3A_0 = arith.addi %arg0, %add3A : i32
    %c0_i32 = arith.constant 0 : i32
    %c0_i32_1 = arith.constant 0 : i32
    return %add3A_0, %c0_i32 : i32, i32
  }
  func.func @transform_5(%arg0: i32) -> (i32, i32) {
    %add3A = arith.constant 0 : i32
    %add3A_0 = arith.addi %arg0, %add3A : i32
    %c0_i32 = arith.constant 0 : i32
    %c0_i32_1 = arith.constant 0 : i32
    return %add3A_0, %c0_i32 : i32, i32
  }
}

module attributes {stable_mosaic.version = 14 : i64} {
  func.func @_tc2_body(%arg0: i32, %arg1: memref<200x128xf32, #tpu.memory_space<vmem>>, %arg2: memref<200x128xf32, #tpu.memory_space<vmem>>, %arg3: memref<200x128xf32, #tpu.memory_space<vmem>>, %arg4: memref<200x128xf32, #tpu.memory_space<vmem>>, %arg5: memref<1x128xf32, #tpu.memory_space<vmem>>, %arg6: memref<128x64xf32, #tpu.memory_space<vmem>>, %arg7: memref<200x128xf32, #tpu.memory_space<vmem>>) attributes {dimension_semantics = [#tpu.dimension_semantics<arbitrary>], iteration_bounds = array<i64: 50>, scalar_prefetch = 0 : i64, scratch_operands = 0 : i64, tpu.core_type = #tpu.core_type<tc>, window_params = [{transform_indices = @transform_0, window_bounds = array<i64: 200, 128>}, {transform_indices = @transform_1, window_bounds = array<i64: 200, 128>}, {transform_indices = @transform_2, window_bounds = array<i64: 200, 128>}, {transform_indices = @transform_3, window_bounds = array<i64: 200, 128>}, {pipeline_mode = #tpu.pipeline_mode<synchronous>, transform_indices = @transform_4, window_bounds = array<i64: 1, 128>}, {pipeline_mode = #tpu.pipeline_mode<synchronous>, transform_indices = @transform_5, window_bounds = array<i64: 128, 64>}, {transform_indices = @transform_6, window_bounds = array<i64: 200, 128>}]} {
    %get3A = arith.constant 0 : index
    %get3A_0 = arith.constant 0 : index
    %get3A_1 = vector.load %arg4[%get3A, %get3A_0] : memref<200x128xf32, #tpu.memory_space<vmem>>, vector<200x1xf32>
    %get3A_2 = arith.constant 0 : index
    %get3A_3 = arith.constant 0 : index
    %get3A_4 = vector.load %arg1[%get3A_2, %get3A_3] : memref<200x128xf32, #tpu.memory_space<vmem>>, vector<200x128xf32>
    %get3A_5 = arith.constant 0 : index
    %get3A_6 = arith.constant 0 : index
    %get3A_7 = vector.load %arg2[%get3A_5, %get3A_6] : memref<200x128xf32, #tpu.memory_space<vmem>>, vector<200x128xf32>
    %add3A = arith.addf %get3A_4, %get3A_7 : vector<200x128xf32>
    %get3A_8 = arith.constant 0 : index
    %get3A_9 = arith.constant 0 : index
    %get3A_10 = vector.load %arg3[%get3A_8, %get3A_9] : memref<200x128xf32, #tpu.memory_space<vmem>>, vector<200x128xf32>
    %add3A_11 = arith.addf %add3A, %get3A_10 : vector<200x128xf32>
    %mul3A = vector.broadcast %get3A_1 : vector<200x1xf32> to vector<200x128xf32>
    %mul3A_12 = arith.mulf %mul3A, %add3A_11 : vector<200x128xf32>
    %get3A_13 = arith.constant 0 : index
    %get3A_14 = arith.constant 0 : index
    %get3A_15 = vector.load %arg5[%get3A_13, %get3A_14] : memref<1x128xf32, #tpu.memory_space<vmem>>, vector<1x128xf32>
    %add3A_16 = vector.broadcast %get3A_15 : vector<1x128xf32> to vector<200x128xf32>
    %add3A_17 = arith.addf %mul3A_12, %add3A_16 : vector<200x128xf32>
    %max3A = arith.constant 0.000000e+00 : f32
    %max3A_18 = vector.broadcast %max3A : f32 to vector<200x128xf32>
    %max3A_19 = arith.maximumf %add3A_17, %max3A_18 : vector<200x128xf32>
    %get3A_20 = arith.constant 0 : index
    %get3A_21 = arith.constant 0 : index
    %get3A_22 = vector.load %arg6[%get3A_20, %get3A_21] : memref<128x64xf32, #tpu.memory_space<vmem>>, vector<128x64xf32>
    %dot_general3A = arith.constant dense<0.000000e+00> : vector<200x64xf32>
    %dot_general3A_23 = tpu.matmul %max3A_19, %get3A_22, %dot_general3A {dimension_numbers = #tpu.dot_dimension_numbers<[1], [0], [0], [1], [0, 0, 1, 1], [], []>, transpose_lhs_hint = false} : vector<200x128xf32>, vector<128x64xf32>, vector<200x64xf32> -> vector<200x64xf32>
    %mul3A_24 = vector.broadcast %get3A_1 : vector<200x1xf32> to vector<200x64xf32>
    %mul3A_25 = arith.mulf %dot_general3A_23, %mul3A_24 : vector<200x64xf32>
    %broadcast_in_dim3A = arith.constant 0.000000e+00 : f32
    %broadcast_in_dim3A_26 = vector.broadcast %broadcast_in_dim3A : f32 to vector<200x64xf32>
    %concatenate3A = tpu.concatenate %mul3A_25, %broadcast_in_dim3A_26 in 1 : vector<200x64xf32>, vector<200x64xf32> -> vector<200x128xf32>
    %swap3A = arith.constant 0 : index
    %swap3A_27 = arith.constant 0 : index
    %swap3A_28 = vector.load %arg7[%swap3A, %swap3A_27] : memref<200x128xf32, #tpu.memory_space<vmem>>, vector<200x128xf32>
    tpu.vector_store %arg7[%swap3A, %swap3A_27], %concatenate3A {strides = array<i32>} : memref<200x128xf32, #tpu.memory_space<vmem>>, vector<200x128xf32>,
    return
  }
  func.func @transform_0(%arg0: i32) -> (i32, i32) {
    %add3A = arith.constant 0 : i32
    %add3A_0 = arith.addi %arg0, %add3A : i32
    %c0_i32 = arith.constant 0 : i32
    %c0_i32_1 = arith.constant 0 : i32
    return %add3A_0, %c0_i32 : i32, i32
  }
  func.func @transform_1(%arg0: i32) -> (i32, i32) {
    %add3A = arith.constant 0 : i32
    %add3A_0 = arith.addi %arg0, %add3A : i32
    %c0_i32 = arith.constant 0 : i32
    %c0_i32_1 = arith.constant 0 : i32
    return %add3A_0, %c0_i32 : i32, i32
  }
  func.func @transform_2(%arg0: i32) -> (i32, i32) {
    %add3A = arith.constant 0 : i32
    %add3A_0 = arith.addi %arg0, %add3A : i32
    %c0_i32 = arith.constant 0 : i32
    %c0_i32_1 = arith.constant 0 : i32
    return %add3A_0, %c0_i32 : i32, i32
  }
  func.func @transform_3(%arg0: i32) -> (i32, i32) {
    %add3A = arith.constant 0 : i32
    %add3A_0 = arith.addi %arg0, %add3A : i32
    %c0_i32 = arith.constant 0 : i32
    %c0_i32_1 = arith.constant 0 : i32
    return %add3A_0, %c0_i32 : i32, i32
  }
  func.func @transform_4(%arg0: i32) -> (i32, i32) {
    %c0_i32 = arith.constant 0 : i32
    %c0_i32_0 = arith.constant 0 : i32
    %c0_i32_1 = arith.constant 0 : i32
    return %c0_i32, %c0_i32_0 : i32, i32
  }
  func.func @transform_5(%arg0: i32) -> (i32, i32) {
    %c0_i32 = arith.constant 0 : i32
    %c0_i32_0 = arith.constant 0 : i32
    %c0_i32_1 = arith.constant 0 : i32
    return %c0_i32, %c0_i32_0 : i32, i32
  }
  func.func @transform_6(%arg0: i32) -> (i32, i32) {
    %add3A = arith.constant 0 : i32
    %add3A_0 = arith.addi %arg0, %add3A : i32
    %c0_i32 = arith.constant 0 : i32
    %c0_i32_1 = arith.constant 0 : i32
    return %add3A_0, %c0_i32 : i32, i32
  }
}

module attributes {stable_mosaic.version = 14 : i64} {
  func.func @_tc3_body(%arg0: i32, %arg1: memref<200x128xf32, #tpu.memory_space<vmem>>, %arg2: memref<200x128xf32, #tpu.memory_space<vmem>>, %arg3: memref<200x128xf32, #tpu.memory_space<vmem>>, %arg4: memref<200x128xf32, #tpu.memory_space<vmem>>, %arg5: memref<1x64xf32, #tpu.memory_space<vmem>>, %arg6: memref<200x64xf32, #tpu.memory_space<vmem>>) attributes {dimension_semantics = [#tpu.dimension_semantics<arbitrary>], iteration_bounds = array<i64: 50>, scalar_prefetch = 0 : i64, scratch_operands = 0 : i64, tpu.core_type = #tpu.core_type<tc>, window_params = [{transform_indices = @transform_0, window_bounds = array<i64: 200, 128>}, {transform_indices = @transform_1, window_bounds = array<i64: 200, 128>}, {transform_indices = @transform_2, window_bounds = array<i64: 200, 128>}, {transform_indices = @transform_3, window_bounds = array<i64: 200, 128>}, {pipeline_mode = #tpu.pipeline_mode<synchronous>, transform_indices = @transform_4, window_bounds = array<i64: 1, 64>}, {transform_indices = @transform_5, window_bounds = array<i64: 200, 64>}]} {
    %get3A = arith.constant 0 : index
    %get3A_0 = arith.constant 0 : index
    %get3A_1 = vector.load %arg4[%get3A, %get3A_0] : memref<200x128xf32, #tpu.memory_space<vmem>>, vector<200x1xf32>
    %get3A_2 = arith.constant 0 : index
    %get3A_3 = arith.constant 0 : index
    %get3A_4 = vector.load %arg1[%get3A_2, %get3A_3] : memref<200x128xf32, #tpu.memory_space<vmem>>, vector<200x64xf32>
    %get3A_5 = arith.constant 0 : index
    %get3A_6 = arith.constant 0 : index
    %get3A_7 = vector.load %arg2[%get3A_5, %get3A_6] : memref<200x128xf32, #tpu.memory_space<vmem>>, vector<200x64xf32>
    %add3A = arith.addf %get3A_4, %get3A_7 : vector<200x64xf32>
    %get3A_8 = arith.constant 0 : index
    %get3A_9 = arith.constant 0 : index
    %get3A_10 = vector.load %arg3[%get3A_8, %get3A_9] : memref<200x128xf32, #tpu.memory_space<vmem>>, vector<200x64xf32>
    %add3A_11 = arith.addf %add3A, %get3A_10 : vector<200x64xf32>
    %mul3A = vector.broadcast %get3A_1 : vector<200x1xf32> to vector<200x64xf32>
    %mul3A_12 = arith.mulf %mul3A, %add3A_11 : vector<200x64xf32>
    %get3A_13 = arith.constant 0 : index
    %get3A_14 = arith.constant 0 : index
    %get3A_15 = vector.load %arg5[%get3A_13, %get3A_14] : memref<1x64xf32, #tpu.memory_space<vmem>>, vector<1x64xf32>
    %add3A_16 = vector.broadcast %get3A_15 : vector<1x64xf32> to vector<200x64xf32>
    %add3A_17 = arith.addf %mul3A_12, %add3A_16 : vector<200x64xf32>
    %reduce_max3A = arith.constant dense<0xFF800000> : vector<200xf32>
    %reduce_max3A_18 = vector.multi_reduction <maximumf>, %add3A_17, %reduce_max3A [1] : vector<200x64xf32> to vector<200xf32>
    %broadcast_in_dim3A = vector.shape_cast %reduce_max3A_18 : vector<200xf32> to vector<200x1xf32>
    %sub3A = vector.broadcast %broadcast_in_dim3A : vector<200x1xf32> to vector<200x64xf32>
    %sub3A_19 = arith.subf %add3A_17, %sub3A : vector<200x64xf32>
    %exp3A = math.exp %sub3A_19 : vector<200x64xf32>
    %reduce_sum3A = arith.constant dense<0.000000e+00> : vector<200xf32>
    %reduce_sum3A_20 = vector.multi_reduction <add>, %exp3A, %reduce_sum3A [1] : vector<200x64xf32> to vector<200xf32>
    %broadcast_in_dim3A_21 = vector.shape_cast %reduce_sum3A_20 : vector<200xf32> to vector<200x1xf32>
    %log3A = math.log %broadcast_in_dim3A_21 : vector<200x1xf32>
    %add3A_22 = arith.addf %log3A, %broadcast_in_dim3A : vector<200x1xf32>
    %sub3A_23 = vector.broadcast %add3A_22 : vector<200x1xf32> to vector<200x64xf32>
    %sub3A_24 = arith.subf %add3A_17, %sub3A_23 : vector<200x64xf32>
    %swap3A = arith.constant 0 : index
    %swap3A_25 = arith.constant 0 : index
    %swap3A_26 = vector.load %arg6[%swap3A, %swap3A_25] : memref<200x64xf32, #tpu.memory_space<vmem>>, vector<200x64xf32>
    tpu.vector_store %arg6[%swap3A, %swap3A_25], %sub3A_24 {strides = array<i32>} : memref<200x64xf32, #tpu.memory_space<vmem>>, vector<200x64xf32>,
    return
  }
  func.func @transform_0(%arg0: i32) -> (i32, i32) {
    %add3A = arith.constant 0 : i32
    %add3A_0 = arith.addi %arg0, %add3A : i32
    %c0_i32 = arith.constant 0 : i32
    %c0_i32_1 = arith.constant 0 : i32
    return %add3A_0, %c0_i32 : i32, i32
  }
  func.func @transform_1(%arg0: i32) -> (i32, i32) {
    %add3A = arith.constant 0 : i32
    %add3A_0 = arith.addi %arg0, %add3A : i32
    %c0_i32 = arith.constant 0 : i32
    %c0_i32_1 = arith.constant 0 : i32
    return %add3A_0, %c0_i32 : i32, i32
  }
  func.func @transform_2(%arg0: i32) -> (i32, i32) {
    %add3A = arith.constant 0 : i32
    %add3A_0 = arith.addi %arg0, %add3A : i32
    %c0_i32 = arith.constant 0 : i32
    %c0_i32_1 = arith.constant 0 : i32
    return %add3A_0, %c0_i32 : i32, i32
  }
  func.func @transform_3(%arg0: i32) -> (i32, i32) {
    %add3A = arith.constant 0 : i32
    %add3A_0 = arith.addi %arg0, %add3A : i32
    %c0_i32 = arith.constant 0 : i32
    %c0_i32_1 = arith.constant 0 : i32
    return %add3A_0, %c0_i32 : i32, i32
  }
  func.func @transform_4(%arg0: i32) -> (i32, i32) {
    %c0_i32 = arith.constant 0 : i32
    %c0_i32_0 = arith.constant 0 : i32
    %c0_i32_1 = arith.constant 0 : i32
    return %c0_i32, %c0_i32_0 : i32, i32
  }
  func.func @transform_5(%arg0: i32) -> (i32, i32) {
    %add3A = arith.constant 0 : i32
    %add3A_0 = arith.addi %arg0, %add3A : i32
    %c0_i32 = arith.constant 0 : i32
    %c0_i32_1 = arith.constant 0 : i32
    return %add3A_0, %c0_i32 : i32, i32
  }
}

</mosaic_0001>

<sc_bundles>
// kernel: kernel.11.cloned.1.call-start
scs
__scs_entry_jumppad:
0x0: {  	(pc) =	sbr.rel $0x88, $3  }
0x1: {  	(tag) =	ssettag $0x0;
	lr =	simm.s32 $0x1  }
0x2: {  	[smem:$0x3F9B] =	sst lr;
	_ =	strace $0xD0000000  }
0x3: {  	_ = 	snop  }
0x4: {  	_ = 	snop  }
0x5: {  	_ = 	snop  }
0x6: {  	_ = 	snop  }
0x7: {  	_ = 	snop  }
__scs_overlays_trampoline_lowered:
0x8: {  	[smem:$0x3FAA] =	sst s0  }
0x9: {  	[smem:$0x3FAB] =	sst s1  }
0xa: {  	[smem:$0x3FAC] =	sst s2  }
0xb: {  	[smem:$0x3FAD] =	sst s3  }
0xc: {  	[smem:$0x3FAE] =	sst s4  }
0xd: {  	[smem:$0x3FAF] =	sst s5  }
0xe: {  	[smem:$0x3FB0] =	sst s6  }
0xf: {  	[smem:$0x3FB1] =	sst s7  }
0x10: {  	[smem:$0x3FB2] =	sst s8  }
0x11: {  	[smem:$0x3FB3] =	sst s9;
	s0 =	simm.s32 @!p0 $0x0  }
0x12: {  	s1 =	sld [smem:$0x3F99];
	s0 =	simm.s32 @p0 $0x1  }
0x13: {  	[smem:$0x3FB4] =	sst s0;
	s0 =	simm.s32 @!p1 $0x0  }
0x14: {  	s2 =	sld [smem:$0x3F98];
	s0 =	simm.s32 @p1 $0x1  }
0x15: {  	[smem:$0x3FB5] =	sst s0;
	s0 =	simm.s32 @!p2 $0x0  }
0x16: {  	s3 =	sld [smem:$0x3FDB];
	s0 =	simm.s32 @p2 $0x1  }
0x17: {  	s4 =	simm.s32 $0x1BF5;
	[smem:$0x3FB7] =	sst s0  }
0x18: {  	s0 =	sld [smem:$0x3F9A];
	_ =	swait.ge [sflag:s4], $0x0  }
0x19: {  	s7 =	sld [smem:$0x3F9B]  }
0x1a: {  	s8 =	sadd.s32 $0xFFFFE003, lr  }
0x1b: {  	s9 =	sadd.s32 $0xFFFFFEF7, lr;
	s5 =	simm.s32 $0xFFFFFFFF;
	p2 =	slt.u32 s8, $0xFFFFF086  }
0x1c: {  	p1 =	slt.u32 s9, $0xF7A;
	s5 =	simm.s32 @!p2 $0x0  }
0x1d: {  	s5 =	simm.s32 @p1 $0x1;
	p0 =	seq.s32 s7, s2  }
0x1e: {  	s7 =	smul.u32 @!p0 $0xF7A, s2;
	p2 =	seq.s32 @!p0 s5, $0x0  }
0x1f: {  	s9 =	smul.u32 $0xF7A, s1;
	s8 =	simm.s32 @!p0 $0x1BF5;
	p2 =	por !p2, p0  }
0x20: {  	[sflag:s8] =	ssyncset.s32 @!p0 $0xFFFFF086;
	s6 =	sadd.s32 @!p0 s3, s7;
	s7 =	simm.s32 @!p0 $0x108  }
0x21: {  	s3 =	sadd.s32 s3, s9;
	s6 =	sadd.s32 @!p0 $0x88, s6;
	s7 =	simm.s32 @p2 $0x1082  }
0x22: {  	[simem:s7], [sflag:s8] =	dma.local @!p0 [hbm:s6], $0xF7A  }
0x23: {  	s9 =	sor.u32 $0xD0000000, s2;
	s6 =	simm.s32 $0x108;
	_ =	swait.ge @!p0 [sflag:s8], $0x0  }
0x24: {  	s3 =	sadd.s32 $0x88, s3;
	s6 =	simm.s32 @!p1 $0x1082;
	[sflag:s4] =	ssyncset.s32 $0xFFFFF086  }
0x25: {  	[simem:s6], [sflag:s4] =	dma.local [hbm:s3], $0xF7A  }
0x26: {  	[smem:$0x3F9B] =	sst s1;
	(tag) =	ssettag s2;
	_ =	strace s9  }
0x27: {  	s1 =	sld [smem:$0x3FAB]  }
0x28: {  	s2 =	sld [smem:$0x3FAC]  }
0x29: {  	s4 =	sld [smem:$0x3FAE]  }
0x2a: {  	p0 =	seq.s32 s5, $0x0;
	s5 =	sld [smem:$0x3FAF]  }
0x2b: {  	s6 =	sld [smem:$0x3FB0]  }
0x2c: {  	s7 =	sld [smem:$0x3FB1]  }
0x2d: {  	s3 =	simm.s32 $0x108;
	s8 =	sld [smem:$0x3FB2]  }
0x2e: {  	s3 =	simm.s32 @!p0 $0x1082;
	s9 =	sld [smem:$0x3FB3]  }
0x2f: {  	lr =	sadd.s32 s0, s3;
	s0 =	sld [smem:$0x3FAA]  }
0x30: {  	s3 =	sld [smem:$0x3FAD]  }
0x31: {  	[smem:$0x3FB6] =	sst s10  }
0x32: {  	s10 =	sld [smem:$0x3FB4];
	_ =	sdelay $0x3  }
0x33: {  	p0 =	seq.s32 s10, $0x1;
	s10 =	sld [smem:$0x3FB6];
	_ =	sdelay $0x3  }
0x34: {  	[smem:$0x3FB6] =	sst s10  }
0x35: {  	s10 =	sld [smem:$0x3FB5];
	_ =	sdelay $0x3  }
0x36: {  	p1 =	seq.s32 s10, $0x1;
	s10 =	sld [smem:$0x3FB6];
	_ =	sdelay $0x3  }
0x37: {  	[smem:$0x3FB6] =	sst s10  }
0x38: {  	s10 =	sld [smem:$0x3FB7]  }
0x39: {  	_ = 	snop;
	(pc) =	sbr.ind lr, $3  }
0x3a: {  	_ = 	snop  }
0x3b: {  	_ = 	snop  }
0x3c: {  	p2 =	seq.s32 s10, $0x1;
	s10 =	sld [smem:$0x3FB6]  }
0x3d: {  	_ =	shalt  }
0x3e: {  	_ =	shalt  }
0x3f: {  	_ =	shalt  }
0x40: {  	_ =	shalt  }
0x41: {  	_ =	shalt  }
0x42: {  	_ =	shalt  }
0x43: {  	_ =	shalt  }
0x44: {  	_ =	shalt  }
0x45: {  	_ =	shalt  }
0x46: {  	_ =	shalt  }
0x47: {  	_ =	shalt  }
0x48: {  	_ =	shalt  }
0x49: {  	_ =	shalt  }
0x4a: {  	_ =	shalt  }
0x4b: {  	_ =	shalt  }
0x4c: {  	_ =	shalt  }
0x4d: {  	_ =	shalt  }
0x4e: {  	_ =	shalt  }
0x4f: {  	_ =	shalt  }
0x50: {  	_ =	shalt  }
0x51: {  	_ =	shalt  }
0x52: {  	_ =	shalt  }
0x53: {  	_ =	shalt  }
0x54: {  	_ =	shalt  }
0x55: {  	_ =	shalt  }
0x56: {  	_ =	shalt  }
0x57: {  	_ =	shalt  }
0x58: {  	_ =	shalt  }
0x59: {  	_ =	shalt  }
0x5a: {  	_ =	shalt  }
0x5b: {  	_ =	shalt  }
0x5c: {  	_ =	shalt  }
0x5d: {  	_ =	shalt  }
0x5e: {  	_ =	shalt  }
0x5f: {  	_ =	shalt  }
0x60: {  	_ =	shalt  }
0x61: {  	_ =	shalt  }
0x62: {  	_ =	shalt  }
0x63: {  	_ =	shalt  }
0x64: {  	_ =	shalt  }
0x65: {  	_ =	shalt  }
0x66: {  	_ =	shalt  }
0x67: {  	_ =	shalt  }
0x68: {  	_ =	shalt  }
0x69: {  	_ =	shalt  }
0x6a: {  	_ =	shalt  }
0x6b: {  	_ =	shalt  }
0x6c: {  	_ =	shalt  }
0x6d: {  	_ =	shalt  }
0x6e: {  	_ =	shalt  }
0x6f: {  	_ =	shalt  }
0x70: {  	_ =	shalt  }
0x71: {  	_ =	shalt  }
0x72: {  	_ =	shalt  }
0x73: {  	_ =	shalt  }
0x74: {  	_ =	shalt  }
0x75: {  	_ =	shalt  }
0x76: {  	_ =	shalt  }
0x77: {  	_ =	shalt  }
0x78: {  	_ =	shalt  }
0x79: {  	_ =	shalt  }
0x7a: {  	_ =	shalt  }
0x7b: {  	_ =	shalt  }
0x7c: {  	_ =	shalt  }
0x7d: {  	_ =	shalt  }
0x7e: {  	_ =	shalt  }
0x7f: {  	_ =	shalt  }
0x80: {  	_ =	shalt  }
0x81: {  	_ =	shalt  }
0x82: {  	_ =	shalt  }
0x83: {  	_ =	shalt  }
0x84: {  	_ =	shalt  }
0x85: {  	_ =	shalt  }
0x86: {  	_ =	shalt  }
0x87: {  	_ =	shalt  }
.Lfunc_end0:
.L_simem_size_0:
called_computation.1_lowered:
.L_overlay_start_0:
0x88: {  	s2 =	sld [smem:$0x3FD9]  }
0x89: {  	s3 =	sld [smem:$0x3FFE];
	_ =	sdelay $0x1  }
0x8a: {  	s1 =	srdreg.scid  }
0x8b: {  	s0 =	sand.u32 $0x1, s1  }
0x8c: {  	s16 =	sshll.u32 s0, $0xA;
	s2 =	sadd.s32 s3, s2  }
0x8d: {  	s2 =	sadd.s32 s2, s16  }
0x8e: {  	[smem:$0x3FC2] =	sst s2  }
0x8f: {  	_ = 	snop  }
0x90: {  	(tm) =	ssettm $0x1  }
0x91: {  	s17 =	sld [smem:$0x3FFB];
	_ =	sdelay $0x3  }
0x92: {  	_ =	strace s17  }
0x93: {  	s2 =	sld [smem:$0x3FFC];
	_ =	sdelay $0x3  }
0x94: {  	_ =	strace s2  }
0x95: {  	s2 =	sld [smem:$0x3FFD];
	_ =	sdelay $0x3  }
0x96: {  	_ =	strace s2  }
0x97: {  	_ =	strace $0x8FFFFFFF  }
0x98: {  	s18 =	sld [smem:$0x3FDB];
	_ =	sdelay $0x1  }
0x99: {  	s19 =	simm.s32 $_scs_section_size  }
0x9a: {  	s4 =	simm.s32 $_size__tile_overlayer_lowered;
	s5 =	simm.s32 $_tile_overlayer_lowered  }
0x9b: {  	s22 =	simm.s32 $0x1BFF;
	s21 =	sshll.u32 s5, $0x1;
	s2 =	sadd.s32 s19, s18  }
0x9c: {  	s6 =	simm.s32 $0x0;
	s20 =	sshll.u32 s4, $0x1;
	s4 =	sadd.s32 s21, s2  }
0x9d: {  	[timem:s6], [sflag:s22] =	dma.local [hbm:s4], s20  }
0x9e: {  	_ =	swait.ge [sflag:s22], s20  }
0x9f: {  	s3 =	ssub.s32 $0x0, s20;
	[sflag:s22] =	ssyncset.done $0x0  }
0xa0: {  	[sflag:s22] =	ssyncadd.s32 s3;
	_ =	sdelay $0x1  }
0xa1: {  	s23 =	simm.s32 $0x1B8B  }
0xa2: {  	_ =	swait.ge [sflag:s23], $0x1  }
0xa3: {  	[sflag:s23] =	ssyncset.done $0x0  }
0xa4: {  	s25 =	simm.s32 $0x1B8E;
	s24 =	sld [smem:$0x3FFE];
	[sflag:s23] =	ssyncadd.s32 $0xFFFFFFFF  }
0xa5: {  	s26 =	simm.s32 $execute0_lowered;
	[smem:$0x3FD2] =	sst s25  }
0xa6: {  	s4 =	sshll.u32 s26, $0x1;
	_ =	strace $0x80000049;
	[dreg:$0x1] =	wrdreg $0xFFFFFFFF  }
0xa7: {  	s28 =	simm.s32 $_size_execute0_lowered;
	s2 =	sadd.s32 s2, s4;
	[dreg:$0x0] =	wrdreg $0x0  }
0xa8: {  	s4 =	sshll.u32 s28, $0x1;
	[dreg:$0x2] =	wrdreg s2  }
0xa9: {  	[dreg:$0x3] =	wrdreg s4  }
0xaa: {  	[dreg:$0x4] =	wrdreg $0xC0  }
0xab: {  	_ =	task [dreg:s6], $0x5FFFF  }
0xac: {  	[dreg:$0x1] =	wrdreg $0xFFFFFFFF  }
0xad: {  	[dreg:$0x0] =	wrdreg $0x60  }
0xae: {  	[dreg:$0x2] =	wrdreg s24  }
0xaf: {  	[dreg:$0x3] =	wrdreg $0xB7000  }
0xb0: {  	[dreg:$0x4] =	wrdreg $0x9  }
0xb1: {  	_ =	task.clear_ibuf [dreg:s6], $0x5FFFF;
	_ =	strace $0x90000049  }
0xb2: {  	s29 =	simm.s32 $0x9;
	_ =	strace $0x8000004B  }
0xb3: {  	_ =	swait.ge [sflag:s29], $0x1  }
0xb4: {  	[sflag:s29] =	ssyncadd.s32 $0xFFFFFFFF  }
0xb5: {  	_ =	strace $0x9000004B  }
0xb6: {  	_ =	sfence  }
0xb7: {  	s30 =	sld [smem:$0x0];
	_ =	sdelay $0x2  }
0xb8: {  	s31 =	sshll.u32 s1, $0xD;
	s1 =	sshrl.u32 s1, $0x2  }
0xb9: {  	s3 =	sand.u32 $0x4000, s31;
	s1 =	sadd.s32 s1, s30  }
0xba: {  	s0 =	sor.u32 s3, s0;
	s1 =	sshll.u32 s1, $0x11  }
0xbb: {  	s0 =	sor.u32 s1, s0  }
0xbc: {  	s0 =	sadd.s32 $0x8F2B, s0  }
0xbd: {  	[sflag:s0] =	ssyncadd.remote.s32 $0x1  }
0xbe: {  	_ =	sfence.sel $0xFFFF  }
0xbf: {  	[dreg:$0x0] =	wrdreg $0xFFFFFFFF;
	(pc) =	sbr.abs _section_cstart, $3  }
0xc0: {  	[dreg:$0x1] =	wrdreg $0xFFFFFFFF  }
0xc1: {  	_ =	task.clear_ibuf [dreg:s6], $0x2FFFF;
	_ =	strace $0x9FFFFFFF  }
0xc2: {  	(tm) =	ssettm $0x7FFFFFFF  }
0xc3: {  	_ =	shalt  }
tec
execute0_lowered:
.L_overlay_start_1:
0x0: {  	(tag) =	ssettag $0x1  }
0x1: {  	s6 =	rddreg [dreg:$0x0]  }
0x2: {  	s2 =	rddreg [dreg:$0x1]  }
0x3: {  	s0 =	rddreg [dreg:$0x2]  }
0x4: {  	s1 =	stileid.u32;
	s4 =	srdreg.scid  }
0x5: {  	s3 =	simm.s32 $0x0;
	s18 =	simm.s32 $0x80;
	s5 =	smul.u32 $0x1E, s1  }
0x6: {  	s17 =	simm.s32 $0x1;
	s7 =	sand.u32 $0x1, s4;
	s4 =	smul.u32 $0x8A, s1  }
0x7: {  	s19 =	simm.s32 $0x180;
	s20 =	simm.s32 $0x280;
	s11 =	smul.u32 $0x2780, s1  }
0x8: {  	s21 =	simm.s32 $0x7B00;
	[smem:$0x7FF] =	sst s3;
	s10 =	smul.u32 $0x4F000, s1  }
0x9: {  	s12 =	sadd.s32 $0x52A00, s6;
	s15 =	sadd.s32 $0x8F800, s6;
	s30 =	sshll.u32 s1, $0x6  }
0xa: {  	p0 =	seq.s32 s7, $0x0;
	_ =	strace $0x8000004A;
	[dreg:$0x3] =	wrdreg s18  }
0xb: {  	s7 =	ssub.s32 $0x2, s7;
	s18 =	simm.s32 $0x4;
	[dreg:$0x4] =	wrdreg s19  }
0xc: {  	s19 =	simm.s32 $0x2;
	[dreg:$0x6] =	wrdreg s20;
	s5 =	sadd.s32 $0x8A0, s5  }
0xd: {  	s20 =	simm.s32 $0x3;
	[dreg:$0x5] =	wrdreg s21;
	s5 =	smov.u32 @p0 s4  }
0xe: {  	s21 =	simm.s32 $0x0;
	s8 =	sadd.s32 s11, s6;
	s5 =	sshll.u32 s5, $0x5  }
0xf: {  	s13 =	sshrl.u32 s7, $0x1;
	s9 =	sadd.s32 s5, s6;
	s5 =	simm.s32 $0x8A  }
0x10: {  	s29 =	sshrl.u32 s10, $0x2;
	s15 =	smov.u32 @p0 s12;
	s5 =	simm.s32 @!p0 $0x1E  }
0x11: {  	s4 =	sadd.s32 $0x2B800, s6;
	s13 =	ssub.s32 s7, s13;
	s14 =	smul.u32 $0xAB, s5  }
0x12: {  	s16 =	sadd.s32 s29, s2;
	s7 =	sor.u32 $0x1C04, s30;
	s11 =	sadd.s32 s15, s11  }
0x13: {  	s15 =	simm.s32 $0x100;
	s10 =	smax.u32 s13, $0x1;
	s31 =	sshrl.u32 s14, $0x9  }
0x14: {  	s12 =	sshrl.u32 s16, $0x3;
	s13 =	simm.s32 $0x78;
	s14 =	smul.u32 $0x60, s31  }
0x15: {  	s16 =	simm.s32 $0x3F00;
	s6 =	sadd.s32 $0x4000, s8;
	s8 =	sadd.s32 $0x7A800, s9  }
0x16: {  	s9 =	sadd.s32 $0x7A820, s9;
	[dreg:$0x7] =	wrdreg s14;
	s14 =	simm.s32 $0x300  }
.LBB2_1:
0x17: {  	[spmem:s12], [sflag:s7] =	dma.local [hbm:s6], $0x2780  }
0x18: {  	_ =	swait.ge [sflag:s18], $0x2780  }
0x19: {  	[sflag:s18] =	ssyncset.done $0x0  }
0x1a: {  	[sflag:s18] =	ssyncadd.s32 $0xFFFFD880  }
0x1b: {  	[bflag:$0x0] =	sbarrier.arrive $0xFFFF  }
0x1c: {  	[tilespmem:s3], [sflag:$0x4] =	stream.linear.gather [hbm4b:s8+s3], $0x100, $0x38;
	[tilespmem:$0x1F300] =	vst v63  }
0x1d: {  	_ =	swait.ge [sflag:s18], $0x100  }
0x1e: {  	[sflag:s18] =	ssyncset.done $0x0  }
0x1f: {  	[sflag:s18] =	ssyncadd.s32 $0xFFFFFF00  }
0x20: {  	[tilespmem:s14], [sflag:$0x1] =	stream.indirect.gather [hbm4b:s4+s13], $0x80, s3, s13, $0xb8;
	[tilespmem:$0x1F300] =	vst v63  }
0x21: {  	_ = 	snop  }
0x22: {  	[tilespmem:s15], [sflag:$0x4] =	stream.linear.gather [hbm4b:s9+s3], $0x100, $0x38;
	[tilespmem:$0x1F300] =	vst v63  }
0x23: {  	_ =	swait.ge [sflag:s18], $0x100  }
0x24: {  	[sflag:s18] =	ssyncset.done $0x0  }
0x25: {  	s22 =	simm.s32 $0x4;
	s23 =	simm.s32 $0x0;
	[sflag:s18] =	ssyncadd.s32 $0xFFFFFF00  }
0x26: {  	[tilespmem:s16], [sflag:$0x2] =	stream.indirect.gather [hbm4b:s4+s13], $0x80, s15, s13, $0xb8;
	[tilespmem:$0x1F300] =	vst v63  }
.LBB2_2:
0x27: {  	s24 =	sadd.s32 $0xFFFFFFFE, s22  }
0x28: {  	p0 =	sge.u32 s24, s5  }
0x29: {  	s24 =	sadd.s32 @!p0 s23, s8  }
0x2a: {  	s25 =	simm.s32 @!p0 $0x0;
	s26 =	simm.s32 @!p0 $0x200;
	s24 =	sadd.s32 @!p0 $0x40, s24  }
0x2b: {  	[tilespmem:s26], [sflag:$0x4] =	stream.linear.gather @!p0 [hbm4b:s24+s25], $0x100, $0x38;
	[tilespmem:$0x1F300] =	vst v63  }
0x2c: {  	s24 =	simm.s32 @!p0 $0x4  }
0x2d: {  	_ =	swait.ge @!p0 [sflag:s24], $0x100  }
0x2e: {  	[sflag:s24] =	ssyncset.done @!p0 $0x0  }
0x2f: {  	s25 =	simm.s32 @!p0 $0x7B00;
	[sflag:s24] =	ssyncadd.s32 @!p0 $0xFFFFFF00;
	s24 =	simm.s32 @!p0 $0x78  }
0x30: {  	[tilespmem:s25], [sflag:$0x3] =	stream.indirect.gather @!p0 [hbm4b:s4+s24], $0x80, s26, s24, $0xb8;
	[tilespmem:$0x1F300] =	vst v63  }
0x31: {  	_ =	swait.ge [sflag:s17], $0x3C00  }
0x32: {  	[sflag:s17] =	ssyncset.done $0x0  }
0x33: {  	s26 =	sadd.s32 $0xFFFFFFFF, s22;
	s25 =	rddreg [dreg:$0x3];
	[sflag:s17] =	ssyncadd.s32 $0xFFFFC400  }
0x34: {  	[spmem:s2] =	stream.indirect.scatter.add.f32 [tilespmem:s14], [sflag:$0x4], $0x80, s25, s13, $0xb8;
	[tilespmem:$0x1F300] =	vst v63  }
0x35: {  	p0 =	sge.u32 s26, s5;
	_ =	swait.ge [sflag:s18], $0x3C00  }
0x36: {  	s24 =	sadd.s32 @!p0 s23, s8;
	[sflag:s18] =	ssyncset.done $0x0  }
0x37: {  	s24 =	sadd.s32 @!p0 $0x60, s24;
	s25 =	simm.s32 @!p0 $0x0;
	[sflag:s18] =	ssyncadd.s32 $0xFFFFC400  }
0x38: {  	[tilespmem:s25], [sflag:$0x4] =	stream.linear.gather @!p0 [hbm4b:s24+s25], $0x100, $0x38;
	[tilespmem:$0x1F300] =	vst v63  }
0x39: {  	s24 =	simm.s32 @!p0 $0x4  }
0x3a: {  	_ =	swait.ge @!p0 [sflag:s24], $0x100  }
0x3b: {  	[sflag:s24] =	ssyncset.done @!p0 $0x0  }
0x3c: {  	s26 =	simm.s32 @!p0 $0x300;
	[sflag:s24] =	ssyncadd.s32 @!p0 $0xFFFFFF00;
	s24 =	simm.s32 @!p0 $0x78  }
0x3d: {  	[tilespmem:s26], [sflag:$0x1] =	stream.indirect.gather @!p0 [hbm4b:s4+s24], $0x80, s25, s24, $0xb8;
	[tilespmem:$0x1F300] =	vst v63  }
0x3e: {  	_ =	swait.ge [sflag:s19], $0x3C00  }
0x3f: {  	[sflag:s19] =	ssyncset.done $0x0  }
0x40: {  	s28 =	rddreg [dreg:$0x4];
	[sflag:s19] =	ssyncadd.s32 $0xFFFFC400  }
0x41: {  	[spmem:s2] =	stream.indirect.scatter.add.f32 [tilespmem:s16], [sflag:$0x4], $0x80, s28, s13, $0xb8;
	[tilespmem:$0x1F300] =	vst v63  }
0x42: {  	p0 =	sge.u32 s22, s5;
	_ =	swait.ge [sflag:s18], $0x3C00  }
0x43: {  	s24 =	sadd.s32 @!p0 s23, s8;
	s25 =	simm.s32 @!p0 $0x0;
	[sflag:s18] =	ssyncset.done $0x0  }
0x44: {  	s26 =	simm.s32 @!p0 $0x100;
	s24 =	sadd.s32 @!p0 $0x80, s24;
	[sflag:s18] =	ssyncadd.s32 $0xFFFFC400  }
0x45: {  	[tilespmem:s26], [sflag:$0x4] =	stream.linear.gather @!p0 [hbm4b:s24+s25], $0x100, $0x38;
	[tilespmem:$0x1F300] =	vst v63  }
0x46: {  	s24 =	simm.s32 @!p0 $0x4  }
0x47: {  	_ =	swait.ge @!p0 [sflag:s24], $0x100  }
0x48: {  	[sflag:s24] =	ssyncset.done @!p0 $0x0  }
0x49: {  	s25 =	simm.s32 @!p0 $0x3F00;
	[sflag:s24] =	ssyncadd.s32 @!p0 $0xFFFFFF00;
	s24 =	simm.s32 @!p0 $0x78  }
0x4a: {  	[tilespmem:s25], [sflag:$0x2] =	stream.indirect.gather @!p0 [hbm4b:s4+s24], $0x80, s26, s24, $0xb8;
	[tilespmem:$0x1F300] =	vst v63  }
0x4b: {  	_ =	swait.ge [sflag:s20], $0x3C00  }
0x4c: {  	s29 =	rddreg [dreg:$0x5];
	[sflag:s20] =	ssyncset.done $0x0  }
0x4d: {  	s30 =	rddreg [dreg:$0x6];
	[sflag:s20] =	ssyncadd.s32 $0xFFFFC400  }
0x4e: {  	[spmem:s2] =	stream.indirect.scatter.add.f32 [tilespmem:s29], [sflag:$0x4], $0x80, s30, s13, $0xb8;
	[tilespmem:$0x1F300] =	vst v63  }
0x4f: {  	_ =	swait.ge [sflag:s18], $0x3C00  }
0x50: {  	s23 =	sadd.s32 $0x60, s23;
	s31 =	rddreg [dreg:$0x7]  }
0x51: {  	p0 =	sne.s32 s31, s23  }
.Ltmp0:
0x52: {  	_ = 	snop;
	(pc) =	sbr.rel @p0 .LBB2_2-.Ltmp0, $3  }
0x53: {  	_ =	sdelay $0x1  }
0x54: {  	[sflag:s18] =	ssyncset.done $0x0  }
0x55: {  	s22 =	sadd.s32 $0x3, s22;
	[sflag:s18] =	ssyncadd.s32 $0xFFFFC400  }
0x56: {  	s21 =	sadd.s32 $0x1, s21  }
0x57: {  	p0 =	sne.s32 s21, s10  }
.Ltmp1:
0x58: {  	[bflag:$0x0] =	sbarrier.arrive $0xFFFF;
	(pc) =	sbr.rel @p0 .LBB2_1-.Ltmp1, $4  }
0x59: {  	[hbm:s11], [sflag:s7] =	dma.local [spmem:s12], $0x2780  }
0x5a: {  	_ =	swait.ge [sflag:s18], $0x2780  }
0x5b: {  	[sflag:s18] =	ssyncset.done $0x0  }
0x5c: {  	[sflag:s18] =	ssyncadd.s32 $0xFFFFD880  }
0x5d: {  	_ =	sfence.sel $0x180000  }
0x5e: {  	[bflag:$0x0] =	sbarrier.arrive $0xFFFF  }
0x5f: {  	p0 =	sne.s32 s1, $0x0;
	_ =	strace $0x9000004A  }
0x60: {  	s0 =	sadd.s32 @!p0 $0x100000, s0;
	[bflag:$0x2] =	sbarrier.arrive $0xFFFF  }
0x61: {  	[sflag:s0] =	ssyncadd.tile.s32 @!p0 $0x1;
	_ =	shalt  }
.Lfunc_end2:
_tile_overlayer_lowered:
.L_overlay_start_2:
0x62: {  	(tag) =	ssettag $0x2  }
0x63: {  	s0 =	rddreg [dreg:$0x0];
	s2 =	stileid.u32  }
0x64: {  	s1 =	rddreg [dreg:$0x1];
	p0 =	sne.s32 s2, $0x0  }
0x65: {  	s3 =	rddreg [dreg:$0x2];
	[bflag:$0x3] =	sbarrier.arrive $0xFFFF;
	s2 =	simm.s32 @!p0 $0x1C04  }
0x66: {  	[timem:s3], [sflag:s2] =	dma.local @!p0 [hbm:s0], s1  }
0x67: {  	s0 =	simm.s32 @!p0 $0x4  }
0x68: {  	_ =	swait.ge @!p0 [sflag:s0], s1  }
0x69: {  	s1 =	ssub.s32 @!p0 $0x0, s1;
	[sflag:s0] =	ssyncset.done @!p0 $0x0  }
0x6a: {  	[sflag:s0] =	ssyncadd.s32 @!p0 s1  }
0x6b: {  	[bflag:$0x3] =	sbarrier.arrive $0xFFFF  }
0x6c: {  	_ =	shalt  }

// kernel: kernel.14.cloned.1.call-start
scs
__scs_entry_jumppad:
0x0: {  	(pc) =	sbr.rel $0x88, $3  }
0x1: {  	(tag) =	ssettag $0x0;
	lr =	simm.s32 $0x1  }
0x2: {  	[smem:$0x3F9B] =	sst lr;
	_ =	strace $0xD0000000  }
0x3: {  	_ = 	snop  }
0x4: {  	_ = 	snop  }
0x5: {  	_ = 	snop  }
0x6: {  	_ = 	snop  }
0x7: {  	_ = 	snop  }
__scs_overlays_trampoline_lowered:
0x8: {  	[smem:$0x3FAA] =	sst s0  }
0x9: {  	[smem:$0x3FAB] =	sst s1  }
0xa: {  	[smem:$0x3FAC] =	sst s2  }
0xb: {  	[smem:$0x3FAD] =	sst s3  }
0xc: {  	[smem:$0x3FAE] =	sst s4  }
0xd: {  	[smem:$0x3FAF] =	sst s5  }
0xe: {  	[smem:$0x3FB0] =	sst s6  }
0xf: {  	[smem:$0x3FB1] =	sst s7  }
0x10: {  	[smem:$0x3FB2] =	sst s8  }
0x11: {  	[smem:$0x3FB3] =	sst s9;
	s0 =	simm.s32 @!p0 $0x0  }
0x12: {  	s1 =	sld [smem:$0x3F99];
	s0 =	simm.s32 @p0 $0x1  }
0x13: {  	[smem:$0x3FB4] =	sst s0;
	s0 =	simm.s32 @!p1 $0x0  }
0x14: {  	s2 =	sld [smem:$0x3F98];
	s0 =	simm.s32 @p1 $0x1  }
0x15: {  	[smem:$0x3FB5] =	sst s0;
	s0 =	simm.s32 @!p2 $0x0  }
0x16: {  	s3 =	sld [smem:$0x3FDB];
	s0 =	simm.s32 @p2 $0x1  }
0x17: {  	s4 =	simm.s32 $0x1BF5;
	[smem:$0x3FB7] =	sst s0  }
0x18: {  	s0 =	sld [smem:$0x3F9A];
	_ =	swait.ge [sflag:s4], $0x0  }
0x19: {  	s7 =	sld [smem:$0x3F9B]  }
0x1a: {  	s8 =	sadd.s32 $0xFFFFE003, lr  }
0x1b: {  	s9 =	sadd.s32 $0xFFFFFEF7, lr;
	s5 =	simm.s32 $0xFFFFFFFF;
	p2 =	slt.u32 s8, $0xFFFFF086  }
0x1c: {  	p1 =	slt.u32 s9, $0xF7A;
	s5 =	simm.s32 @!p2 $0x0  }
0x1d: {  	s5 =	simm.s32 @p1 $0x1;
	p0 =	seq.s32 s7, s2  }
0x1e: {  	s7 =	smul.u32 @!p0 $0xF7A, s2;
	p2 =	seq.s32 @!p0 s5, $0x0  }
0x1f: {  	s9 =	smul.u32 $0xF7A, s1;
	s8 =	simm.s32 @!p0 $0x1BF5;
	p2 =	por !p2, p0  }
0x20: {  	[sflag:s8] =	ssyncset.s32 @!p0 $0xFFFFF086;
	s6 =	sadd.s32 @!p0 s3, s7;
	s7 =	simm.s32 @!p0 $0x108  }
0x21: {  	s3 =	sadd.s32 s3, s9;
	s6 =	sadd.s32 @!p0 $0x88, s6;
	s7 =	simm.s32 @p2 $0x1082  }
0x22: {  	[simem:s7], [sflag:s8] =	dma.local @!p0 [hbm:s6], $0xF7A  }
0x23: {  	s9 =	sor.u32 $0xD0000000, s2;
	s6 =	simm.s32 $0x108;
	_ =	swait.ge @!p0 [sflag:s8], $0x0  }
0x24: {  	s3 =	sadd.s32 $0x88, s3;
	s6 =	simm.s32 @!p1 $0x1082;
	[sflag:s4] =	ssyncset.s32 $0xFFFFF086  }
0x25: {  	[simem:s6], [sflag:s4] =	dma.local [hbm:s3], $0xF7A  }
0x26: {  	[smem:$0x3F9B] =	sst s1;
	(tag) =	ssettag s2;
	_ =	strace s9  }
0x27: {  	s1 =	sld [smem:$0x3FAB]  }
0x28: {  	s2 =	sld [smem:$0x3FAC]  }
0x29: {  	s4 =	sld [smem:$0x3FAE]  }
0x2a: {  	p0 =	seq.s32 s5, $0x0;
	s5 =	sld [smem:$0x3FAF]  }
0x2b: {  	s6 =	sld [smem:$0x3FB0]  }
0x2c: {  	s7 =	sld [smem:$0x3FB1]  }
0x2d: {  	s3 =	simm.s32 $0x108;
	s8 =	sld [smem:$0x3FB2]  }
0x2e: {  	s3 =	simm.s32 @!p0 $0x1082;
	s9 =	sld [smem:$0x3FB3]  }
0x2f: {  	lr =	sadd.s32 s0, s3;
	s0 =	sld [smem:$0x3FAA]  }
0x30: {  	s3 =	sld [smem:$0x3FAD]  }
0x31: {  	[smem:$0x3FB6] =	sst s10  }
0x32: {  	s10 =	sld [smem:$0x3FB4];
	_ =	sdelay $0x3  }
0x33: {  	p0 =	seq.s32 s10, $0x1;
	s10 =	sld [smem:$0x3FB6];
	_ =	sdelay $0x3  }
0x34: {  	[smem:$0x3FB6] =	sst s10  }
0x35: {  	s10 =	sld [smem:$0x3FB5];
	_ =	sdelay $0x3  }
0x36: {  	p1 =	seq.s32 s10, $0x1;
	s10 =	sld [smem:$0x3FB6];
	_ =	sdelay $0x3  }
0x37: {  	[smem:$0x3FB6] =	sst s10  }
0x38: {  	s10 =	sld [smem:$0x3FB7]  }
0x39: {  	_ = 	snop;
	(pc) =	sbr.ind lr, $3  }
0x3a: {  	_ = 	snop  }
0x3b: {  	_ = 	snop  }
0x3c: {  	p2 =	seq.s32 s10, $0x1;
	s10 =	sld [smem:$0x3FB6]  }
0x3d: {  	_ =	shalt  }
0x3e: {  	_ =	shalt  }
0x3f: {  	_ =	shalt  }
0x40: {  	_ =	shalt  }
0x41: {  	_ =	shalt  }
0x42: {  	_ =	shalt  }
0x43: {  	_ =	shalt  }
0x44: {  	_ =	shalt  }
0x45: {  	_ =	shalt  }
0x46: {  	_ =	shalt  }
0x47: {  	_ =	shalt  }
0x48: {  	_ =	shalt  }
0x49: {  	_ =	shalt  }
0x4a: {  	_ =	shalt  }
0x4b: {  	_ =	shalt  }
0x4c: {  	_ =	shalt  }
0x4d: {  	_ =	shalt  }
0x4e: {  	_ =	shalt  }
0x4f: {  	_ =	shalt  }
0x50: {  	_ =	shalt  }
0x51: {  	_ =	shalt  }
0x52: {  	_ =	shalt  }
0x53: {  	_ =	shalt  }
0x54: {  	_ =	shalt  }
0x55: {  	_ =	shalt  }
0x56: {  	_ =	shalt  }
0x57: {  	_ =	shalt  }
0x58: {  	_ =	shalt  }
0x59: {  	_ =	shalt  }
0x5a: {  	_ =	shalt  }
0x5b: {  	_ =	shalt  }
0x5c: {  	_ =	shalt  }
0x5d: {  	_ =	shalt  }
0x5e: {  	_ =	shalt  }
0x5f: {  	_ =	shalt  }
0x60: {  	_ =	shalt  }
0x61: {  	_ =	shalt  }
0x62: {  	_ =	shalt  }
0x63: {  	_ =	shalt  }
0x64: {  	_ =	shalt  }
0x65: {  	_ =	shalt  }
0x66: {  	_ =	shalt  }
0x67: {  	_ =	shalt  }
0x68: {  	_ =	shalt  }
0x69: {  	_ =	shalt  }
0x6a: {  	_ =	shalt  }
0x6b: {  	_ =	shalt  }
0x6c: {  	_ =	shalt  }
0x6d: {  	_ =	shalt  }
0x6e: {  	_ =	shalt  }
0x6f: {  	_ =	shalt  }
0x70: {  	_ =	shalt  }
0x71: {  	_ =	shalt  }
0x72: {  	_ =	shalt  }
0x73: {  	_ =	shalt  }
0x74: {  	_ =	shalt  }
0x75: {  	_ =	shalt  }
0x76: {  	_ =	shalt  }
0x77: {  	_ =	shalt  }
0x78: {  	_ =	shalt  }
0x79: {  	_ =	shalt  }
0x7a: {  	_ =	shalt  }
0x7b: {  	_ =	shalt  }
0x7c: {  	_ =	shalt  }
0x7d: {  	_ =	shalt  }
0x7e: {  	_ =	shalt  }
0x7f: {  	_ =	shalt  }
0x80: {  	_ =	shalt  }
0x81: {  	_ =	shalt  }
0x82: {  	_ =	shalt  }
0x83: {  	_ =	shalt  }
0x84: {  	_ =	shalt  }
0x85: {  	_ =	shalt  }
0x86: {  	_ =	shalt  }
0x87: {  	_ =	shalt  }
.Lfunc_end0:
.L_simem_size_0:
called_computation.2_lowered:
.L_overlay_start_0:
0x88: {  	s2 =	sld [smem:$0x3FD9]  }
0x89: {  	s3 =	sld [smem:$0x3FFE];
	_ =	sdelay $0x1  }
0x8a: {  	s1 =	srdreg.scid  }
0x8b: {  	s0 =	sand.u32 $0x1, s1  }
0x8c: {  	s16 =	sshll.u32 s0, $0xA;
	s2 =	sadd.s32 s3, s2  }
0x8d: {  	s2 =	sadd.s32 s2, s16  }
0x8e: {  	[smem:$0x3FC2] =	sst s2  }
0x8f: {  	_ = 	snop  }
0x90: {  	(tm) =	ssettm $0x1  }
0x91: {  	s17 =	sld [smem:$0x3FFB];
	_ =	sdelay $0x3  }
0x92: {  	_ =	strace s17  }
0x93: {  	s2 =	sld [smem:$0x3FFC];
	_ =	sdelay $0x3  }
0x94: {  	_ =	strace s2  }
0x95: {  	s2 =	sld [smem:$0x3FFD];
	_ =	sdelay $0x3  }
0x96: {  	_ =	strace s2  }
0x97: {  	_ =	strace $0x8FFFFFFF  }
0x98: {  	s18 =	sld [smem:$0x3FDB];
	_ =	sdelay $0x1  }
0x99: {  	s19 =	simm.s32 $_scs_section_size  }
0x9a: {  	s4 =	simm.s32 $_size__tile_overlayer_lowered;
	s5 =	simm.s32 $_tile_overlayer_lowered  }
0x9b: {  	s22 =	simm.s32 $0x1BFF;
	s21 =	sshll.u32 s5, $0x1;
	s2 =	sadd.s32 s19, s18  }
0x9c: {  	s6 =	simm.s32 $0x0;
	s20 =	sshll.u32 s4, $0x1;
	s4 =	sadd.s32 s21, s2  }
0x9d: {  	[timem:s6], [sflag:s22] =	dma.local [hbm:s4], s20  }
0x9e: {  	_ =	swait.ge [sflag:s22], s20  }
0x9f: {  	s3 =	ssub.s32 $0x0, s20;
	[sflag:s22] =	ssyncset.done $0x0  }
0xa0: {  	[sflag:s22] =	ssyncadd.s32 s3;
	_ =	sdelay $0x1  }
0xa1: {  	s23 =	simm.s32 $0x1B8B  }
0xa2: {  	_ =	swait.ge [sflag:s23], $0x1  }
0xa3: {  	[sflag:s23] =	ssyncset.done $0x0  }
0xa4: {  	s25 =	simm.s32 $0x1B8E;
	s24 =	sld [smem:$0x3FFE];
	[sflag:s23] =	ssyncadd.s32 $0xFFFFFFFF  }
0xa5: {  	s26 =	simm.s32 $execute0_lowered;
	[smem:$0x3FD2] =	sst s25  }
0xa6: {  	s4 =	sshll.u32 s26, $0x1;
	_ =	strace $0x8000004C;
	[dreg:$0x1] =	wrdreg $0xFFFFFFFF  }
0xa7: {  	s28 =	simm.s32 $_size_execute0_lowered;
	s2 =	sadd.s32 s2, s4;
	[dreg:$0x0] =	wrdreg $0x0  }
0xa8: {  	s4 =	sshll.u32 s28, $0x1;
	[dreg:$0x2] =	wrdreg s2  }
0xa9: {  	[dreg:$0x3] =	wrdreg s4  }
0xaa: {  	[dreg:$0x4] =	wrdreg $0xC0  }
0xab: {  	_ =	task [dreg:s6], $0x5FFFF  }
0xac: {  	[dreg:$0x1] =	wrdreg $0xFFFFFFFF  }
0xad: {  	[dreg:$0x0] =	wrdreg $0x60  }
0xae: {  	[dreg:$0x2] =	wrdreg s24  }
0xaf: {  	[dreg:$0x3] =	wrdreg $0xB7000  }
0xb0: {  	[dreg:$0x4] =	wrdreg $0x9  }
0xb1: {  	_ =	task.clear_ibuf [dreg:s6], $0x5FFFF;
	_ =	strace $0x9000004C  }
0xb2: {  	s29 =	simm.s32 $0x9;
	_ =	strace $0x8000004E  }
0xb3: {  	_ =	swait.ge [sflag:s29], $0x1  }
0xb4: {  	[sflag:s29] =	ssyncadd.s32 $0xFFFFFFFF  }
0xb5: {  	_ =	strace $0x9000004E  }
0xb6: {  	_ =	sfence  }
0xb7: {  	s30 =	sld [smem:$0x0];
	_ =	sdelay $0x2  }
0xb8: {  	s31 =	sshll.u32 s1, $0xD;
	s1 =	sshrl.u32 s1, $0x2  }
0xb9: {  	s3 =	sand.u32 $0x4000, s31;
	s1 =	sadd.s32 s1, s30  }
0xba: {  	s0 =	sor.u32 s3, s0;
	s1 =	sshll.u32 s1, $0x11  }
0xbb: {  	s0 =	sor.u32 s1, s0  }
0xbc: {  	s0 =	sadd.s32 $0x8F2B, s0  }
0xbd: {  	[sflag:s0] =	ssyncadd.remote.s32 $0x1  }
0xbe: {  	_ =	sfence.sel $0xFFFF  }
0xbf: {  	[dreg:$0x0] =	wrdreg $0xFFFFFFFF;
	(pc) =	sbr.abs _section_cstart, $3  }
0xc0: {  	[dreg:$0x1] =	wrdreg $0xFFFFFFFF  }
0xc1: {  	_ =	task.clear_ibuf [dreg:s6], $0x2FFFF;
	_ =	strace $0x9FFFFFFF  }
0xc2: {  	(tm) =	ssettm $0x7FFFFFFF  }
0xc3: {  	_ =	shalt  }
tec
execute0_lowered:
.L_overlay_start_1:
0x0: {  	(tag) =	ssettag $0x1  }
0x1: {  	s6 =	rddreg [dreg:$0x0]  }
0x2: {  	s2 =	rddreg [dreg:$0x1]  }
0x3: {  	s0 =	rddreg [dreg:$0x2]  }
0x4: {  	s1 =	stileid.u32;
	s4 =	srdreg.scid  }
0x5: {  	s3 =	simm.s32 $0x0;
	s18 =	simm.s32 $0x80;
	s5 =	smul.u32 $0x1E, s1  }
0x6: {  	s17 =	simm.s32 $0x1;
	s7 =	sand.u32 $0x1, s4;
	s4 =	smul.u32 $0x8A, s1  }
0x7: {  	s19 =	simm.s32 $0x180;
	s20 =	simm.s32 $0x280;
	s11 =	smul.u32 $0x2780, s1  }
0x8: {  	s21 =	simm.s32 $0x7B00;
	[smem:$0x7FF] =	sst s3;
	s10 =	smul.u32 $0x4F000, s1  }
0x9: {  	s12 =	sadd.s32 $0x52A00, s6;
	s15 =	sadd.s32 $0x8F800, s6;
	s30 =	sshll.u32 s1, $0x6  }
0xa: {  	p0 =	seq.s32 s7, $0x0;
	_ =	strace $0x8000004D;
	[dreg:$0x3] =	wrdreg s18  }
0xb: {  	s7 =	ssub.s32 $0x2, s7;
	s18 =	simm.s32 $0x4;
	[dreg:$0x4] =	wrdreg s19  }
0xc: {  	s19 =	simm.s32 $0x2;
	[dreg:$0x6] =	wrdreg s20;
	s5 =	sadd.s32 $0x8A0, s5  }
0xd: {  	s20 =	simm.s32 $0x3;
	[dreg:$0x5] =	wrdreg s21;
	s5 =	smov.u32 @p0 s4  }
0xe: {  	s21 =	simm.s32 $0x0;
	s8 =	sadd.s32 s11, s6;
	s5 =	sshll.u32 s5, $0x5  }
0xf: {  	s13 =	sshrl.u32 s7, $0x1;
	s9 =	sadd.s32 s5, s6;
	s5 =	simm.s32 $0x8A  }
0x10: {  	s29 =	sshrl.u32 s10, $0x2;
	s15 =	smov.u32 @p0 s12;
	s5 =	simm.s32 @!p0 $0x1E  }
0x11: {  	s4 =	sadd.s32 $0x2B800, s6;
	s13 =	ssub.s32 s7, s13;
	s14 =	smul.u32 $0xAB, s5  }
0x12: {  	s16 =	sadd.s32 s29, s2;
	s7 =	sor.u32 $0x1C04, s30;
	s11 =	sadd.s32 s15, s11  }
0x13: {  	s15 =	simm.s32 $0x100;
	s10 =	smax.u32 s13, $0x1;
	s31 =	sshrl.u32 s14, $0x9  }
0x14: {  	s12 =	sshrl.u32 s16, $0x3;
	s13 =	simm.s32 $0x78;
	s14 =	smul.u32 $0x60, s31  }
0x15: {  	s16 =	simm.s32 $0x3F00;
	s6 =	sadd.s32 $0x4000, s8;
	s8 =	sadd.s32 $0x7A800, s9  }
0x16: {  	s9 =	sadd.s32 $0x7A820, s9;
	[dreg:$0x7] =	wrdreg s14;
	s14 =	simm.s32 $0x300  }
.LBB2_1:
0x17: {  	[spmem:s12], [sflag:s7] =	dma.local [hbm:s6], $0x2780  }
0x18: {  	_ =	swait.ge [sflag:s18], $0x2780  }
0x19: {  	[sflag:s18] =	ssyncset.done $0x0  }
0x1a: {  	[sflag:s18] =	ssyncadd.s32 $0xFFFFD880  }
0x1b: {  	[bflag:$0x0] =	sbarrier.arrive $0xFFFF  }
0x1c: {  	[tilespmem:s3], [sflag:$0x4] =	stream.linear.gather [hbm4b:s8+s3], $0x100, $0x38;
	[tilespmem:$0x1F300] =	vst v63  }
0x1d: {  	_ =	swait.ge [sflag:s18], $0x100  }
0x1e: {  	[sflag:s18] =	ssyncset.done $0x0  }
0x1f: {  	[sflag:s18] =	ssyncadd.s32 $0xFFFFFF00  }
0x20: {  	[tilespmem:s14], [sflag:$0x1] =	stream.indirect.gather [hbm4b:s4+s13], $0x80, s3, s13, $0xb8;
	[tilespmem:$0x1F300] =	vst v63  }
0x21: {  	_ = 	snop  }
0x22: {  	[tilespmem:s15], [sflag:$0x4] =	stream.linear.gather [hbm4b:s9+s3], $0x100, $0x38;
	[tilespmem:$0x1F300] =	vst v63  }
0x23: {  	_ =	swait.ge [sflag:s18], $0x100  }
0x24: {  	[sflag:s18] =	ssyncset.done $0x0  }
0x25: {  	s22 =	simm.s32 $0x4;
	s23 =	simm.s32 $0x0;
	[sflag:s18] =	ssyncadd.s32 $0xFFFFFF00  }
0x26: {  	[tilespmem:s16], [sflag:$0x2] =	stream.indirect.gather [hbm4b:s4+s13], $0x80, s15, s13, $0xb8;
	[tilespmem:$0x1F300] =	vst v63  }
.LBB2_2:
0x27: {  	s24 =	sadd.s32 $0xFFFFFFFE, s22  }
0x28: {  	p0 =	sge.u32 s24, s5  }
0x29: {  	s24 =	sadd.s32 @!p0 s23, s8  }
0x2a: {  	s25 =	simm.s32 @!p0 $0x0;
	s26 =	simm.s32 @!p0 $0x200;
	s24 =	sadd.s32 @!p0 $0x40, s24  }
0x2b: {  	[tilespmem:s26], [sflag:$0x4] =	stream.linear.gather @!p0 [hbm4b:s24+s25], $0x100, $0x38;
	[tilespmem:$0x1F300] =	vst v63  }
0x2c: {  	s24 =	simm.s32 @!p0 $0x4  }
0x2d: {  	_ =	swait.ge @!p0 [sflag:s24], $0x100  }
0x2e: {  	[sflag:s24] =	ssyncset.done @!p0 $0x0  }
0x2f: {  	s25 =	simm.s32 @!p0 $0x7B00;
	[sflag:s24] =	ssyncadd.s32 @!p0 $0xFFFFFF00;
	s24 =	simm.s32 @!p0 $0x78  }
0x30: {  	[tilespmem:s25], [sflag:$0x3] =	stream.indirect.gather @!p0 [hbm4b:s4+s24], $0x80, s26, s24, $0xb8;
	[tilespmem:$0x1F300] =	vst v63  }
0x31: {  	_ =	swait.ge [sflag:s17], $0x3C00  }
0x32: {  	[sflag:s17] =	ssyncset.done $0x0  }
0x33: {  	s26 =	sadd.s32 $0xFFFFFFFF, s22;
	s25 =	rddreg [dreg:$0x3];
	[sflag:s17] =	ssyncadd.s32 $0xFFFFC400  }
0x34: {  	[spmem:s2] =	stream.indirect.scatter.add.f32 [tilespmem:s14], [sflag:$0x4], $0x80, s25, s13, $0xb8;
	[tilespmem:$0x1F300] =	vst v63  }
0x35: {  	p0 =	sge.u32 s26, s5;
	_ =	swait.ge [sflag:s18], $0x3C00  }
0x36: {  	s24 =	sadd.s32 @!p0 s23, s8;
	[sflag:s18] =	ssyncset.done $0x0  }
0x37: {  	s24 =	sadd.s32 @!p0 $0x60, s24;
	s25 =	simm.s32 @!p0 $0x0;
	[sflag:s18] =	ssyncadd.s32 $0xFFFFC400  }
0x38: {  	[tilespmem:s25], [sflag:$0x4] =	stream.linear.gather @!p0 [hbm4b:s24+s25], $0x100, $0x38;
	[tilespmem:$0x1F300] =	vst v63  }
0x39: {  	s24 =	simm.s32 @!p0 $0x4  }
0x3a: {  	_ =	swait.ge @!p0 [sflag:s24], $0x100  }
0x3b: {  	[sflag:s24] =	ssyncset.done @!p0 $0x0  }
0x3c: {  	s26 =	simm.s32 @!p0 $0x300;
	[sflag:s24] =	ssyncadd.s32 @!p0 $0xFFFFFF00;
	s24 =	simm.s32 @!p0 $0x78  }
0x3d: {  	[tilespmem:s26], [sflag:$0x1] =	stream.indirect.gather @!p0 [hbm4b:s4+s24], $0x80, s25, s24, $0xb8;
	[tilespmem:$0x1F300] =	vst v63  }
0x3e: {  	_ =	swait.ge [sflag:s19], $0x3C00  }
0x3f: {  	[sflag:s19] =	ssyncset.done $0x0  }
0x40: {  	s28 =	rddreg [dreg:$0x4];
	[sflag:s19] =	ssyncadd.s32 $0xFFFFC400  }
0x41: {  	[spmem:s2] =	stream.indirect.scatter.add.f32 [tilespmem:s16], [sflag:$0x4], $0x80, s28, s13, $0xb8;
	[tilespmem:$0x1F300] =	vst v63  }
0x42: {  	p0 =	sge.u32 s22, s5;
	_ =	swait.ge [sflag:s18], $0x3C00  }
0x43: {  	s24 =	sadd.s32 @!p0 s23, s8;
	s25 =	simm.s32 @!p0 $0x0;
	[sflag:s18] =	ssyncset.done $0x0  }
0x44: {  	s26 =	simm.s32 @!p0 $0x100;
	s24 =	sadd.s32 @!p0 $0x80, s24;
	[sflag:s18] =	ssyncadd.s32 $0xFFFFC400  }
0x45: {  	[tilespmem:s26], [sflag:$0x4] =	stream.linear.gather @!p0 [hbm4b:s24+s25], $0x100, $0x38;
	[tilespmem:$0x1F300] =	vst v63  }
0x46: {  	s24 =	simm.s32 @!p0 $0x4  }
0x47: {  	_ =	swait.ge @!p0 [sflag:s24], $0x100  }
0x48: {  	[sflag:s24] =	ssyncset.done @!p0 $0x0  }
0x49: {  	s25 =	simm.s32 @!p0 $0x3F00;
	[sflag:s24] =	ssyncadd.s32 @!p0 $0xFFFFFF00;
	s24 =	simm.s32 @!p0 $0x78  }
0x4a: {  	[tilespmem:s25], [sflag:$0x2] =	stream.indirect.gather @!p0 [hbm4b:s4+s24], $0x80, s26, s24, $0xb8;
	[tilespmem:$0x1F300] =	vst v63  }
0x4b: {  	_ =	swait.ge [sflag:s20], $0x3C00  }
0x4c: {  	s29 =	rddreg [dreg:$0x5];
	[sflag:s20] =	ssyncset.done $0x0  }
0x4d: {  	s30 =	rddreg [dreg:$0x6];
	[sflag:s20] =	ssyncadd.s32 $0xFFFFC400  }
0x4e: {  	[spmem:s2] =	stream.indirect.scatter.add.f32 [tilespmem:s29], [sflag:$0x4], $0x80, s30, s13, $0xb8;
	[tilespmem:$0x1F300] =	vst v63  }
0x4f: {  	_ =	swait.ge [sflag:s18], $0x3C00  }
0x50: {  	s23 =	sadd.s32 $0x60, s23;
	s31 =	rddreg [dreg:$0x7]  }
0x51: {  	p0 =	sne.s32 s31, s23  }
.Ltmp0:
0x52: {  	_ = 	snop;
	(pc) =	sbr.rel @p0 .LBB2_2-.Ltmp0, $3  }
0x53: {  	_ =	sdelay $0x1  }
0x54: {  	[sflag:s18] =	ssyncset.done $0x0  }
0x55: {  	s22 =	sadd.s32 $0x3, s22;
	[sflag:s18] =	ssyncadd.s32 $0xFFFFC400  }
0x56: {  	s21 =	sadd.s32 $0x1, s21  }
0x57: {  	p0 =	sne.s32 s21, s10  }
.Ltmp1:
0x58: {  	[bflag:$0x0] =	sbarrier.arrive $0xFFFF;
	(pc) =	sbr.rel @p0 .LBB2_1-.Ltmp1, $4  }
0x59: {  	[hbm:s11], [sflag:s7] =	dma.local [spmem:s12], $0x2780  }
0x5a: {  	_ =	swait.ge [sflag:s18], $0x2780  }
0x5b: {  	[sflag:s18] =	ssyncset.done $0x0  }
0x5c: {  	[sflag:s18] =	ssyncadd.s32 $0xFFFFD880  }
0x5d: {  	_ =	sfence.sel $0x180000  }
0x5e: {  	[bflag:$0x0] =	sbarrier.arrive $0xFFFF  }
0x5f: {  	p0 =	sne.s32 s1, $0x0;
	_ =	strace $0x9000004D  }
0x60: {  	s0 =	sadd.s32 @!p0 $0x100000, s0;
	[bflag:$0x2] =	sbarrier.arrive $0xFFFF  }
0x61: {  	[sflag:s0] =	ssyncadd.tile.s32 @!p0 $0x1;
	_ =	shalt  }
.Lfunc_end2:
_tile_overlayer_lowered:
.L_overlay_start_2:
0x62: {  	(tag) =	ssettag $0x2  }
0x63: {  	s0 =	rddreg [dreg:$0x0];
	s2 =	stileid.u32  }
0x64: {  	s1 =	rddreg [dreg:$0x1];
	p0 =	sne.s32 s2, $0x0  }
0x65: {  	s3 =	rddreg [dreg:$0x2];
	[bflag:$0x3] =	sbarrier.arrive $0xFFFF;
	s2 =	simm.s32 @!p0 $0x1C04  }
0x66: {  	[timem:s3], [sflag:s2] =	dma.local @!p0 [hbm:s0], s1  }
0x67: {  	s0 =	simm.s32 @!p0 $0x4  }
0x68: {  	_ =	swait.ge @!p0 [sflag:s0], s1  }
0x69: {  	s1 =	ssub.s32 @!p0 $0x0, s1;
	[sflag:s0] =	ssyncset.done @!p0 $0x0  }
0x6a: {  	[sflag:s0] =	ssyncadd.s32 @!p0 s1  }
0x6b: {  	[bflag:$0x3] =	sbarrier.arrive $0xFFFF  }
0x6c: {  	_ =	shalt  }

// kernel: kernel.8.cloned.1.call-start
scs
__scs_entry_jumppad:
0x0: {  	(pc) =	sbr.rel $0x88, $3  }
0x1: {  	(tag) =	ssettag $0x0;
	lr =	simm.s32 $0x1  }
0x2: {  	[smem:$0x3F9B] =	sst lr;
	_ =	strace $0xD0000000  }
0x3: {  	_ = 	snop  }
0x4: {  	_ = 	snop  }
0x5: {  	_ = 	snop  }
0x6: {  	_ = 	snop  }
0x7: {  	_ = 	snop  }
__scs_overlays_trampoline_lowered:
0x8: {  	[smem:$0x3FAA] =	sst s0  }
0x9: {  	[smem:$0x3FAB] =	sst s1  }
0xa: {  	[smem:$0x3FAC] =	sst s2  }
0xb: {  	[smem:$0x3FAD] =	sst s3  }
0xc: {  	[smem:$0x3FAE] =	sst s4  }
0xd: {  	[smem:$0x3FAF] =	sst s5  }
0xe: {  	[smem:$0x3FB0] =	sst s6  }
0xf: {  	[smem:$0x3FB1] =	sst s7  }
0x10: {  	[smem:$0x3FB2] =	sst s8  }
0x11: {  	[smem:$0x3FB3] =	sst s9;
	s0 =	simm.s32 @!p0 $0x0  }
0x12: {  	s1 =	sld [smem:$0x3F99];
	s0 =	simm.s32 @p0 $0x1  }
0x13: {  	[smem:$0x3FB4] =	sst s0;
	s0 =	simm.s32 @!p1 $0x0  }
0x14: {  	s2 =	sld [smem:$0x3F98];
	s0 =	simm.s32 @p1 $0x1  }
0x15: {  	[smem:$0x3FB5] =	sst s0;
	s0 =	simm.s32 @!p2 $0x0  }
0x16: {  	s3 =	sld [smem:$0x3FDB];
	s0 =	simm.s32 @p2 $0x1  }
0x17: {  	s4 =	simm.s32 $0x1BF5;
	[smem:$0x3FB7] =	sst s0  }
0x18: {  	s0 =	sld [smem:$0x3F9A];
	_ =	swait.ge [sflag:s4], $0x0  }
0x19: {  	s7 =	sld [smem:$0x3F9B]  }
0x1a: {  	s8 =	sadd.s32 $0xFFFFE003, lr  }
0x1b: {  	s9 =	sadd.s32 $0xFFFFFEF7, lr;
	s5 =	simm.s32 $0xFFFFFFFF;
	p2 =	slt.u32 s8, $0xFFFFF086  }
0x1c: {  	p1 =	slt.u32 s9, $0xF7A;
	s5 =	simm.s32 @!p2 $0x0  }
0x1d: {  	s5 =	simm.s32 @p1 $0x1;
	p0 =	seq.s32 s7, s2  }
0x1e: {  	s7 =	smul.u32 @!p0 $0xF7A, s2;
	p2 =	seq.s32 @!p0 s5, $0x0  }
0x1f: {  	s9 =	smul.u32 $0xF7A, s1;
	s8 =	simm.s32 @!p0 $0x1BF5;
	p2 =	por !p2, p0  }
0x20: {  	[sflag:s8] =	ssyncset.s32 @!p0 $0xFFFFF086;
	s6 =	sadd.s32 @!p0 s3, s7;
	s7 =	simm.s32 @!p0 $0x108  }
0x21: {  	s3 =	sadd.s32 s3, s9;
	s6 =	sadd.s32 @!p0 $0x88, s6;
	s7 =	simm.s32 @p2 $0x1082  }
0x22: {  	[simem:s7], [sflag:s8] =	dma.local @!p0 [hbm:s6], $0xF7A  }
0x23: {  	s9 =	sor.u32 $0xD0000000, s2;
	s6 =	simm.s32 $0x108;
	_ =	swait.ge @!p0 [sflag:s8], $0x0  }
0x24: {  	s3 =	sadd.s32 $0x88, s3;
	s6 =	simm.s32 @!p1 $0x1082;
	[sflag:s4] =	ssyncset.s32 $0xFFFFF086  }
0x25: {  	[simem:s6], [sflag:s4] =	dma.local [hbm:s3], $0xF7A  }
0x26: {  	[smem:$0x3F9B] =	sst s1;
	(tag) =	ssettag s2;
	_ =	strace s9  }
0x27: {  	s1 =	sld [smem:$0x3FAB]  }
0x28: {  	s2 =	sld [smem:$0x3FAC]  }
0x29: {  	s4 =	sld [smem:$0x3FAE]  }
0x2a: {  	p0 =	seq.s32 s5, $0x0;
	s5 =	sld [smem:$0x3FAF]  }
0x2b: {  	s6 =	sld [smem:$0x3FB0]  }
0x2c: {  	s7 =	sld [smem:$0x3FB1]  }
0x2d: {  	s3 =	simm.s32 $0x108;
	s8 =	sld [smem:$0x3FB2]  }
0x2e: {  	s3 =	simm.s32 @!p0 $0x1082;
	s9 =	sld [smem:$0x3FB3]  }
0x2f: {  	lr =	sadd.s32 s0, s3;
	s0 =	sld [smem:$0x3FAA]  }
0x30: {  	s3 =	sld [smem:$0x3FAD]  }
0x31: {  	[smem:$0x3FB6] =	sst s10  }
0x32: {  	s10 =	sld [smem:$0x3FB4];
	_ =	sdelay $0x3  }
0x33: {  	p0 =	seq.s32 s10, $0x1;
	s10 =	sld [smem:$0x3FB6];
	_ =	sdelay $0x3  }
0x34: {  	[smem:$0x3FB6] =	sst s10  }
0x35: {  	s10 =	sld [smem:$0x3FB5];
	_ =	sdelay $0x3  }
0x36: {  	p1 =	seq.s32 s10, $0x1;
	s10 =	sld [smem:$0x3FB6];
	_ =	sdelay $0x3  }
0x37: {  	[smem:$0x3FB6] =	sst s10  }
0x38: {  	s10 =	sld [smem:$0x3FB7]  }
0x39: {  	_ = 	snop;
	(pc) =	sbr.ind lr, $3  }
0x3a: {  	_ = 	snop  }
0x3b: {  	_ = 	snop  }
0x3c: {  	p2 =	seq.s32 s10, $0x1;
	s10 =	sld [smem:$0x3FB6]  }
0x3d: {  	_ =	shalt  }
0x3e: {  	_ =	shalt  }
0x3f: {  	_ =	shalt  }
0x40: {  	_ =	shalt  }
0x41: {  	_ =	shalt  }
0x42: {  	_ =	shalt  }
0x43: {  	_ =	shalt  }
0x44: {  	_ =	shalt  }
0x45: {  	_ =	shalt  }
0x46: {  	_ =	shalt  }
0x47: {  	_ =	shalt  }
0x48: {  	_ =	shalt  }
0x49: {  	_ =	shalt  }
0x4a: {  	_ =	shalt  }
0x4b: {  	_ =	shalt  }
0x4c: {  	_ =	shalt  }
0x4d: {  	_ =	shalt  }
0x4e: {  	_ =	shalt  }
0x4f: {  	_ =	shalt  }
0x50: {  	_ =	shalt  }
0x51: {  	_ =	shalt  }
0x52: {  	_ =	shalt  }
0x53: {  	_ =	shalt  }
0x54: {  	_ =	shalt  }
0x55: {  	_ =	shalt  }
0x56: {  	_ =	shalt  }
0x57: {  	_ =	shalt  }
0x58: {  	_ =	shalt  }
0x59: {  	_ =	shalt  }
0x5a: {  	_ =	shalt  }
0x5b: {  	_ =	shalt  }
0x5c: {  	_ =	shalt  }
0x5d: {  	_ =	shalt  }
0x5e: {  	_ =	shalt  }
0x5f: {  	_ =	shalt  }
0x60: {  	_ =	shalt  }
0x61: {  	_ =	shalt  }
0x62: {  	_ =	shalt  }
0x63: {  	_ =	shalt  }
0x64: {  	_ =	shalt  }
0x65: {  	_ =	shalt  }
0x66: {  	_ =	shalt  }
0x67: {  	_ =	shalt  }
0x68: {  	_ =	shalt  }
0x69: {  	_ =	shalt  }
0x6a: {  	_ =	shalt  }
0x6b: {  	_ =	shalt  }
0x6c: {  	_ =	shalt  }
0x6d: {  	_ =	shalt  }
0x6e: {  	_ =	shalt  }
0x6f: {  	_ =	shalt  }
0x70: {  	_ =	shalt  }
0x71: {  	_ =	shalt  }
0x72: {  	_ =	shalt  }
0x73: {  	_ =	shalt  }
0x74: {  	_ =	shalt  }
0x75: {  	_ =	shalt  }
0x76: {  	_ =	shalt  }
0x77: {  	_ =	shalt  }
0x78: {  	_ =	shalt  }
0x79: {  	_ =	shalt  }
0x7a: {  	_ =	shalt  }
0x7b: {  	_ =	shalt  }
0x7c: {  	_ =	shalt  }
0x7d: {  	_ =	shalt  }
0x7e: {  	_ =	shalt  }
0x7f: {  	_ =	shalt  }
0x80: {  	_ =	shalt  }
0x81: {  	_ =	shalt  }
0x82: {  	_ =	shalt  }
0x83: {  	_ =	shalt  }
0x84: {  	_ =	shalt  }
0x85: {  	_ =	shalt  }
0x86: {  	_ =	shalt  }
0x87: {  	_ =	shalt  }
.Lfunc_end0:
.L_simem_size_0:
called_computation_lowered:
.L_overlay_start_0:
0x88: {  	s2 =	sld [smem:$0x3FD9]  }
0x89: {  	s3 =	sld [smem:$0x3FFE];
	_ =	sdelay $0x1  }
0x8a: {  	s1 =	srdreg.scid  }
0x8b: {  	s0 =	sand.u32 $0x1, s1  }
0x8c: {  	s17 =	sshll.u32 s0, $0xA;
	s2 =	sadd.s32 s3, s2  }
0x8d: {  	s2 =	sadd.s32 s2, s17  }
0x8e: {  	[smem:$0x3FC2] =	sst s2  }
0x8f: {  	_ = 	snop  }
0x90: {  	s2 =	sld [smem:$0x3FD0];
	(tm) =	ssettm $0x1  }
0x91: {  	s18 =	sld [smem:$0x3FFB];
	_ =	sdelay $0x3  }
0x92: {  	_ =	strace s18  }
0x93: {  	s3 =	sld [smem:$0x3FFC];
	_ =	sdelay $0x3  }
0x94: {  	_ =	strace s3  }
0x95: {  	s3 =	sld [smem:$0x3FFD];
	_ =	sdelay $0x3  }
0x96: {  	_ =	strace s3  }
0x97: {  	_ =	strace $0x8FFFFFFF  }
0x98: {  	s19 =	sld [smem:$0x3FDB];
	_ =	sdelay $0x1  }
0x99: {  	s4 =	simm.s32 $_scs_section_size  }
0x9a: {  	s5 =	simm.s32 $_size__tile_overlayer_lowered;
	s6 =	simm.s32 $_tile_overlayer_lowered  }
0x9b: {  	s22 =	simm.s32 $0x1BFF;
	s21 =	sshll.u32 s6, $0x1;
	s3 =	sadd.s32 s4, s19  }
0x9c: {  	s7 =	simm.s32 $0x0;
	s20 =	sshll.u32 s5, $0x1;
	s5 =	sadd.s32 s21, s3  }
0x9d: {  	[timem:s7], [sflag:s22] =	dma.local [hbm:s5], s20  }
0x9e: {  	_ =	swait.ge [sflag:s22], s20  }
0x9f: {  	s4 =	ssub.s32 $0x0, s20;
	[sflag:s22] =	ssyncset.done $0x0  }
0xa0: {  	[sflag:s22] =	ssyncadd.s32 s4;
	_ =	sdelay $0x1  }
0xa1: {  	s23 =	simm.s32 $0x1B8B  }
0xa2: {  	_ =	swait.ge [sflag:s23], $0x1  }
0xa3: {  	[sflag:s23] =	ssyncset.done $0x0  }
0xa4: {  	s25 =	simm.s32 $0x1B8E;
	s24 =	sld [smem:$0x3FFE];
	[sflag:s23] =	ssyncadd.s32 $0xFFFFFFFF  }
0xa5: {  	s26 =	simm.s32 $execute0_lowered;
	[smem:$0x3FD2] =	sst s25  }
0xa6: {  	s5 =	sshll.u32 s26, $0x1;
	_ =	strace $0x80000046;
	[dreg:$0x1] =	wrdreg $0xFFFFFFFF  }
0xa7: {  	s28 =	simm.s32 $_size_execute0_lowered;
	s3 =	sadd.s32 s3, s5;
	[dreg:$0x0] =	wrdreg $0x0  }
0xa8: {  	s5 =	sshll.u32 s28, $0x1;
	[dreg:$0x2] =	wrdreg s3  }
0xa9: {  	[dreg:$0x3] =	wrdreg s5  }
0xaa: {  	[dreg:$0x4] =	wrdreg $0xC0  }
0xab: {  	_ =	task [dreg:s7], $0x5FFFF  }
0xac: {  	[dreg:$0x1] =	wrdreg $0xFFFFFFFF  }
0xad: {  	[dreg:$0x0] =	wrdreg $0x60  }
0xae: {  	[dreg:$0x2] =	wrdreg s2  }
0xaf: {  	[dreg:$0x3] =	wrdreg s24  }
0xb0: {  	[dreg:$0x4] =	wrdreg $0x3D000  }
0xb1: {  	[dreg:$0x5] =	wrdreg $0x9  }
0xb2: {  	_ =	task.clear_ibuf [dreg:s7], $0x6FFFF;
	_ =	strace $0x90000046  }
0xb3: {  	s29 =	simm.s32 $0x9;
	_ =	strace $0x80000048  }
0xb4: {  	_ =	swait.ge [sflag:s29], $0x1  }
0xb5: {  	[sflag:s29] =	ssyncadd.s32 $0xFFFFFFFF  }
0xb6: {  	_ =	strace $0x90000048  }
0xb7: {  	_ =	sfence  }
0xb8: {  	s30 =	sld [smem:$0x0];
	_ =	sdelay $0x2  }
0xb9: {  	s31 =	sshll.u32 s1, $0xD;
	s1 =	sshrl.u32 s1, $0x2  }
0xba: {  	s3 =	sand.u32 $0x4000, s31;
	s1 =	sadd.s32 s1, s30  }
0xbb: {  	s0 =	sor.u32 s3, s0;
	s1 =	sshll.u32 s1, $0x11  }
0xbc: {  	s0 =	sor.u32 s1, s0  }
0xbd: {  	s0 =	sadd.s32 $0x8F2B, s0  }
0xbe: {  	[sflag:s0] =	ssyncadd.remote.s32 $0x1  }
0xbf: {  	_ =	sfence.sel $0xFFFF  }
0xc0: {  	[dreg:$0x0] =	wrdreg $0xFFFFFFFF;
	(pc) =	sbr.abs _section_cstart, $3  }
0xc1: {  	[dreg:$0x1] =	wrdreg $0xFFFFFFFF  }
0xc2: {  	_ =	task.clear_ibuf [dreg:s7], $0x2FFFF;
	_ =	strace $0x9FFFFFFF  }
0xc3: {  	(tm) =	ssettm $0x7FFFFFFF  }
tec
execute0_lowered:
.L_overlay_start_1:
0x0: {  	(tag) =	ssettag $0x1  }
0x1: {  	s2 =	rddreg [dreg:$0x0]  }
0x2: {  	s5 =	rddreg [dreg:$0x1]  }
0x3: {  	s3 =	rddreg [dreg:$0x2]  }
0x4: {  	s1 =	stileid.u32;
	s0 =	rddreg [dreg:$0x3]  }
0x5: {  	s4 =	simm.s32 $0x0;
	s28 =	srdreg.scid;
	s17 =	simm.s32 $0x80  }
0x6: {  	s18 =	simm.s32 $0x1;
	s19 =	simm.s32 $0x78;
	s20 =	simm.s32 $0x2  }
0x7: {  	s21 =	simm.s32 $0x0;
	s6 =	smul.u32 $0x2780, s1;
	[smem:$0x7FF] =	sst s4  }
0x8: {  	s8 =	sand.u32 $0x1, s28;
	s29 =	smul.u32 $0x4F000, s1;
	s7 =	sshll.u32 s1, $0x1  }
0x9: {  	s30 =	smul.u32 $0x4EC0, s1;
	s15 =	sshll.u32 s1, $0x6;
	_ =	strace $0x80000047  }
0xa: {  	s9 =	ssub.s32 $0x2, s8;
	s7 =	sor.u32 s8, s7;
	s14 =	smul.u32 $0x2760, s8  }
0xb: {  	p0 =	seq.s32 s8, $0x1;
	s15 =	sor.u32 $0x1C03, s15;
	s10 =	sadd.s32 s6, s5  }
0xc: {  	s11 =	sshrl.u32 s9, $0x1;
	s6 =	sshrl.u32 s29, $0x2;
	s7 =	smul.u32 $0x2760, s7  }
0xd: {  	s5 =	sadd.s32 $0x3800, s5;
	s9 =	ssub.s32 s9, s11;
	s16 =	sadd.s32 s6, s3  }
0xe: {  	s6 =	sadd.s32 $0x4000, s10;
	s14 =	sadd.s32 s14, s30;
	s12 =	sshrl.u32 s7, $0x3  }
0xf: {  	s13 =	sadd.s32 $0x78, s7;
	s11 =	sadd.s32 $0x168, s14;
	s9 =	smax.u32 s9, $0x1  }
0x10: {  	s16 =	sshrl.u32 s16, $0x3;
	s7 =	sadd.s32 s2, s12;
	s31 =	sshrl.u32 s13, $0x3  }
0x11: {  	s13 =	simm.s32 $0x53000;
	s11 =	sshrl.u32 s11, $0x3;
	s12 =	sadd.s32 $0xF0, s14  }
0x12: {  	s14 =	simm.s32 $0x3;
	s8 =	sadd.s32 s2, s31;
	s13 =	simm.s32 @!p0 $0x2B800  }
0x13: {  	s11 =	sadd.s32 s11, s2;
	s10 =	sadd.s32 s13, s10;
	s13 =	simm.s32 $0x100  }
.LBB2_1:
0x14: {  	[tilespmem:s13], [sflag:$0x3] =	stream.linear.gather [hbm4b:s5+s4], $0x3C00, $0x38;
	[tilespmem:$0x17900] =	vst v63  }
0x15: {  	_ =	swait.ge [sflag:s14], $0x3C00  }
0x16: {  	[sflag:s14] =	ssyncset.done $0x0  }
0x17: {  	[sflag:s14] =	ssyncadd.s32 $0xFFFFC400  }
0x18: {  	[spmem:s16], [sflag:s15] =	dma.local [hbm:s6], $0x2780  }
0x19: {  	_ =	swait.ge [sflag:s14], $0x2780  }
0x1a: {  	[sflag:s14] =	ssyncset.done $0x0  }
0x1b: {  	[sflag:s14] =	ssyncadd.s32 $0xFFFFD880  }
0x1c: {  	[bflag:$0x0] =	sbarrier.arrive $0xFFFF  }
0x1d: {  	[tilespmem:s4], [sflag:$0x1] =	stream.linear.gather [hbm4b:s7+s4], $0x78, $0x38;
	[tilespmem:$0x17900] =	vst v63  }
0x1e: {  	_ = 	snop  }
0x1f: {  	[tilespmem:s17], [sflag:$0x2] =	stream.linear.gather [hbm4b:s8+s4], $0x78, $0x38;
	[tilespmem:$0x17900] =	vst v63  }
0x20: {  	_ =	swait.ge [sflag:s18], $0x78  }
0x21: {  	[sflag:s18] =	ssyncset.done $0x0  }
0x22: {  	[sflag:s18] =	ssyncadd.s32 $0xFFFFFF88  }
0x23: {  	[spmem:s3] =	stream.indirect.scatter.add.f32 [tilespmem:s13], [sflag:$0x3], $0x80, s4, s19, $0xb8;
	[tilespmem:$0x17900] =	vst v63  }
0x24: {  	_ =	swait.ge [sflag:s14], $0x3C00  }
0x25: {  	s22 =	sshrl.u32 s12, $0x3;
	[sflag:s14] =	ssyncset.done $0x0  }
0x26: {  	s22 =	sadd.s32 s2, s22;
	[sflag:s14] =	ssyncadd.s32 $0xFFFFC400  }
0x27: {  	[tilespmem:s4], [sflag:$0x1] =	stream.linear.gather [hbm4b:s22+s4], $0x78, $0x38;
	[tilespmem:$0x17900] =	vst v63  }
0x28: {  	_ =	swait.ge [sflag:s20], $0x78  }
0x29: {  	[sflag:s20] =	ssyncset.done $0x0  }
0x2a: {  	[sflag:s20] =	ssyncadd.s32 $0xFFFFFF88  }
0x2b: {  	[spmem:s3] =	stream.indirect.scatter.add.f32 [tilespmem:s13], [sflag:$0x3], $0x80, s17, s19, $0xb8;
	[tilespmem:$0x17900] =	vst v63  }
0x2c: {  	_ =	swait.ge [sflag:s14], $0x3C00  }
0x2d: {  	s24 =	sadd.s32 $0x0, s11;
	[sflag:s14] =	ssyncset.done $0x0  }
0x2e: {  	s23 =	sadd.s32 $0xF0, s12;
	s22 =	simm.s32 $0x1E;
	[sflag:s14] =	ssyncadd.s32 $0xFFFFC400  }
.LBB2_2:
0x2f: {  	[tilespmem:s17], [sflag:$0x2] =	stream.linear.gather [hbm4b:s24+s4], $0x78, $0x38;
	[tilespmem:$0x17900] =	vst v63  }
0x30: {  	s24 =	smov.u32 s22  }
0x31: {  	p0 =	sne.s32 s22, $0x4B0;
	s22 =	sadd.s32 $0x1E, s22;
	_ =	swait.ge [sflag:s18], $0x78  }
0x32: {  	[sflag:s18] =	ssyncset.done $0x0  }
0x33: {  	[sflag:s18] =	ssyncadd.s32 $0xFFFFFF88  }
0x34: {  	[spmem:s3] =	stream.indirect.scatter.add.f32 [tilespmem:s13], [sflag:$0x3], $0x80, s4, s19, $0xb8;
	[tilespmem:$0x17900] =	vst v63  }
0x35: {  	_ =	swait.ge [sflag:s14], $0x3C00  }
0x36: {  	s25 =	sshrl.u32 s23, $0x3;
	[sflag:s14] =	ssyncset.done $0x0  }
0x37: {  	s25 =	sadd.s32 s2, s25;
	[sflag:s14] =	ssyncadd.s32 $0xFFFFC400  }
0x38: {  	[tilespmem:s4], [sflag:$0x1] =	stream.linear.gather [hbm4b:s25+s4], $0x78, $0x38;
	[tilespmem:$0x17900] =	vst v63  }
0x39: {  	_ =	swait.ge [sflag:s20], $0x78  }
0x3a: {  	[sflag:s20] =	ssyncset.done $0x0  }
.Ltmp0:
0x3b: {  	[sflag:s20] =	ssyncadd.s32 $0xFFFFFF88;
	(pc) =	sbr.rel @p0 .LBB2_2-.Ltmp0, $4  }
0x3c: {  	[spmem:s3] =	stream.indirect.scatter.add.f32 [tilespmem:s13], [sflag:$0x3], $0x80, s17, s19, $0xb8;
	[tilespmem:$0x17900] =	vst v63  }
0x3d: {  	_ =	swait.ge [sflag:s14], $0x3C00  }
0x3e: {  	[sflag:s14] =	ssyncset.done $0x0  }
0x3f: {  	s23 =	sadd.s32 $0xF0, s23;
	s24 =	sadd.s32 s24, s11;
	[sflag:s14] =	ssyncadd.s32 $0xFFFFC400  }
0x40: {  	[tilespmem:s17], [sflag:$0x2] =	stream.linear.gather [hbm4b:s24+s4], $0x78, $0x38;
	[tilespmem:$0x17900] =	vst v63  }
0x41: {  	_ =	swait.ge [sflag:s18], $0x78  }
0x42: {  	[sflag:s18] =	ssyncset.done $0x0  }
0x43: {  	[sflag:s18] =	ssyncadd.s32 $0xFFFFFF88  }
0x44: {  	[spmem:s3] =	stream.indirect.scatter.add.f32 [tilespmem:s13], [sflag:$0x3], $0x80, s4, s19, $0xb8;
	[tilespmem:$0x17900] =	vst v63  }
0x45: {  	_ =	swait.ge [sflag:s14], $0x3C00  }
0x46: {  	[sflag:s14] =	ssyncset.done $0x0  }
0x47: {  	[sflag:s14] =	ssyncadd.s32 $0xFFFFC400  }
0x48: {  	_ =	swait.ge [sflag:s20], $0x78  }
0x49: {  	[sflag:s20] =	ssyncset.done $0x0  }
0x4a: {  	[sflag:s20] =	ssyncadd.s32 $0xFFFFFF88  }
0x4b: {  	[spmem:s3] =	stream.indirect.scatter.add.f32 [tilespmem:s13], [sflag:$0x3], $0x80, s17, s19, $0xb8;
	[tilespmem:$0x17900] =	vst v63  }
0x4c: {  	_ =	swait.ge [sflag:s14], $0x3C00  }
0x4d: {  	s21 =	sadd.s32 $0x1, s21;
	[sflag:s14] =	ssyncset.done $0x0  }
0x4e: {  	p0 =	sne.s32 s21, s9;
	[sflag:s14] =	ssyncadd.s32 $0xFFFFC400  }
.Ltmp1:
0x4f: {  	[bflag:$0x0] =	sbarrier.arrive $0xFFFF;
	(pc) =	sbr.rel @p0 .LBB2_1-.Ltmp1, $4  }
0x50: {  	[hbm:s10], [sflag:s15] =	dma.local [spmem:s16], $0x2780  }
0x51: {  	_ =	swait.ge [sflag:s14], $0x2780  }
0x52: {  	[sflag:s14] =	ssyncset.done $0x0  }
0x53: {  	[sflag:s14] =	ssyncadd.s32 $0xFFFFD880  }
0x54: {  	_ =	sfence.sel $0x180000  }
0x55: {  	[bflag:$0x0] =	sbarrier.arrive $0xFFFF  }
0x56: {  	p0 =	sne.s32 s1, $0x0;
	_ =	strace $0x90000047  }
0x57: {  	s0 =	sadd.s32 @!p0 $0x100000, s0;
	[bflag:$0x2] =	sbarrier.arrive $0xFFFF  }
0x58: {  	[sflag:s0] =	ssyncadd.tile.s32 @!p0 $0x1;
	_ =	shalt  }
.Lfunc_end2:
_tile_overlayer_lowered:
.L_overlay_start_2:
0x59: {  	(tag) =	ssettag $0x2  }
0x5a: {  	s0 =	rddreg [dreg:$0x0];
	s2 =	stileid.u32  }
0x5b: {  	s1 =	rddreg [dreg:$0x1];
	p0 =	sne.s32 s2, $0x0  }
0x5c: {  	s3 =	rddreg [dreg:$0x2];
	[bflag:$0x3] =	sbarrier.arrive $0xFFFF;
	s2 =	simm.s32 @!p0 $0x1C03  }
0x5d: {  	[timem:s3], [sflag:s2] =	dma.local @!p0 [hbm:s0], s1  }
0x5e: {  	s0 =	simm.s32 @!p0 $0x3  }
0x5f: {  	_ =	swait.ge @!p0 [sflag:s0], s1  }
0x60: {  	s1 =	ssub.s32 @!p0 $0x0, s1;
	[sflag:s0] =	ssyncset.done @!p0 $0x0  }
0x61: {  	[sflag:s0] =	ssyncadd.s32 @!p0 s1  }
0x62: {  	[bflag:$0x3] =	sbarrier.arrive $0xFFFF  }
0x63: {  	_ =	shalt  }

</sc_bundles>
